<compile_context>
chip_gen: v7x
topology: tpu7x:2x2x1
jax: 0.10.2.dev20260603
libtpu: 0.0.44.dev20260713+nightly
codegen_flags: <defaults>
</compile_context>

<pallas_src>
import functools

import jax
import jax.numpy as jnp
from jax import lax
from jax.experimental import pallas as pl
from jax.experimental.pallas import tpu as pltpu
from jax.experimental.pallas import tpu_sc as plsc

B = 16384
D = 64
NC = 2
NS = 16
NW = NC * NS

SB = 16384
BPW = SB // NW
CHUNK = 2048


def _sc_gather(uidx, iidx, eug, eig, eum, eim):
    mesh = plsc.VectorSubcoreMesh(core_axis_name="c", subcore_axis_name="s")
    out_type = tuple(
        jax.ShapeDtypeStruct((SB, D), jnp.float32) for _ in range(4)
    )
    CH = max(d for d in (256, 192, 128, 64, 32, 16) if BPW % d == 0)
    scratch_types = [
        pltpu.VMEM((BPW,), jnp.int32),
        pltpu.VMEM((CH, D), jnp.float32),
        pltpu.VMEM((CH, D), jnp.float32),
        pltpu.SemaphoreType.DMA,
        pltpu.SemaphoreType.DMA,
    ]

    def body(u_hbm, i_hbm, t0, t1, t2, t3, o0, o1, o2, o3,
             idx_v, buf0, buf1, sem0, sem1):
        wid = lax.axis_index("s") * NC + lax.axis_index("c")
        base = wid * BPW

        def pass_over(idx_hbm, ta, tb, oa, ob):
            pltpu.sync_copy(idx_hbm.at[pl.ds(base, BPW)], idx_v)
            for c in range(BPW // CH):
                off = c * CH

                def grp(g, _):
                    r0 = g * 16
                    v = idx_v[pl.ds(off + r0, 16)]
                    for j in range(16):
                        s = v[j]
                        pltpu.async_copy(
                            ta.at[pl.ds(s, 1)], buf0.at[pl.ds(r0 + j, 1)],
                            sem0)
                        pltpu.async_copy(
                            tb.at[pl.ds(s, 1)], buf1.at[pl.ds(r0 + j, 1)],
                            sem1)
                    return _

                lax.fori_loop(0, CH // 16, grp, 0)
                pltpu.make_async_copy(ta.at[pl.ds(0, CH)], buf0, sem0).wait()
                pltpu.make_async_copy(tb.at[pl.ds(0, CH)], buf1, sem1).wait()
                pltpu.sync_copy(buf0, oa.at[pl.ds(base + off, CH)])
                pltpu.sync_copy(buf1, ob.at[pl.ds(base + off, CH)])

        pass_over(u_hbm, t0, t2, o0, o2)
        pass_over(i_hbm, t1, t3, o1, o3)

    return pl.kernel(
        body, out_type=out_type, mesh=mesh, scratch_types=scratch_types,
        compiler_params=pltpu.CompilerParams(use_tc_tiling_on_sc=True),
    )(uidx, iidx, eug, eig, eum, eim)


def _dense(gu, gi, mu, mi, au, ai, b12, kg, k3, m1p, m2t, m2b, m3r, m3b):
    f32 = jnp.float32
    p = gu * gi
    h2 = jnp.maximum(
        jnp.dot(mu, au, preferred_element_type=f32)
        + jnp.dot(mi, ai, preferred_element_type=f32)
        + b12, 0.0)
    z1 = jnp.maximum(
        jnp.dot(p, kg, preferred_element_type=f32)
        + jnp.dot(h2, k3, preferred_element_type=f32)
        + m1p, 0.0)
    z2 = jnp.maximum(
        jnp.dot(z1, m2t, preferred_element_type=f32) + m2b, 0.0)
    s = jnp.sum(z2 * m3r, axis=1) + m3b[0, 0]
    return 1.0 / (1.0 + jnp.exp(-s))


def _tc_dense_body(gu, gi, mu, mi, au, ai, b12, kg, k3, m1p, m2t, m2b, m3r,
                   m3b, out):
    out[...] = _dense(
        gu[...], gi[...], mu[...], mi[...], au[...], ai[...], b12[...],
        kg[...], k3[...], m1p[...], m2t[...], m2b[...], m3r[...], m3b[...])


def _tc_gather_dense_body(us, isx, t0, t1, t2, t3, au, ai, b12, kg, k3, m1p,
                          m2t, m2b, m3r, m3b, out, gu, gi, mu, mi, sem0,
                          sem1, sem2, sem3):
    def row(r, _):
        su = us[r]
        si = isx[r]
        pltpu.async_copy(t0.at[pl.ds(su, 1)], gu.at[pl.ds(r, 1)], sem0)
        pltpu.async_copy(t1.at[pl.ds(si, 1)], gi.at[pl.ds(r, 1)], sem1)
        pltpu.async_copy(t2.at[pl.ds(su, 1)], mu.at[pl.ds(r, 1)], sem2)
        pltpu.async_copy(t3.at[pl.ds(si, 1)], mi.at[pl.ds(r, 1)], sem3)
        return _

    lax.fori_loop(0, CHUNK, row, 0)
    pltpu.make_async_copy(t0.at[pl.ds(0, CHUNK)], gu, sem0).wait()
    pltpu.make_async_copy(t1.at[pl.ds(0, CHUNK)], gi, sem1).wait()
    pltpu.make_async_copy(t2.at[pl.ds(0, CHUNK)], mu, sem2).wait()
    pltpu.make_async_copy(t3.at[pl.ds(0, CHUNK)], mi, sem3).wait()
    out[...] = _dense(
        gu[...], gi[...], mu[...], mi[...], au[...], ai[...], b12[...],
        kg[...], k3[...], m1p[...], m2t[...], m2b[...], m3r[...], m3b[...])


def _fold_weights(Wg, W1, b1, W2, b2, W3, b3, M1, m1, M2, m2, M3, m3):
    W12 = W2 @ W1
    b12 = (W2 @ b1 + b2)[None, :]
    Au = W12[:, :D].T
    Ai = W12[:, D:].T
    Kg = (M1[:, :8] @ Wg).T
    K3 = (M1[:, 8:] @ W3).T
    m1p = (m1 + M1[:, 8:] @ b3)[None, :]
    return Au, Ai, b12, Kg, K3, m1p, M2.T, m2[None, :], M3, m3[None, :]


def kernel(user_indices, item_indices, Eug, Eig, Eum, Eim, Wg, W1, b1, W2,
           b2, W3, b3, M1, m1, M2, m2, M3, m3):
    uidx = user_indices.astype(jnp.int32)
    iidx = item_indices.astype(jnp.int32)

    folded = _fold_weights(Wg, W1, b1, W2, b2, W3, b3, M1, m1, M2, m2, M3,
                           m3)
    wspecs = [
        pl.BlockSpec(s, lambda i: tuple(0 for _ in s))
        for s in [(D, D), (D, D), (1, D), (D, 16), (D, 16), (1, 16),
                  (16, 8), (1, 8), (1, 8), (1, 1)]
    ]

    gu, gi, mu, mi = _sc_gather(uidx[:SB], iidx[:SB], Eug, Eig, Eum, Eim)

    BT = B - SB
    if BT:
        any_spec = pl.BlockSpec(memory_space=pltpu.MemorySpace.HBM)
        idx_spec = pl.BlockSpec((CHUNK,), lambda i: (i,),
                                memory_space=pltpu.MemorySpace.SMEM)
        out_tc = pl.pallas_call(
            _tc_gather_dense_body,
            grid=(BT // CHUNK,),
            in_specs=[idx_spec, idx_spec] + [any_spec] * 4 + wspecs,
            out_specs=pl.BlockSpec((CHUNK,), lambda i: (i,)),
            out_shape=jax.ShapeDtypeStruct((BT,), jnp.float32),
            scratch_shapes=[pltpu.VMEM((CHUNK, D), jnp.float32)] * 4
            + [pltpu.SemaphoreType.DMA] * 4,
        )(uidx[SB:], iidx[SB:], Eug, Eig, Eum, Eim, *folded)

    data_spec = pl.BlockSpec((CHUNK, D), lambda i: (i, 0))
    out_sc = pl.pallas_call(
        _tc_dense_body,
        grid=(SB // CHUNK,),
        in_specs=[data_spec] * 4 + wspecs,
        out_specs=pl.BlockSpec((CHUNK,), lambda i: (i,)),
        out_shape=jax.ShapeDtypeStruct((SB,), jnp.float32),
    )(gu, gi, mu, mi, *folded)

    if BT:
        return jnp.concatenate([out_sc, out_tc])
    return out_sc

# --- scband reference (transcript-rebuilt; emitter-appended) ---
"""Pipeline reference for scband-neu-mf-60516089200938 (READ-ONLY COPY).

The authoritative reference and input builder live on the scoring server;
editing this copy changes nothing except your own understanding.
"""

import jax, jax.numpy as jnp
import numpy as np

NUM_USERS = 1000000
NUM_ITEMS = 1000000
FACTOR = 64
BATCH = 16384

def setup_inputs(seed: int = 0) -> dict:
    key = jax.random.key(seed)
    ks = [jax.random.fold_in(key, i) for i in range(32)]
    user_indices = jax.random.randint(ks[0], (BATCH,), 0, NUM_USERS, dtype=jnp.int64) if jax.config.jax_enable_x64 else jax.random.randint(ks[0], (BATCH,), 0, NUM_USERS).astype(jnp.int32)
    item_indices = jax.random.randint(ks[1], (BATCH,), 0, NUM_ITEMS).astype(user_indices.dtype)
    s = 0.05
    Eug = jax.random.normal(ks[2], (NUM_USERS, FACTOR), dtype=jnp.float32) * s
    Eig = jax.random.normal(ks[3], (NUM_ITEMS, FACTOR), dtype=jnp.float32) * s
    Eum = jax.random.normal(ks[4], (NUM_USERS, FACTOR), dtype=jnp.float32) * s
    Eim = jax.random.normal(ks[5], (NUM_ITEMS, FACTOR), dtype=jnp.float32) * s
    Wg = jax.random.normal(ks[6], (8, FACTOR), dtype=jnp.float32) * s
    W1 = jax.random.normal(ks[7], (128, 128), dtype=jnp.float32) * s
    b1 = jnp.zeros((128,), dtype=jnp.float32)
    W2 = jax.random.normal(ks[8], (64, 128), dtype=jnp.float32) * s
    b2 = jnp.zeros((64,), dtype=jnp.float32)
    W3 = jax.random.normal(ks[9], (8, 64), dtype=jnp.float32) * s
    b3 = jnp.zeros((8,), dtype=jnp.float32)
    M1 = jax.random.normal(ks[10], (16, 16), dtype=jnp.float32) * s
    m1 = jnp.zeros((16,), dtype=jnp.float32)
    M2 = jax.random.normal(ks[11], (8, 16), dtype=jnp.float32) * s
    m2 = jnp.zeros((8,), dtype=jnp.float32)
    M3 = jax.random.normal(ks[12], (1, 8), dtype=jnp.float32) * s
    m3 = jnp.zeros((1,), dtype=jnp.float32)
    return {"user_indices": user_indices, "item_indices": item_indices,
            "Eug": Eug, "Eig": Eig, "Eum": Eum, "Eim": Eim,
            "Wg": Wg, "W1": W1, "b1": b1, "W2": W2, "b2": b2, "W3": W3, "b3": b3,
            "M1": M1, "m1": m1, "M2": M2, "m2": m2, "M3": M3, "m3": m3}


def reference(user_indices, item_indices, Eug, Eig, Eum, Eim, Wg, W1, b1, W2, b2, W3, b3, M1, m1, M2, m2, M3, m3):
    # GMF branch (dropout p=0 -> identity at inference)
    ue_g = jnp.take(Eug, user_indices, axis=0)
    ie_g = jnp.take(Eig, item_indices, axis=0)
    element_product = ue_g * ie_g
    ratings_gmf = element_product @ Wg.T  # [B, 8], no bias
    # MLP branch
    ue_m = jnp.take(Eum, user_indices, axis=0)
    ie_m = jnp.take(Eim, item_indices, axis=0)
    vector = jnp.concatenate([ue_m, ie_m], axis=-1)  # [B, 128]
    h = vector @ W1.T + b1          # Linear(128,128)
    h = h @ W2.T + b2               # Linear(128,64)
    h = jax.nn.relu(h)
    h = h @ W3.T + b3               # Linear(64,8); trailing ReLU popped
    ratings = jnp.concatenate([ratings_gmf, h], axis=1)  # [B, 16]
    z = jax.nn.relu(ratings @ M1.T + m1)
    z = jax.nn.relu(z @ M2.T + m2)
    z = jax.nn.sigmoid(z @ M3.T + m3)
    return jnp.squeeze(z)

if __name__ == "__main__":
    import jax
    _d = setup_inputs()
    print(jax.jit(kernel)(*tuple(_d.values())))

</pallas_src>

<mosaic_0001>
#map = affine_map<(d0, d1) -> (0)>
#map1 = affine_map<(d0, d1) -> (0, 0)>
module attributes {stable_mosaic.version = 14 : i64} {
  func.func @body(%arg0: i32, %arg1: i32, %arg2: memref<16384xi32, #tpu.memory_space<hbm>>, %arg3: memref<16384xi32, #tpu.memory_space<hbm>>, %arg4: memref<1000000x64xf32, #tpu.memory_space<hbm>>, %arg5: memref<1000000x64xf32, #tpu.memory_space<hbm>>, %arg6: memref<1000000x64xf32, #tpu.memory_space<hbm>>, %arg7: memref<1000000x64xf32, #tpu.memory_space<hbm>>, %arg8: memref<16384x64xf32, #tpu.memory_space<hbm>>, %arg9: memref<16384x64xf32, #tpu.memory_space<hbm>>, %arg10: memref<16384x64xf32, #tpu.memory_space<hbm>>, %arg11: memref<16384x64xf32, #tpu.memory_space<hbm>>, %arg12: memref<512xi32, #tpu.memory_space<vmem>>, %arg13: memref<256x64xf32, #tpu.memory_space<vmem>>, %arg14: memref<256x64xf32, #tpu.memory_space<vmem>>, %arg15: memref<!tpu.dma_semaphore, #tpu.memory_space<semaphore_mem>>, %arg16: memref<!tpu.dma_semaphore, #tpu.memory_space<semaphore_mem>>) attributes {dimension_semantics = [#tpu.dimension_semantics<core_parallel>, #tpu.dimension_semantics<subcore_parallel>], iteration_bounds = array<i64: 2, 16>, scalar_prefetch = 0 : i64, scratch_operands = 5 : i64, tpu.core_type = #tpu.core_type<sc_vector_subcore>, window_params = [{transform_indices = #map}, {transform_indices = #map}, {transform_indices = #map1}, {transform_indices = #map1}, {transform_indices = #map1}, {transform_indices = #map1}, {transform_indices = #map1}, {transform_indices = #map1}, {transform_indices = #map1}, {transform_indices = #map1}]} {
    %mul3A = arith.constant 2 : i32
    %mul3A_0 = arith.muli %arg1, %mul3A : i32
    %add3A = arith.addi %mul3A_0, %arg0 : i32
    %mul3A_1 = arith.constant 512 : i32
    %mul3A_2 = arith.muli %add3A, %mul3A_1 : i32
    "tpu.region"() ({
      %run_scoped3A = tpu.sem_alloc : memref<!tpu.dma_semaphore, #tpu.memory_space<semaphore_mem>>
      %dma_start3A = tpu.memref_slice %arg2[%mul3A_2] : memref<16384xi32, #tpu.memory_space<hbm>> -> memref<512xi32, #tpu.memory_space<hbm>>
      %dma_start3A_89 = tpu.memref_slice %arg2[%mul3A_2] : memref<16384xi32, #tpu.memory_space<hbm>> -> memref<512xi32, #tpu.memory_space<hbm>>
      tpu.enqueue_dma source(%dma_start3A_89 : memref<512xi32, #tpu.memory_space<hbm>>) target(%arg12 : memref<512xi32, #tpu.memory_space<vmem>>) target_semaphore(%run_scoped3A : memref<!tpu.dma_semaphore, #tpu.memory_space<semaphore_mem>>)
      %dma_wait3A_90 = tpu.memref_slice %arg2[%mul3A_2] : memref<16384xi32, #tpu.memory_space<hbm>> -> memref<512xi32, #tpu.memory_space<hbm>>
      %dma_wait3A_91 = tpu.memref_slice %arg2[%mul3A_2] : memref<16384xi32, #tpu.memory_space<hbm>> -> memref<512xi32, #tpu.memory_space<hbm>>
      tpu.wait_dma2 semaphore(%run_scoped3A : memref<!tpu.dma_semaphore, #tpu.memory_space<semaphore_mem>>) src(%dma_wait3A_91 : memref<512xi32, #tpu.memory_space<hbm>>) dst(%arg12 : memref<512xi32, #tpu.memory_space<vmem>>)
      tpu.yield
    }) : () -> ()
    %scan3A = arith.constant 0 : i32
    %scan3A_3 = arith.constant 0 : i32
    %scan3A_4 = arith.constant 16 : i32
    %scan3A_5 = arith.addi %scan3A_3, %scan3A_4 : i32
    %scan3A_6 = arith.constant 1 : i32
    scf.for %scan3A_89 = %scan3A_3 to %scan3A_5 step %scan3A_6  : i32 {
      %mul3A_90 = arith.constant 16 : i32
      %mul3A_91 = arith.muli %scan3A_89, %mul3A_90 : i32
      %add3A_92 = arith.constant 0 : i32
      %add3A_93 = arith.addi %add3A_92, %mul3A_91 : i32
      %get3A = arith.index_cast %add3A_93 : i32 to index
      %get3A_94 = tpu.vector_load %arg12[%get3A] {strides = array<i32>} : memref<512xi32, #tpu.memory_space<vmem>>, vector<16xi32>,
      %get3A_95 = vector.shape_cast %get3A_94 : vector<16xi32> to vector<16xi32>
      %slice3A = vector.extract_strided_slice %get3A_95 {offsets = [0], sizes = [1], strides = [1]} : vector<16xi32> to vector<1xi32>
      %squeeze3A = vector.extract %slice3A[0] : i32 from vector<1xi32>
      %add3A_96 = arith.constant 0 : i32
      %add3A_97 = arith.addi %mul3A_91, %add3A_96 : i32
      %dma_start3A = arith.constant 0 : i32
      %dma_start3A_98 = tpu.memref_slice %arg13[%add3A_97, %dma_start3A] : memref<256x64xf32, #tpu.memory_space<vmem>> -> memref<1x64xf32, #tpu.memory_space<vmem>>
      %dma_start3A_99 = arith.constant 0 : i32
      %dma_start3A_100 = tpu.memref_slice %arg4[%squeeze3A, %dma_start3A_99] : memref<1000000x64xf32, #tpu.memory_space<hbm>> -> memref<1x64xf32, #tpu.memory_space<hbm>>
      %dma_start3A_101 = arith.constant 0 : i32
      %dma_start3A_102 = tpu.memref_slice %arg13[%add3A_97, %dma_start3A_101] : memref<256x64xf32, #tpu.memory_space<vmem>> -> memref<1x64xf32, #tpu.memory_space<vmem>>
      %dma_start3A_103 = arith.constant 0 : i32
      %dma_start3A_104 = tpu.memref_slice %arg4[%squeeze3A, %dma_start3A_103] : memref<1000000x64xf32, #tpu.memory_space<hbm>> -> memref<1x64xf32, #tpu.memory_space<hbm>>
      tpu.enqueue_dma source(%dma_start3A_104 : memref<1x64xf32, #tpu.memory_space<hbm>>) target(%dma_start3A_102 : memref<1x64xf32, #tpu.memory_space<vmem>>) target_semaphore(%arg15 : memref<!tpu.dma_semaphore, #tpu.memory_space<semaphore_mem>>)
      %add3A_105 = arith.constant 0 : i32
      %add3A_106 = arith.addi %mul3A_91, %add3A_105 : i32
      %dma_start3A_107 = arith.constant 0 : i32
      %dma_start3A_108 = tpu.memref_slice %arg14[%add3A_106, %dma_start3A_107] : memref<256x64xf32, #tpu.memory_space<vmem>> -> memref<1x64xf32, #tpu.memory_space<vmem>>
      %dma_start3A_109 = arith.constant 0 : i32
      %dma_start3A_110 = tpu.memref_slice %arg6[%squeeze3A, %dma_start3A_109] : memref<1000000x64xf32, #tpu.memory_space<hbm>> -> memref<1x64xf32, #tpu.memory_space<hbm>>
      %dma_start3A_111 = arith.constant 0 : i32
      %dma_start3A_112 = tpu.memref_slice %arg14[%add3A_106, %dma_start3A_111] : memref<256x64xf32, #tpu.memory_space<vmem>> -> memref<1x64xf32, #tpu.memory_space<vmem>>
      %dma_start3A_113 = arith.constant 0 : i32
      %dma_start3A_114 = tpu.memref_slice %arg6[%squeeze3A, %dma_start3A_113] : memref<1000000x64xf32, #tpu.memory_space<hbm>> -> memref<1x64xf32, #tpu.memory_space<hbm>>
      tpu.enqueue_dma source(%dma_start3A_114 : memref<1x64xf32, #tpu.memory_space<hbm>>) target(%dma_start3A_112 : memref<1x64xf32, #tpu.memory_space<vmem>>) target_semaphore(%arg16 : memref<!tpu.dma_semaphore, #tpu.memory_space<semaphore_mem>>)
      %slice3A_115 = vector.extract_strided_slice %get3A_95 {offsets = [1], sizes = [1], strides = [1]} : vector<16xi32> to vector<1xi32>
      %squeeze3A_116 = vector.extract %slice3A_115[0] : i32 from vector<1xi32>
      %add3A_117 = arith.constant 1 : i32
      %add3A_118 = arith.addi %mul3A_91, %add3A_117 : i32
      %dma_start3A_119 = arith.constant 0 : i32
      %dma_start3A_120 = tpu.memref_slice %arg13[%add3A_118, %dma_start3A_119] : memref<256x64xf32, #tpu.memory_space<vmem>> -> memref<1x64xf32, #tpu.memory_space<vmem>>
      %dma_start3A_121 = arith.constant 0 : i32
      %dma_start3A_122 = tpu.memref_slice %arg4[%squeeze3A_116, %dma_start3A_121] : memref<1000000x64xf32, #tpu.memory_space<hbm>> -> memref<1x64xf32, #tpu.memory_space<hbm>>
      %dma_start3A_123 = arith.constant 0 : i32
      %dma_start3A_124 = tpu.memref_slice %arg13[%add3A_118, %dma_start3A_123] : memref<256x64xf32, #tpu.memory_space<vmem>> -> memref<1x64xf32, #tpu.memory_space<vmem>>
      %dma_start3A_125 = arith.constant 0 : i32
      %dma_start3A_126 = tpu.memref_slice %arg4[%squeeze3A_116, %dma_start3A_125] : memref<1000000x64xf32, #tpu.memory_space<hbm>> -> memref<1x64xf32, #tpu.memory_space<hbm>>
      tpu.enqueue_dma source(%dma_start3A_126 : memref<1x64xf32, #tpu.memory_space<hbm>>) target(%dma_start3A_124 : memref<1x64xf32, #tpu.memory_space<vmem>>) target_semaphore(%arg15 : memref<!tpu.dma_semaphore, #tpu.memory_space<semaphore_mem>>)
      %add3A_127 = arith.constant 1 : i32
      %add3A_128 = arith.addi %mul3A_91, %add3A_127 : i32
      %dma_start3A_129 = arith.constant 0 : i32
      %dma_start3A_130 = tpu.memref_slice %arg14[%add3A_128, %dma_start3A_129] : memref<256x64xf32, #tpu.memory_space<vmem>> -> memref<1x64xf32, #tpu.memory_space<vmem>>
      %dma_start3A_131 = arith.constant 0 : i32
      %dma_start3A_132 = tpu.memref_slice %arg6[%squeeze3A_116, %dma_start3A_131] : memref<1000000x64xf32, #tpu.memory_space<hbm>> -> memref<1x64xf32, #tpu.memory_space<hbm>>
      %dma_start3A_133 = arith.constant 0 : i32
      %dma_start3A_134 = tpu.memref_slice %arg14[%add3A_128, %dma_start3A_133] : memref<256x64xf32, #tpu.memory_space<vmem>> -> memref<1x64xf32, #tpu.memory_space<vmem>>
      %dma_start3A_135 = arith.constant 0 : i32
      %dma_start3A_136 = tpu.memref_slice %arg6[%squeeze3A_116, %dma_start3A_135] : memref<1000000x64xf32, #tpu.memory_space<hbm>> -> memref<1x64xf32, #tpu.memory_space<hbm>>
      tpu.enqueue_dma source(%dma_start3A_136 : memref<1x64xf32, #tpu.memory_space<hbm>>) target(%dma_start3A_134 : memref<1x64xf32, #tpu.memory_space<vmem>>) target_semaphore(%arg16 : memref<!tpu.dma_semaphore, #tpu.memory_space<semaphore_mem>>)
      %slice3A_137 = vector.extract_strided_slice %get3A_95 {offsets = [2], sizes = [1], strides = [1]} : vector<16xi32> to vector<1xi32>
      %squeeze3A_138 = vector.extract %slice3A_137[0] : i32 from vector<1xi32>
      %add3A_139 = arith.constant 2 : i32
      %add3A_140 = arith.addi %mul3A_91, %add3A_139 : i32
      %dma_start3A_141 = arith.constant 0 : i32
      %dma_start3A_142 = tpu.memref_slice %arg13[%add3A_140, %dma_start3A_141] : memref<256x64xf32, #tpu.memory_space<vmem>> -> memref<1x64xf32, #tpu.memory_space<vmem>>
      %dma_start3A_143 = arith.constant 0 : i32
      %dma_start3A_144 = tpu.memref_slice %arg4[%squeeze3A_138, %dma_start3A_143] : memref<1000000x64xf32, #tpu.memory_space<hbm>> -> memref<1x64xf32, #tpu.memory_space<hbm>>
      %dma_start3A_145 = arith.constant 0 : i32
      %dma_start3A_146 = tpu.memref_slice %arg13[%add3A_140, %dma_start3A_145] : memref<256x64xf32, #tpu.memory_space<vmem>> -> memref<1x64xf32, #tpu.memory_space<vmem>>
      %dma_start3A_147 = arith.constant 0 : i32
      %dma_start3A_148 = tpu.memref_slice %arg4[%squeeze3A_138, %dma_start3A_147] : memref<1000000x64xf32, #tpu.memory_space<hbm>> -> memref<1x64xf32, #tpu.memory_space<hbm>>
      tpu.enqueue_dma source(%dma_start3A_148 : memref<1x64xf32, #tpu.memory_space<hbm>>) target(%dma_start3A_146 : memref<1x64xf32, #tpu.memory_space<vmem>>) target_semaphore(%arg15 : memref<!tpu.dma_semaphore, #tpu.memory_space<semaphore_mem>>)
      %add3A_149 = arith.constant 2 : i32
      %add3A_150 = arith.addi %mul3A_91, %add3A_149 : i32
      %dma_start3A_151 = arith.constant 0 : i32
      %dma_start3A_152 = tpu.memref_slice %arg14[%add3A_150, %dma_start3A_151] : memref<256x64xf32, #tpu.memory_space<vmem>> -> memref<1x64xf32, #tpu.memory_space<vmem>>
      %dma_start3A_153 = arith.constant 0 : i32
      %dma_start3A_154 = tpu.memref_slice %arg6[%squeeze3A_138, %dma_start3A_153] : memref<1000000x64xf32, #tpu.memory_space<hbm>> -> memref<1x64xf32, #tpu.memory_space<hbm>>
      %dma_start3A_155 = arith.constant 0 : i32
      %dma_start3A_156 = tpu.memref_slice %arg14[%add3A_150, %dma_start3A_155] : memref<256x64xf32, #tpu.memory_space<vmem>> -> memref<1x64xf32, #tpu.memory_space<vmem>>
      %dma_start3A_157 = arith.constant 0 : i32
      %dma_start3A_158 = tpu.memref_slice %arg6[%squeeze3A_138, %dma_start3A_157] : memref<1000000x64xf32, #tpu.memory_space<hbm>> -> memref<1x64xf32, #tpu.memory_space<hbm>>
      tpu.enqueue_dma source(%dma_start3A_158 : memref<1x64xf32, #tpu.memory_space<hbm>>) target(%dma_start3A_156 : memref<1x64xf32, #tpu.memory_space<vmem>>) target_semaphore(%arg16 : memref<!tpu.dma_semaphore, #tpu.memory_space<semaphore_mem>>)
      %slice3A_159 = vector.extract_strided_slice %get3A_95 {offsets = [3], sizes = [1], strides = [1]} : vector<16xi32> to vector<1xi32>
      %squeeze3A_160 = vector.extract %slice3A_159[0] : i32 from vector<1xi32>
      %add3A_161 = arith.constant 3 : i32
      %add3A_162 = arith.addi %mul3A_91, %add3A_161 : i32
      %dma_start3A_163 = arith.constant 0 : i32
      %dma_start3A_164 = tpu.memref_slice %arg13[%add3A_162, %dma_start3A_163] : memref<256x64xf32, #tpu.memory_space<vmem>> -> memref<1x64xf32, #tpu.memory_space<vmem>>
      %dma_start3A_165 = arith.constant 0 : i32
      %dma_start3A_166 = tpu.memref_slice %arg4[%squeeze3A_160, %dma_start3A_165] : memref<1000000x64xf32, #tpu.memory_space<hbm>> -> memref<1x64xf32, #tpu.memory_space<hbm>>
      %dma_start3A_167 = arith.constant 0 : i32
      %dma_start3A_168 = tpu.memref_slice %arg13[%add3A_162, %dma_start3A_167] : memref<256x64xf32, #tpu.memory_space<vmem>> -> memref<1x64xf32, #tpu.memory_space<vmem>>
      %dma_start3A_169 = arith.constant 0 : i32
      %dma_start3A_170 = tpu.memref_slice %arg4[%squeeze3A_160, %dma_start3A_169] : memref<1000000x64xf32, #tpu.memory_space<hbm>> -> memref<1x64xf32, #tpu.memory_space<hbm>>
      tpu.enqueue_dma source(%dma_start3A_170 : memref<1x64xf32, #tpu.memory_space<hbm>>) target(%dma_start3A_168 : memref<1x64xf32, #tpu.memory_space<vmem>>) target_semaphore(%arg15 : memref<!tpu.dma_semaphore, #tpu.memory_space<semaphore_mem>>)
      %add3A_171 = arith.constant 3 : i32
      %add3A_172 = arith.addi %mul3A_91, %add3A_171 : i32
      %dma_start3A_173 = arith.constant 0 : i32
      %dma_start3A_174 = tpu.memref_slice %arg14[%add3A_172, %dma_start3A_173] : memref<256x64xf32, #tpu.memory_space<vmem>> -> memref<1x64xf32, #tpu.memory_space<vmem>>
      %dma_start3A_175 = arith.constant 0 : i32
      %dma_start3A_176 = tpu.memref_slice %arg6[%squeeze3A_160, %dma_start3A_175] : memref<1000000x64xf32, #tpu.memory_space<hbm>> -> memref<1x64xf32, #tpu.memory_space<hbm>>
      %dma_start3A_177 = arith.constant 0 : i32
      %dma_start3A_178 = tpu.memref_slice %arg14[%add3A_172, %dma_start3A_177] : memref<256x64xf32, #tpu.memory_space<vmem>> -> memref<1x64xf32, #tpu.memory_space<vmem>>
      %dma_start3A_179 = arith.constant 0 : i32
      %dma_start3A_180 = tpu.memref_slice %arg6[%squeeze3A_160, %dma_start3A_179] : memref<1000000x64xf32, #tpu.memory_space<hbm>> -> memref<1x64xf32, #tpu.memory_space<hbm>>
      tpu.enqueue_dma source(%dma_start3A_180 : memref<1x64xf32, #tpu.memory_space<hbm>>) target(%dma_start3A_178 : memref<1x64xf32, #tpu.memory_space<vmem>>) target_semaphore(%arg16 : memref<!tpu.dma_semaphore, #tpu.memory_space<semaphore_mem>>)
      %slice3A_181 = vector.extract_strided_slice %get3A_95 {offsets = [4], sizes = [1], strides = [1]} : vector<16xi32> to vector<1xi32>
      %squeeze3A_182 = vector.extract %slice3A_181[0] : i32 from vector<1xi32>
      %add3A_183 = arith.constant 4 : i32
      %add3A_184 = arith.addi %mul3A_91, %add3A_183 : i32
      %dma_start3A_185 = arith.constant 0 : i32
      %dma_start3A_186 = tpu.memref_slice %arg13[%add3A_184, %dma_start3A_185] : memref<256x64xf32, #tpu.memory_space<vmem>> -> memref<1x64xf32, #tpu.memory_space<vmem>>
      %dma_start3A_187 = arith.constant 0 : i32
      %dma_start3A_188 = tpu.memref_slice %arg4[%squeeze3A_182, %dma_start3A_187] : memref<1000000x64xf32, #tpu.memory_space<hbm>> -> memref<1x64xf32, #tpu.memory_space<hbm>>
      %dma_start3A_189 = arith.constant 0 : i32
      %dma_start3A_190 = tpu.memref_slice %arg13[%add3A_184, %dma_start3A_189] : memref<256x64xf32, #tpu.memory_space<vmem>> -> memref<1x64xf32, #tpu.memory_space<vmem>>
      %dma_start3A_191 = arith.constant 0 : i32
      %dma_start3A_192 = tpu.memref_slice %arg4[%squeeze3A_182, %dma_start3A_191] : memref<1000000x64xf32, #tpu.memory_space<hbm>> -> memref<1x64xf32, #tpu.memory_space<hbm>>
      tpu.enqueue_dma source(%dma_start3A_192 : memref<1x64xf32, #tpu.memory_space<hbm>>) target(%dma_start3A_190 : memref<1x64xf32, #tpu.memory_space<vmem>>) target_semaphore(%arg15 : memref<!tpu.dma_semaphore, #tpu.memory_space<semaphore_mem>>)
      %add3A_193 = arith.constant 4 : i32
      %add3A_194 = arith.addi %mul3A_91, %add3A_193 : i32
      %dma_start3A_195 = arith.constant 0 : i32
      %dma_start3A_196 = tpu.memref_slice %arg14[%add3A_194, %dma_start3A_195] : memref<256x64xf32, #tpu.memory_space<vmem>> -> memref<1x64xf32, #tpu.memory_space<vmem>>
      %dma_start3A_197 = arith.constant 0 : i32
      %dma_start3A_198 = tpu.memref_slice %arg6[%squeeze3A_182, %dma_start3A_197] : memref<1000000x64xf32, #tpu.memory_space<hbm>> -> memref<1x64xf32, #tpu.memory_space<hbm>>
      %dma_start3A_199 = arith.constant 0 : i32
      %dma_start3A_200 = tpu.memref_slice %arg14[%add3A_194, %dma_start3A_199] : memref<256x64xf32, #tpu.memory_space<vmem>> -> memref<1x64xf32, #tpu.memory_space<vmem>>
      %dma_start3A_201 = arith.constant 0 : i32
      %dma_start3A_202 = tpu.memref_slice %arg6[%squeeze3A_182, %dma_start3A_201] : memref<1000000x64xf32, #tpu.memory_space<hbm>> -> memref<1x64xf32, #tpu.memory_space<hbm>>
      tpu.enqueue_dma source(%dma_start3A_202 : memref<1x64xf32, #tpu.memory_space<hbm>>) target(%dma_start3A_200 : memref<1x64xf32, #tpu.memory_space<vmem>>) target_semaphore(%arg16 : memref<!tpu.dma_semaphore, #tpu.memory_space<semaphore_mem>>)
      %slice3A_203 = vector.extract_strided_slice %get3A_95 {offsets = [5], sizes = [1], strides = [1]} : vector<16xi32> to vector<1xi32>
      %squeeze3A_204 = vector.extract %slice3A_203[0] : i32 from vector<1xi32>
      %add3A_205 = arith.constant 5 : i32
      %add3A_206 = arith.addi %mul3A_91, %add3A_205 : i32
      %dma_start3A_207 = arith.constant 0 : i32
      %dma_start3A_208 = tpu.memref_slice %arg13[%add3A_206, %dma_start3A_207] : memref<256x64xf32, #tpu.memory_space<vmem>> -> memref<1x64xf32, #tpu.memory_space<vmem>>
      %dma_start3A_209 = arith.constant 0 : i32
      %dma_start3A_210 = tpu.memref_slice %arg4[%squeeze3A_204, %dma_start3A_209] : memref<1000000x64xf32, #tpu.memory_space<hbm>> -> memref<1x64xf32, #tpu.memory_space<hbm>>
      %dma_start3A_211 = arith.constant 0 : i32
      %dma_start3A_212 = tpu.memref_slice %arg13[%add3A_206, %dma_start3A_211] : memref<256x64xf32, #tpu.memory_space<vmem>> -> memref<1x64xf32, #tpu.memory_space<vmem>>
      %dma_start3A_213 = arith.constant 0 : i32
      %dma_start3A_214 = tpu.memref_slice %arg4[%squeeze3A_204, %dma_start3A_213] : memref<1000000x64xf32, #tpu.memory_space<hbm>> -> memref<1x64xf32, #tpu.memory_space<hbm>>
      tpu.enqueue_dma source(%dma_start3A_214 : memref<1x64xf32, #tpu.memory_space<hbm>>) target(%dma_start3A_212 : memref<1x64xf32, #tpu.memory_space<vmem>>) target_semaphore(%arg15 : memref<!tpu.dma_semaphore, #tpu.memory_space<semaphore_mem>>)
      %add3A_215 = arith.constant 5 : i32
      %add3A_216 = arith.addi %mul3A_91, %add3A_215 : i32
      %dma_start3A_217 = arith.constant 0 : i32
      %dma_start3A_218 = tpu.memref_slice %arg14[%add3A_216, %dma_start3A_217] : memref<256x64xf32, #tpu.memory_space<vmem>> -> memref<1x64xf32, #tpu.memory_space<vmem>>
      %dma_start3A_219 = arith.constant 0 : i32
      %dma_start3A_220 = tpu.memref_slice %arg6[%squeeze3A_204, %dma_start3A_219] : memref<1000000x64xf32, #tpu.memory_space<hbm>> -> memref<1x64xf32, #tpu.memory_space<hbm>>
      %dma_start3A_221 = arith.constant 0 : i32
      %dma_start3A_222 = tpu.memref_slice %arg14[%add3A_216, %dma_start3A_221] : memref<256x64xf32, #tpu.memory_space<vmem>> -> memref<1x64xf32, #tpu.memory_space<vmem>>
      %dma_start3A_223 = arith.constant 0 : i32
      %dma_start3A_224 = tpu.memref_slice %arg6[%squeeze3A_204, %dma_start3A_223] : memref<1000000x64xf32, #tpu.memory_space<hbm>> -> memref<1x64xf32, #tpu.memory_space<hbm>>
      tpu.enqueue_dma source(%dma_start3A_224 : memref<1x64xf32, #tpu.memory_space<hbm>>) target(%dma_start3A_222 : memref<1x64xf32, #tpu.memory_space<vmem>>) target_semaphore(%arg16 : memref<!tpu.dma_semaphore, #tpu.memory_space<semaphore_mem>>)
      %slice3A_225 = vector.extract_strided_slice %get3A_95 {offsets = [6], sizes = [1], strides = [1]} : vector<16xi32> to vector<1xi32>
      %squeeze3A_226 = vector.extract %slice3A_225[0] : i32 from vector<1xi32>
      %add3A_227 = arith.constant 6 : i32
      %add3A_228 = arith.addi %mul3A_91, %add3A_227 : i32
      %dma_start3A_229 = arith.constant 0 : i32
      %dma_start3A_230 = tpu.memref_slice %arg13[%add3A_228, %dma_start3A_229] : memref<256x64xf32, #tpu.memory_space<vmem>> -> memref<1x64xf32, #tpu.memory_space<vmem>>
      %dma_start3A_231 = arith.constant 0 : i32
      %dma_start3A_232 = tpu.memref_slice %arg4[%squeeze3A_226, %dma_start3A_231] : memref<1000000x64xf32, #tpu.memory_space<hbm>> -> memref<1x64xf32, #tpu.memory_space<hbm>>
      %dma_start3A_233 = arith.constant 0 : i32
      %dma_start3A_234 = tpu.memref_slice %arg13[%add3A_228, %dma_start3A_233] : memref<256x64xf32, #tpu.memory_space<vmem>> -> memref<1x64xf32, #tpu.memory_space<vmem>>
      %dma_start3A_235 = arith.constant 0 : i32
      %dma_start3A_236 = tpu.memref_slice %arg4[%squeeze3A_226, %dma_start3A_235] : memref<1000000x64xf32, #tpu.memory_space<hbm>> -> memref<1x64xf32, #tpu.memory_space<hbm>>
      tpu.enqueue_dma source(%dma_start3A_236 : memref<1x64xf32, #tpu.memory_space<hbm>>) target(%dma_start3A_234 : memref<1x64xf32, #tpu.memory_space<vmem>>) target_semaphore(%arg15 : memref<!tpu.dma_semaphore, #tpu.memory_space<semaphore_mem>>)
      %add3A_237 = arith.constant 6 : i32
      %add3A_238 = arith.addi %mul3A_91, %add3A_237 : i32
      %dma_start3A_239 = arith.constant 0 : i32
      %dma_start3A_240 = tpu.memref_slice %arg14[%add3A_238, %dma_start3A_239] : memref<256x64xf32, #tpu.memory_space<vmem>> -> memref<1x64xf32, #tpu.memory_space<vmem>>
      %dma_start3A_241 = arith.constant 0 : i32
      %dma_start3A_242 = tpu.memref_slice %arg6[%squeeze3A_226, %dma_start3A_241] : memref<1000000x64xf32, #tpu.memory_space<hbm>> -> memref<1x64xf32, #tpu.memory_space<hbm>>
      %dma_start3A_243 = arith.constant 0 : i32
      %dma_start3A_244 = tpu.memref_slice %arg14[%add3A_238, %dma_start3A_243] : memref<256x64xf32, #tpu.memory_space<vmem>> -> memref<1x64xf32, #tpu.memory_space<vmem>>
      %dma_start3A_245 = arith.constant 0 : i32
      %dma_start3A_246 = tpu.memref_slice %arg6[%squeeze3A_226, %dma_start3A_245] : memref<1000000x64xf32, #tpu.memory_space<hbm>> -> memref<1x64xf32, #tpu.memory_space<hbm>>
      tpu.enqueue_dma source(%dma_start3A_246 : memref<1x64xf32, #tpu.memory_space<hbm>>) target(%dma_start3A_244 : memref<1x64xf32, #tpu.memory_space<vmem>>) target_semaphore(%arg16 : memref<!tpu.dma_semaphore, #tpu.memory_space<semaphore_mem>>)
      %slice3A_247 = vector.extract_strided_slice %get3A_95 {offsets = [7], sizes = [1], strides = [1]} : vector<16xi32> to vector<1xi32>
      %squeeze3A_248 = vector.extract %slice3A_247[0] : i32 from vector<1xi32>
      %add3A_249 = arith.constant 7 : i32
      %add3A_250 = arith.addi %mul3A_91, %add3A_249 : i32
      %dma_start3A_251 = arith.constant 0 : i32
      %dma_start3A_252 = tpu.memref_slice %arg13[%add3A_250, %dma_start3A_251] : memref<256x64xf32, #tpu.memory_space<vmem>> -> memref<1x64xf32, #tpu.memory_space<vmem>>
      %dma_start3A_253 = arith.constant 0 : i32
      %dma_start3A_254 = tpu.memref_slice %arg4[%squeeze3A_248, %dma_start3A_253] : memref<1000000x64xf32, #tpu.memory_space<hbm>> -> memref<1x64xf32, #tpu.memory_space<hbm>>
      %dma_start3A_255 = arith.constant 0 : i32
      %dma_start3A_256 = tpu.memref_slice %arg13[%add3A_250, %dma_start3A_255] : memref<256x64xf32, #tpu.memory_space<vmem>> -> memref<1x64xf32, #tpu.memory_space<vmem>>
      %dma_start3A_257 = arith.constant 0 : i32
      %dma_start3A_258 = tpu.memref_slice %arg4[%squeeze3A_248, %dma_start3A_257] : memref<1000000x64xf32, #tpu.memory_space<hbm>> -> memref<1x64xf32, #tpu.memory_space<hbm>>
      tpu.enqueue_dma source(%dma_start3A_258 : memref<1x64xf32, #tpu.memory_space<hbm>>) target(%dma_start3A_256 : memref<1x64xf32, #tpu.memory_space<vmem>>) target_semaphore(%arg15 : memref<!tpu.dma_semaphore, #tpu.memory_space<semaphore_mem>>)
      %add3A_259 = arith.constant 7 : i32
      %add3A_260 = arith.addi %mul3A_91, %add3A_259 : i32
      %dma_start3A_261 = arith.constant 0 : i32
      %dma_start3A_262 = tpu.memref_slice %arg14[%add3A_260, %dma_start3A_261] : memref<256x64xf32, #tpu.memory_space<vmem>> -> memref<1x64xf32, #tpu.memory_space<vmem>>
      %dma_start3A_263 = arith.constant 0 : i32
      %dma_start3A_264 = tpu.memref_slice %arg6[%squeeze3A_248, %dma_start3A_263] : memref<1000000x64xf32, #tpu.memory_space<hbm>> -> memref<1x64xf32, #tpu.memory_space<hbm>>
      %dma_start3A_265 = arith.constant 0 : i32
      %dma_start3A_266 = tpu.memref_slice %arg14[%add3A_260, %dma_start3A_265] : memref<256x64xf32, #tpu.memory_space<vmem>> -> memref<1x64xf32, #tpu.memory_space<vmem>>
      %dma_start3A_267 = arith.constant 0 : i32
      %dma_start3A_268 = tpu.memref_slice %arg6[%squeeze3A_248, %dma_start3A_267] : memref<1000000x64xf32, #tpu.memory_space<hbm>> -> memref<1x64xf32, #tpu.memory_space<hbm>>
      tpu.enqueue_dma source(%dma_start3A_268 : memref<1x64xf32, #tpu.memory_space<hbm>>) target(%dma_start3A_266 : memref<1x64xf32, #tpu.memory_space<vmem>>) target_semaphore(%arg16 : memref<!tpu.dma_semaphore, #tpu.memory_space<semaphore_mem>>)
      %slice3A_269 = vector.extract_strided_slice %get3A_95 {offsets = [8], sizes = [1], strides = [1]} : vector<16xi32> to vector<1xi32>
      %squeeze3A_270 = vector.extract %slice3A_269[0] : i32 from vector<1xi32>
      %add3A_271 = arith.constant 8 : i32
      %add3A_272 = arith.addi %mul3A_91, %add3A_271 : i32
      %dma_start3A_273 = arith.constant 0 : i32
      %dma_start3A_274 = tpu.memref_slice %arg13[%add3A_272, %dma_start3A_273] : memref<256x64xf32, #tpu.memory_space<vmem>> -> memref<1x64xf32, #tpu.memory_space<vmem>>
      %dma_start3A_275 = arith.constant 0 : i32
      %dma_start3A_276 = tpu.memref_slice %arg4[%squeeze3A_270, %dma_start3A_275] : memref<1000000x64xf32, #tpu.memory_space<hbm>> -> memref<1x64xf32, #tpu.memory_space<hbm>>
      %dma_start3A_277 = arith.constant 0 : i32
      %dma_start3A_278 = tpu.memref_slice %arg13[%add3A_272, %dma_start3A_277] : memref<256x64xf32, #tpu.memory_space<vmem>> -> memref<1x64xf32, #tpu.memory_space<vmem>>
      %dma_start3A_279 = arith.constant 0 : i32
      %dma_start3A_280 = tpu.memref_slice %arg4[%squeeze3A_270, %dma_start3A_279] : memref<1000000x64xf32, #tpu.memory_space<hbm>> -> memref<1x64xf32, #tpu.memory_space<hbm>>
      tpu.enqueue_dma source(%dma_start3A_280 : memref<1x64xf32, #tpu.memory_space<hbm>>) target(%dma_start3A_278 : memref<1x64xf32, #tpu.memory_space<vmem>>) target_semaphore(%arg15 : memref<!tpu.dma_semaphore, #tpu.memory_space<semaphore_mem>>)
      %add3A_281 = arith.constant 8 : i32
      %add3A_282 = arith.addi %mul3A_91, %add3A_281 : i32
      %dma_start3A_283 = arith.constant 0 : i32
      %dma_start3A_284 = tpu.memref_slice %arg14[%add3A_282, %dma_start3A_283] : memref<256x64xf32, #tpu.memory_space<vmem>> -> memref<1x64xf32, #tpu.memory_space<vmem>>
      %dma_start3A_285 = arith.constant 0 : i32
      %dma_start3A_286 = tpu.memref_slice %arg6[%squeeze3A_270, %dma_start3A_285] : memref<1000000x64xf32, #tpu.memory_space<hbm>> -> memref<1x64xf32, #tpu.memory_space<hbm>>
      %dma_start3A_287 = arith.constant 0 : i32
      %dma_start3A_288 = tpu.memref_slice %arg14[%add3A_282, %dma_start3A_287] : memref<256x64xf32, #tpu.memory_space<vmem>> -> memref<1x64xf32, #tpu.memory_space<vmem>>
      %dma_start3A_289 = arith.constant 0 : i32
      %dma_start3A_290 = tpu.memref_slice %arg6[%squeeze3A_270, %dma_start3A_289] : memref<1000000x64xf32, #tpu.memory_space<hbm>> -> memref<1x64xf32, #tpu.memory_space<hbm>>
      tpu.enqueue_dma source(%dma_start3A_290 : memref<1x64xf32, #tpu.memory_space<hbm>>) target(%dma_start3A_288 : memref<1x64xf32, #tpu.memory_space<vmem>>) target_semaphore(%arg16 : memref<!tpu.dma_semaphore, #tpu.memory_space<semaphore_mem>>)
      %slice3A_291 = vector.extract_strided_slice %get3A_95 {offsets = [9], sizes = [1], strides = [1]} : vector<16xi32> to vector<1xi32>
      %squeeze3A_292 = vector.extract %slice3A_291[0] : i32 from vector<1xi32>
      %add3A_293 = arith.constant 9 : i32
      %add3A_294 = arith.addi %mul3A_91, %add3A_293 : i32
      %dma_start3A_295 = arith.constant 0 : i32
      %dma_start3A_296 = tpu.memref_slice %arg13[%add3A_294, %dma_start3A_295] : memref<256x64xf32, #tpu.memory_space<vmem>> -> memref<1x64xf32, #tpu.memory_space<vmem>>
      %dma_start3A_297 = arith.constant 0 : i32
      %dma_start3A_298 = tpu.memref_slice %arg4[%squeeze3A_292, %dma_start3A_297] : memref<1000000x64xf32, #tpu.memory_space<hbm>> -> memref<1x64xf32, #tpu.memory_space<hbm>>
      %dma_start3A_299 = arith.constant 0 : i32
      %dma_start3A_300 = tpu.memref_slice %arg13[%add3A_294, %dma_start3A_299] : memref<256x64xf32, #tpu.memory_space<vmem>> -> memref<1x64xf32, #tpu.memory_space<vmem>>
      %dma_start3A_301 = arith.constant 0 : i32
      %dma_start3A_302 = tpu.memref_slice %arg4[%squeeze3A_292, %dma_start3A_301] : memref<1000000x64xf32, #tpu.memory_space<hbm>> -> memref<1x64xf32, #tpu.memory_space<hbm>>
      tpu.enqueue_dma source(%dma_start3A_302 : memref<1x64xf32, #tpu.memory_space<hbm>>) target(%dma_start3A_300 : memref<1x64xf32, #tpu.memory_space<vmem>>) target_semaphore(%arg15 : memref<!tpu.dma_semaphore, #tpu.memory_space<semaphore_mem>>)
      %add3A_303 = arith.constant 9 : i32
      %add3A_304 = arith.addi %mul3A_91, %add3A_303 : i32
      %dma_start3A_305 = arith.constant 0 : i32
      %dma_start3A_306 = tpu.memref_slice %arg14[%add3A_304, %dma_start3A_305] : memref<256x64xf32, #tpu.memory_space<vmem>> -> memref<1x64xf32, #tpu.memory_space<vmem>>
      %dma_start3A_307 = arith.constant 0 : i32
      %dma_start3A_308 = tpu.memref_slice %arg6[%squeeze3A_292, %dma_start3A_307] : memref<1000000x64xf32, #tpu.memory_space<hbm>> -> memref<1x64xf32, #tpu.memory_space<hbm>>
      %dma_start3A_309 = arith.constant 0 : i32
      %dma_start3A_310 = tpu.memref_slice %arg14[%add3A_304, %dma_start3A_309] : memref<256x64xf32, #tpu.memory_space<vmem>> -> memref<1x64xf32, #tpu.memory_space<vmem>>
      %dma_start3A_311 = arith.constant 0 : i32
      %dma_start3A_312 = tpu.memref_slice %arg6[%squeeze3A_292, %dma_start3A_311] : memref<1000000x64xf32, #tpu.memory_space<hbm>> -> memref<1x64xf32, #tpu.memory_space<hbm>>
      tpu.enqueue_dma source(%dma_start3A_312 : memref<1x64xf32, #tpu.memory_space<hbm>>) target(%dma_start3A_310 : memref<1x64xf32, #tpu.memory_space<vmem>>) target_semaphore(%arg16 : memref<!tpu.dma_semaphore, #tpu.memory_space<semaphore_mem>>)
      %slice3A_313 = vector.extract_strided_slice %get3A_95 {offsets = [10], sizes = [1], strides = [1]} : vector<16xi32> to vector<1xi32>
      %squeeze3A_314 = vector.extract %slice3A_313[0] : i32 from vector<1xi32>
      %add3A_315 = arith.constant 10 : i32
      %add3A_316 = arith.addi %mul3A_91, %add3A_315 : i32
      %dma_start3A_317 = arith.constant 0 : i32
      %dma_start3A_318 = tpu.memref_slice %arg13[%add3A_316, %dma_start3A_317] : memref<256x64xf32, #tpu.memory_space<vmem>> -> memref<1x64xf32, #tpu.memory_space<vmem>>
      %dma_start3A_319 = arith.constant 0 : i32
      %dma_start3A_320 = tpu.memref_slice %arg4[%squeeze3A_314, %dma_start3A_319] : memref<1000000x64xf32, #tpu.memory_space<hbm>> -> memref<1x64xf32, #tpu.memory_space<hbm>>
      %dma_start3A_321 = arith.constant 0 : i32
      %dma_start3A_322 = tpu.memref_slice %arg13[%add3A_316, %dma_start3A_321] : memref<256x64xf32, #tpu.memory_space<vmem>> -> memref<1x64xf32, #tpu.memory_space<vmem>>
      %dma_start3A_323 = arith.constant 0 : i32
      %dma_start3A_324 = tpu.memref_slice %arg4[%squeeze3A_314, %dma_start3A_323] : memref<1000000x64xf32, #tpu.memory_space<hbm>> -> memref<1x64xf32, #tpu.memory_space<hbm>>
      tpu.enqueue_dma source(%dma_start3A_324 : memref<1x64xf32, #tpu.memory_space<hbm>>) target(%dma_start3A_322 : memref<1x64xf32, #tpu.memory_space<vmem>>) target_semaphore(%arg15 : memref<!tpu.dma_semaphore, #tpu.memory_space<semaphore_mem>>)
      %add3A_325 = arith.constant 10 : i32
      %add3A_326 = arith.addi %mul3A_91, %add3A_325 : i32
      %dma_start3A_327 = arith.constant 0 : i32
      %dma_start3A_328 = tpu.memref_slice %arg14[%add3A_326, %dma_start3A_327] : memref<256x64xf32, #tpu.memory_space<vmem>> -> memref<1x64xf32, #tpu.memory_space<vmem>>
      %dma_start3A_329 = arith.constant 0 : i32
      %dma_start3A_330 = tpu.memref_slice %arg6[%squeeze3A_314, %dma_start3A_329] : memref<1000000x64xf32, #tpu.memory_space<hbm>> -> memref<1x64xf32, #tpu.memory_space<hbm>>
      %dma_start3A_331 = arith.constant 0 : i32
      %dma_start3A_332 = tpu.memref_slice %arg14[%add3A_326, %dma_start3A_331] : memref<256x64xf32, #tpu.memory_space<vmem>> -> memref<1x64xf32, #tpu.memory_space<vmem>>
      %dma_start3A_333 = arith.constant 0 : i32
      %dma_start3A_334 = tpu.memref_slice %arg6[%squeeze3A_314, %dma_start3A_333] : memref<1000000x64xf32, #tpu.memory_space<hbm>> -> memref<1x64xf32, #tpu.memory_space<hbm>>
      tpu.enqueue_dma source(%dma_start3A_334 : memref<1x64xf32, #tpu.memory_space<hbm>>) target(%dma_start3A_332 : memref<1x64xf32, #tpu.memory_space<vmem>>) target_semaphore(%arg16 : memref<!tpu.dma_semaphore, #tpu.memory_space<semaphore_mem>>)
      %slice3A_335 = vector.extract_strided_slice %get3A_95 {offsets = [11], sizes = [1], strides = [1]} : vector<16xi32> to vector<1xi32>
      %squeeze3A_336 = vector.extract %slice3A_335[0] : i32 from vector<1xi32>
      %add3A_337 = arith.constant 11 : i32
      %add3A_338 = arith.addi %mul3A_91, %add3A_337 : i32
      %dma_start3A_339 = arith.constant 0 : i32
      %dma_start3A_340 = tpu.memref_slice %arg13[%add3A_338, %dma_start3A_339] : memref<256x64xf32, #tpu.memory_space<vmem>> -> memref<1x64xf32, #tpu.memory_space<vmem>>
      %dma_start3A_341 = arith.constant 0 : i32
      %dma_start3A_342 = tpu.memref_slice %arg4[%squeeze3A_336, %dma_start3A_341] : memref<1000000x64xf32, #tpu.memory_space<hbm>> -> memref<1x64xf32, #tpu.memory_space<hbm>>
      %dma_start3A_343 = arith.constant 0 : i32
      %dma_start3A_344 = tpu.memref_slice %arg13[%add3A_338, %dma_start3A_343] : memref<256x64xf32, #tpu.memory_space<vmem>> -> memref<1x64xf32, #tpu.memory_space<vmem>>
      %dma_start3A_345 = arith.constant 0 : i32
      %dma_start3A_346 = tpu.memref_slice %arg4[%squeeze3A_336, %dma_start3A_345] : memref<1000000x64xf32, #tpu.memory_space<hbm>> -> memref<1x64xf32, #tpu.memory_space<hbm>>
      tpu.enqueue_dma source(%dma_start3A_346 : memref<1x64xf32, #tpu.memory_space<hbm>>) target(%dma_start3A_344 : memref<1x64xf32, #tpu.memory_space<vmem>>) target_semaphore(%arg15 : memref<!tpu.dma_semaphore, #tpu.memory_space<semaphore_mem>>)
      %add3A_347 = arith.constant 11 : i32
      %add3A_348 = arith.addi %mul3A_91, %add3A_347 : i32
      %dma_start3A_349 = arith.constant 0 : i32
      %dma_start3A_350 = tpu.memref_slice %arg14[%add3A_348, %dma_start3A_349] : memref<256x64xf32, #tpu.memory_space<vmem>> -> memref<1x64xf32, #tpu.memory_space<vmem>>
      %dma_start3A_351 = arith.constant 0 : i32
      %dma_start3A_352 = tpu.memref_slice %arg6[%squeeze3A_336, %dma_start3A_351] : memref<1000000x64xf32, #tpu.memory_space<hbm>> -> memref<1x64xf32, #tpu.memory_space<hbm>>
      %dma_start3A_353 = arith.constant 0 : i32
      %dma_start3A_354 = tpu.memref_slice %arg14[%add3A_348, %dma_start3A_353] : memref<256x64xf32, #tpu.memory_space<vmem>> -> memref<1x64xf32, #tpu.memory_space<vmem>>
      %dma_start3A_355 = arith.constant 0 : i32
      %dma_start3A_356 = tpu.memref_slice %arg6[%squeeze3A_336, %dma_start3A_355] : memref<1000000x64xf32, #tpu.memory_space<hbm>> -> memref<1x64xf32, #tpu.memory_space<hbm>>
      tpu.enqueue_dma source(%dma_start3A_356 : memref<1x64xf32, #tpu.memory_space<hbm>>) target(%dma_start3A_354 : memref<1x64xf32, #tpu.memory_space<vmem>>) target_semaphore(%arg16 : memref<!tpu.dma_semaphore, #tpu.memory_space<semaphore_mem>>)
      %slice3A_357 = vector.extract_strided_slice %get3A_95 {offsets = [12], sizes = [1], strides = [1]} : vector<16xi32> to vector<1xi32>
      %squeeze3A_358 = vector.extract %slice3A_357[0] : i32 from vector<1xi32>
      %add3A_359 = arith.constant 12 : i32
      %add3A_360 = arith.addi %mul3A_91, %add3A_359 : i32
      %dma_start3A_361 = arith.constant 0 : i32
      %dma_start3A_362 = tpu.memref_slice %arg13[%add3A_360, %dma_start3A_361] : memref<256x64xf32, #tpu.memory_space<vmem>> -> memref<1x64xf32, #tpu.memory_space<vmem>>
      %dma_start3A_363 = arith.constant 0 : i32
      %dma_start3A_364 = tpu.memref_slice %arg4[%squeeze3A_358, %dma_start3A_363] : memref<1000000x64xf32, #tpu.memory_space<hbm>> -> memref<1x64xf32, #tpu.memory_space<hbm>>
      %dma_start3A_365 = arith.constant 0 : i32
      %dma_start3A_366 = tpu.memref_slice %arg13[%add3A_360, %dma_start3A_365] : memref<256x64xf32, #tpu.memory_space<vmem>> -> memref<1x64xf32, #tpu.memory_space<vmem>>
      %dma_start3A_367 = arith.constant 0 : i32
      %dma_start3A_368 = tpu.memref_slice %arg4[%squeeze3A_358, %dma_start3A_367] : memref<1000000x64xf32, #tpu.memory_space<hbm>> -> memref<1x64xf32, #tpu.memory_space<hbm>>
      tpu.enqueue_dma source(%dma_start3A_368 : memref<1x64xf32, #tpu.memory_space<hbm>>) target(%dma_start3A_366 : memref<1x64xf32, #tpu.memory_space<vmem>>) target_semaphore(%arg15 : memref<!tpu.dma_semaphore, #tpu.memory_space<semaphore_mem>>)
      %add3A_369 = arith.constant 12 : i32
      %add3A_370 = arith.addi %mul3A_91, %add3A_369 : i32
      %dma_start3A_371 = arith.constant 0 : i32
      %dma_start3A_372 = tpu.memref_slice %arg14[%add3A_370, %dma_start3A_371] : memref<256x64xf32, #tpu.memory_space<vmem>> -> memref<1x64xf32, #tpu.memory_space<vmem>>
      %dma_start3A_373 = arith.constant 0 : i32
      %dma_start3A_374 = tpu.memref_slice %arg6[%squeeze3A_358, %dma_start3A_373] : memref<1000000x64xf32, #tpu.memory_space<hbm>> -> memref<1x64xf32, #tpu.memory_space<hbm>>
      %dma_start3A_375 = arith.constant 0 : i32
      %dma_start3A_376 = tpu.memref_slice %arg14[%add3A_370, %dma_start3A_375] : memref<256x64xf32, #tpu.memory_space<vmem>> -> memref<1x64xf32, #tpu.memory_space<vmem>>
      %dma_start3A_377 = arith.constant 0 : i32
      %dma_start3A_378 = tpu.memref_slice %arg6[%squeeze3A_358, %dma_start3A_377] : memref<1000000x64xf32, #tpu.memory_space<hbm>> -> memref<1x64xf32, #tpu.memory_space<hbm>>
      tpu.enqueue_dma source(%dma_start3A_378 : memref<1x64xf32, #tpu.memory_space<hbm>>) target(%dma_start3A_376 : memref<1x64xf32, #tpu.memory_space<vmem>>) target_semaphore(%arg16 : memref<!tpu.dma_semaphore, #tpu.memory_space<semaphore_mem>>)
      %slice3A_379 = vector.extract_strided_slice %get3A_95 {offsets = [13], sizes = [1], strides = [1]} : vector<16xi32> to vector<1xi32>
      %squeeze3A_380 = vector.extract %slice3A_379[0] : i32 from vector<1xi32>
      %add3A_381 = arith.constant 13 : i32
      %add3A_382 = arith.addi %mul3A_91, %add3A_381 : i32
      %dma_start3A_383 = arith.constant 0 : i32
      %dma_start3A_384 = tpu.memref_slice %arg13[%add3A_382, %dma_start3A_383] : memref<256x64xf32, #tpu.memory_space<vmem>> -> memref<1x64xf32, #tpu.memory_space<vmem>>
      %dma_start3A_385 = arith.constant 0 : i32
      %dma_start3A_386 = tpu.memref_slice %arg4[%squeeze3A_380, %dma_start3A_385] : memref<1000000x64xf32, #tpu.memory_space<hbm>> -> memref<1x64xf32, #tpu.memory_space<hbm>>
      %dma_start3A_387 = arith.constant 0 : i32
      %dma_start3A_388 = tpu.memref_slice %arg13[%add3A_382, %dma_start3A_387] : memref<256x64xf32, #tpu.memory_space<vmem>> -> memref<1x64xf32, #tpu.memory_space<vmem>>
      %dma_start3A_389 = arith.constant 0 : i32
      %dma_start3A_390 = tpu.memref_slice %arg4[%squeeze3A_380, %dma_start3A_389] : memref<1000000x64xf32, #tpu.memory_space<hbm>> -> memref<1x64xf32, #tpu.memory_space<hbm>>
      tpu.enqueue_dma source(%dma_start3A_390 : memref<1x64xf32, #tpu.memory_space<hbm>>) target(%dma_start3A_388 : memref<1x64xf32, #tpu.memory_space<vmem>>) target_semaphore(%arg15 : memref<!tpu.dma_semaphore, #tpu.memory_space<semaphore_mem>>)
      %add3A_391 = arith.constant 13 : i32
      %add3A_392 = arith.addi %mul3A_91, %add3A_391 : i32
      %dma_start3A_393 = arith.constant 0 : i32
      %dma_start3A_394 = tpu.memref_slice %arg14[%add3A_392, %dma_start3A_393] : memref<256x64xf32, #tpu.memory_space<vmem>> -> memref<1x64xf32, #tpu.memory_space<vmem>>
      %dma_start3A_395 = arith.constant 0 : i32
      %dma_start3A_396 = tpu.memref_slice %arg6[%squeeze3A_380, %dma_start3A_395] : memref<1000000x64xf32, #tpu.memory_space<hbm>> -> memref<1x64xf32, #tpu.memory_space<hbm>>
      %dma_start3A_397 = arith.constant 0 : i32
      %dma_start3A_398 = tpu.memref_slice %arg14[%add3A_392, %dma_start3A_397] : memref<256x64xf32, #tpu.memory_space<vmem>> -> memref<1x64xf32, #tpu.memory_space<vmem>>
      %dma_start3A_399 = arith.constant 0 : i32
      %dma_start3A_400 = tpu.memref_slice %arg6[%squeeze3A_380, %dma_start3A_399] : memref<1000000x64xf32, #tpu.memory_space<hbm>> -> memref<1x64xf32, #tpu.memory_space<hbm>>
      tpu.enqueue_dma source(%dma_start3A_400 : memref<1x64xf32, #tpu.memory_space<hbm>>) target(%dma_start3A_398 : memref<1x64xf32, #tpu.memory_space<vmem>>) target_semaphore(%arg16 : memref<!tpu.dma_semaphore, #tpu.memory_space<semaphore_mem>>)
      %slice3A_401 = vector.extract_strided_slice %get3A_95 {offsets = [14], sizes = [1], strides = [1]} : vector<16xi32> to vector<1xi32>
      %squeeze3A_402 = vector.extract %slice3A_401[0] : i32 from vector<1xi32>
      %add3A_403 = arith.constant 14 : i32
      %add3A_404 = arith.addi %mul3A_91, %add3A_403 : i32
      %dma_start3A_405 = arith.constant 0 : i32
      %dma_start3A_406 = tpu.memref_slice %arg13[%add3A_404, %dma_start3A_405] : memref<256x64xf32, #tpu.memory_space<vmem>> -> memref<1x64xf32, #tpu.memory_space<vmem>>
      %dma_start3A_407 = arith.constant 0 : i32
      %dma_start3A_408 = tpu.memref_slice %arg4[%squeeze3A_402, %dma_start3A_407] : memref<1000000x64xf32, #tpu.memory_space<hbm>> -> memref<1x64xf32, #tpu.memory_space<hbm>>
      %dma_start3A_409 = arith.constant 0 : i32
      %dma_start3A_410 = tpu.memref_slice %arg13[%add3A_404, %dma_start3A_409] : memref<256x64xf32, #tpu.memory_space<vmem>> -> memref<1x64xf32, #tpu.memory_space<vmem>>
      %dma_start3A_411 = arith.constant 0 : i32
      %dma_start3A_412 = tpu.memref_slice %arg4[%squeeze3A_402, %dma_start3A_411] : memref<1000000x64xf32, #tpu.memory_space<hbm>> -> memref<1x64xf32, #tpu.memory_space<hbm>>
      tpu.enqueue_dma source(%dma_start3A_412 : memref<1x64xf32, #tpu.memory_space<hbm>>) target(%dma_start3A_410 : memref<1x64xf32, #tpu.memory_space<vmem>>) target_semaphore(%arg15 : memref<!tpu.dma_semaphore, #tpu.memory_space<semaphore_mem>>)
      %add3A_413 = arith.constant 14 : i32
      %add3A_414 = arith.addi %mul3A_91, %add3A_413 : i32
      %dma_start3A_415 = arith.constant 0 : i32
      %dma_start3A_416 = tpu.memref_slice %arg14[%add3A_414, %dma_start3A_415] : memref<256x64xf32, #tpu.memory_space<vmem>> -> memref<1x64xf32, #tpu.memory_space<vmem>>
      %dma_start3A_417 = arith.constant 0 : i32
      %dma_start3A_418 = tpu.memref_slice %arg6[%squeeze3A_402, %dma_start3A_417] : memref<1000000x64xf32, #tpu.memory_space<hbm>> -> memref<1x64xf32, #tpu.memory_space<hbm>>
      %dma_start3A_419 = arith.constant 0 : i32
      %dma_start3A_420 = tpu.memref_slice %arg14[%add3A_414, %dma_start3A_419] : memref<256x64xf32, #tpu.memory_space<vmem>> -> memref<1x64xf32, #tpu.memory_space<vmem>>
      %dma_start3A_421 = arith.constant 0 : i32
      %dma_start3A_422 = tpu.memref_slice %arg6[%squeeze3A_402, %dma_start3A_421] : memref<1000000x64xf32, #tpu.memory_space<hbm>> -> memref<1x64xf32, #tpu.memory_space<hbm>>
      tpu.enqueue_dma source(%dma_start3A_422 : memref<1x64xf32, #tpu.memory_space<hbm>>) target(%dma_start3A_420 : memref<1x64xf32, #tpu.memory_space<vmem>>) target_semaphore(%arg16 : memref<!tpu.dma_semaphore, #tpu.memory_space<semaphore_mem>>)
      %slice3A_423 = vector.extract_strided_slice %get3A_95 {offsets = [15], sizes = [1], strides = [1]} : vector<16xi32> to vector<1xi32>
      %squeeze3A_424 = vector.extract %slice3A_423[0] : i32 from vector<1xi32>
      %add3A_425 = arith.constant 15 : i32
      %add3A_426 = arith.addi %mul3A_91, %add3A_425 : i32
      %dma_start3A_427 = arith.constant 0 : i32
      %dma_start3A_428 = tpu.memref_slice %arg13[%add3A_426, %dma_start3A_427] : memref<256x64xf32, #tpu.memory_space<vmem>> -> memref<1x64xf32, #tpu.memory_space<vmem>>
      %dma_start3A_429 = arith.constant 0 : i32
      %dma_start3A_430 = tpu.memref_slice %arg4[%squeeze3A_424, %dma_start3A_429] : memref<1000000x64xf32, #tpu.memory_space<hbm>> -> memref<1x64xf32, #tpu.memory_space<hbm>>
      %dma_start3A_431 = arith.constant 0 : i32
      %dma_start3A_432 = tpu.memref_slice %arg13[%add3A_426, %dma_start3A_431] : memref<256x64xf32, #tpu.memory_space<vmem>> -> memref<1x64xf32, #tpu.memory_space<vmem>>
      %dma_start3A_433 = arith.constant 0 : i32
      %dma_start3A_434 = tpu.memref_slice %arg4[%squeeze3A_424, %dma_start3A_433] : memref<1000000x64xf32, #tpu.memory_space<hbm>> -> memref<1x64xf32, #tpu.memory_space<hbm>>
      tpu.enqueue_dma source(%dma_start3A_434 : memref<1x64xf32, #tpu.memory_space<hbm>>) target(%dma_start3A_432 : memref<1x64xf32, #tpu.memory_space<vmem>>) target_semaphore(%arg15 : memref<!tpu.dma_semaphore, #tpu.memory_space<semaphore_mem>>)
      %add3A_435 = arith.constant 15 : i32
      %add3A_436 = arith.addi %mul3A_91, %add3A_435 : i32
      %dma_start3A_437 = arith.constant 0 : i32
      %dma_start3A_438 = tpu.memref_slice %arg14[%add3A_436, %dma_start3A_437] : memref<256x64xf32, #tpu.memory_space<vmem>> -> memref<1x64xf32, #tpu.memory_space<vmem>>
      %dma_start3A_439 = arith.constant 0 : i32
      %dma_start3A_440 = tpu.memref_slice %arg6[%squeeze3A_424, %dma_start3A_439] : memref<1000000x64xf32, #tpu.memory_space<hbm>> -> memref<1x64xf32, #tpu.memory_space<hbm>>
      %dma_start3A_441 = arith.constant 0 : i32
      %dma_start3A_442 = tpu.memref_slice %arg14[%add3A_436, %dma_start3A_441] : memref<256x64xf32, #tpu.memory_space<vmem>> -> memref<1x64xf32, #tpu.memory_space<vmem>>
      %dma_start3A_443 = arith.constant 0 : i32
      %dma_start3A_444 = tpu.memref_slice %arg6[%squeeze3A_424, %dma_start3A_443] : memref<1000000x64xf32, #tpu.memory_space<hbm>> -> memref<1x64xf32, #tpu.memory_space<hbm>>
      tpu.enqueue_dma source(%dma_start3A_444 : memref<1x64xf32, #tpu.memory_space<hbm>>) target(%dma_start3A_442 : memref<1x64xf32, #tpu.memory_space<vmem>>) target_semaphore(%arg16 : memref<!tpu.dma_semaphore, #tpu.memory_space<semaphore_mem>>)
    }
    %scan3A_7 = arith.constant 16 : i32
    %dma_wait3A = arith.constant 0 : i32
    %dma_wait3A_8 = arith.constant 0 : i32
    %dma_wait3A_9 = tpu.memref_slice %arg4[%dma_wait3A, %dma_wait3A_8] : memref<1000000x64xf32, #tpu.memory_space<hbm>> -> memref<256x64xf32, #tpu.memory_space<hbm>>
    %dma_wait3A_10 = arith.constant 0 : i32
    %dma_wait3A_11 = arith.constant 0 : i32
    %dma_wait3A_12 = tpu.memref_slice %arg4[%dma_wait3A_10, %dma_wait3A_11] : memref<1000000x64xf32, #tpu.memory_space<hbm>> -> memref<256x64xf32, #tpu.memory_space<hbm>>
    tpu.wait_dma2 semaphore(%arg15 : memref<!tpu.dma_semaphore, #tpu.memory_space<semaphore_mem>>) src(%dma_wait3A_12 : memref<256x64xf32, #tpu.memory_space<hbm>>) dst(%arg13 : memref<256x64xf32, #tpu.memory_space<vmem>>)
    %dma_wait3A_13 = arith.constant 0 : i32
    %dma_wait3A_14 = arith.constant 0 : i32
    %dma_wait3A_15 = tpu.memref_slice %arg6[%dma_wait3A_13, %dma_wait3A_14] : memref<1000000x64xf32, #tpu.memory_space<hbm>> -> memref<256x64xf32, #tpu.memory_space<hbm>>
    %dma_wait3A_16 = arith.constant 0 : i32
    %dma_wait3A_17 = arith.constant 0 : i32
    %dma_wait3A_18 = tpu.memref_slice %arg6[%dma_wait3A_16, %dma_wait3A_17] : memref<1000000x64xf32, #tpu.memory_space<hbm>> -> memref<256x64xf32, #tpu.memory_space<hbm>>
    tpu.wait_dma2 semaphore(%arg16 : memref<!tpu.dma_semaphore, #tpu.memory_space<semaphore_mem>>) src(%dma_wait3A_18 : memref<256x64xf32, #tpu.memory_space<hbm>>) dst(%arg14 : memref<256x64xf32, #tpu.memory_space<vmem>>)
    %add3A_19 = arith.constant 0 : i32
    %add3A_20 = arith.addi %mul3A_2, %add3A_19 : i32
    "tpu.region"() ({
      %run_scoped3A = tpu.sem_alloc : memref<!tpu.dma_semaphore, #tpu.memory_space<semaphore_mem>>
      %dma_start3A = arith.constant 0 : i32
      %dma_start3A_89 = tpu.memref_slice %arg8[%add3A_20, %dma_start3A] : memref<16384x64xf32, #tpu.memory_space<hbm>> -> memref<256x64xf32, #tpu.memory_space<hbm>>
      %dma_start3A_90 = arith.constant 0 : i32
      %dma_start3A_91 = tpu.memref_slice %arg8[%add3A_20, %dma_start3A_90] : memref<16384x64xf32, #tpu.memory_space<hbm>> -> memref<256x64xf32, #tpu.memory_space<hbm>>
      tpu.enqueue_dma source(%arg13 : memref<256x64xf32, #tpu.memory_space<vmem>>) target(%dma_start3A_91 : memref<256x64xf32, #tpu.memory_space<hbm>>) target_semaphore(%run_scoped3A : memref<!tpu.dma_semaphore, #tpu.memory_space<semaphore_mem>>)
      %dma_wait3A_92 = arith.constant 0 : i32
      %dma_wait3A_93 = tpu.memref_slice %arg8[%add3A_20, %dma_wait3A_92] : memref<16384x64xf32, #tpu.memory_space<hbm>> -> memref<256x64xf32, #tpu.memory_space<hbm>>
      %dma_wait3A_94 = arith.constant 0 : i32
      %dma_wait3A_95 = tpu.memref_slice %arg8[%add3A_20, %dma_wait3A_94] : memref<16384x64xf32, #tpu.memory_space<hbm>> -> memref<256x64xf32, #tpu.memory_space<hbm>>
      tpu.wait_dma2 semaphore(%run_scoped3A : memref<!tpu.dma_semaphore, #tpu.memory_space<semaphore_mem>>) src(%arg13 : memref<256x64xf32, #tpu.memory_space<vmem>>) dst(%dma_wait3A_95 : memref<256x64xf32, #tpu.memory_space<hbm>>)
      tpu.yield
    }) : () -> ()
    %add3A_21 = arith.constant 0 : i32
    %add3A_22 = arith.addi %mul3A_2, %add3A_21 : i32
    "tpu.region"() ({
      %run_scoped3A = tpu.sem_alloc : memref<!tpu.dma_semaphore, #tpu.memory_space<semaphore_mem>>
      %dma_start3A = arith.constant 0 : i32
      %dma_start3A_89 = tpu.memref_slice %arg10[%add3A_22, %dma_start3A] : memref<16384x64xf32, #tpu.memory_space<hbm>> -> memref<256x64xf32, #tpu.memory_space<hbm>>
      %dma_start3A_90 = arith.constant 0 : i32
      %dma_start3A_91 = tpu.memref_slice %arg10[%add3A_22, %dma_start3A_90] : memref<16384x64xf32, #tpu.memory_space<hbm>> -> memref<256x64xf32, #tpu.memory_space<hbm>>
      tpu.enqueue_dma source(%arg14 : memref<256x64xf32, #tpu.memory_space<vmem>>) target(%dma_start3A_91 : memref<256x64xf32, #tpu.memory_space<hbm>>) target_semaphore(%run_scoped3A : memref<!tpu.dma_semaphore, #tpu.memory_space<semaphore_mem>>)
      %dma_wait3A_92 = arith.constant 0 : i32
      %dma_wait3A_93 = tpu.memref_slice %arg10[%add3A_22, %dma_wait3A_92] : memref<16384x64xf32, #tpu.memory_space<hbm>> -> memref<256x64xf32, #tpu.memory_space<hbm>>
      %dma_wait3A_94 = arith.constant 0 : i32
      %dma_wait3A_95 = tpu.memref_slice %arg10[%add3A_22, %dma_wait3A_94] : memref<16384x64xf32, #tpu.memory_space<hbm>> -> memref<256x64xf32, #tpu.memory_space<hbm>>
      tpu.wait_dma2 semaphore(%run_scoped3A : memref<!tpu.dma_semaphore, #tpu.memory_space<semaphore_mem>>) src(%arg14 : memref<256x64xf32, #tpu.memory_space<vmem>>) dst(%dma_wait3A_95 : memref<256x64xf32, #tpu.memory_space<hbm>>)
      tpu.yield
    }) : () -> ()
    %scan3A_23 = arith.constant 0 : i32
    %scan3A_24 = arith.constant 0 : i32
    %scan3A_25 = arith.constant 16 : i32
    %scan3A_26 = arith.addi %scan3A_24, %scan3A_25 : i32
    %scan3A_27 = arith.constant 1 : i32
    scf.for %scan3A_89 = %scan3A_24 to %scan3A_26 step %scan3A_27  : i32 {
      %mul3A_90 = arith.constant 16 : i32
      %mul3A_91 = arith.muli %scan3A_89, %mul3A_90 : i32
      %add3A_92 = arith.constant 256 : i32
      %add3A_93 = arith.addi %add3A_92, %mul3A_91 : i32
      %get3A = arith.index_cast %add3A_93 : i32 to index
      %get3A_94 = tpu.vector_load %arg12[%get3A] {strides = array<i32>} : memref<512xi32, #tpu.memory_space<vmem>>, vector<16xi32>,
      %get3A_95 = vector.shape_cast %get3A_94 : vector<16xi32> to vector<16xi32>
      %slice3A = vector.extract_strided_slice %get3A_95 {offsets = [0], sizes = [1], strides = [1]} : vector<16xi32> to vector<1xi32>
      %squeeze3A = vector.extract %slice3A[0] : i32 from vector<1xi32>
      %add3A_96 = arith.constant 0 : i32
      %add3A_97 = arith.addi %mul3A_91, %add3A_96 : i32
      %dma_start3A = arith.constant 0 : i32
      %dma_start3A_98 = tpu.memref_slice %arg13[%add3A_97, %dma_start3A] : memref<256x64xf32, #tpu.memory_space<vmem>> -> memref<1x64xf32, #tpu.memory_space<vmem>>
      %dma_start3A_99 = arith.constant 0 : i32
      %dma_start3A_100 = tpu.memref_slice %arg4[%squeeze3A, %dma_start3A_99] : memref<1000000x64xf32, #tpu.memory_space<hbm>> -> memref<1x64xf32, #tpu.memory_space<hbm>>
      %dma_start3A_101 = arith.constant 0 : i32
      %dma_start3A_102 = tpu.memref_slice %arg13[%add3A_97, %dma_start3A_101] : memref<256x64xf32, #tpu.memory_space<vmem>> -> memref<1x64xf32, #tpu.memory_space<vmem>>
      %dma_start3A_103 = arith.constant 0 : i32
      %dma_start3A_104 = tpu.memref_slice %arg4[%squeeze3A, %dma_start3A_103] : memref<1000000x64xf32, #tpu.memory_space<hbm>> -> memref<1x64xf32, #tpu.memory_space<hbm>>
      tpu.enqueue_dma source(%dma_start3A_104 : memref<1x64xf32, #tpu.memory_space<hbm>>) target(%dma_start3A_102 : memref<1x64xf32, #tpu.memory_space<vmem>>) target_semaphore(%arg15 : memref<!tpu.dma_semaphore, #tpu.memory_space<semaphore_mem>>)
      %add3A_105 = arith.constant 0 : i32
      %add3A_106 = arith.addi %mul3A_91, %add3A_105 : i32
      %dma_start3A_107 = arith.constant 0 : i32
      %dma_start3A_108 = tpu.memref_slice %arg14[%add3A_106, %dma_start3A_107] : memref<256x64xf32, #tpu.memory_space<vmem>> -> memref<1x64xf32, #tpu.memory_space<vmem>>
      %dma_start3A_109 = arith.constant 0 : i32
      %dma_start3A_110 = tpu.memref_slice %arg6[%squeeze3A, %dma_start3A_109] : memref<1000000x64xf32, #tpu.memory_space<hbm>> -> memref<1x64xf32, #tpu.memory_space<hbm>>
      %dma_start3A_111 = arith.constant 0 : i32
      %dma_start3A_112 = tpu.memref_slice %arg14[%add3A_106, %dma_start3A_111] : memref<256x64xf32, #tpu.memory_space<vmem>> -> memref<1x64xf32, #tpu.memory_space<vmem>>
      %dma_start3A_113 = arith.constant 0 : i32
      %dma_start3A_114 = tpu.memref_slice %arg6[%squeeze3A, %dma_start3A_113] : memref<1000000x64xf32, #tpu.memory_space<hbm>> -> memref<1x64xf32, #tpu.memory_space<hbm>>
      tpu.enqueue_dma source(%dma_start3A_114 : memref<1x64xf32, #tpu.memory_space<hbm>>) target(%dma_start3A_112 : memref<1x64xf32, #tpu.memory_space<vmem>>) target_semaphore(%arg16 : memref<!tpu.dma_semaphore, #tpu.memory_space<semaphore_mem>>)
      %slice3A_115 = vector.extract_strided_slice %get3A_95 {offsets = [1], sizes = [1], strides = [1]} : vector<16xi32> to vector<1xi32>
      %squeeze3A_116 = vector.extract %slice3A_115[0] : i32 from vector<1xi32>
      %add3A_117 = arith.constant 1 : i32
      %add3A_118 = arith.addi %mul3A_91, %add3A_117 : i32
      %dma_start3A_119 = arith.constant 0 : i32
      %dma_start3A_120 = tpu.memref_slice %arg13[%add3A_118, %dma_start3A_119] : memref<256x64xf32, #tpu.memory_space<vmem>> -> memref<1x64xf32, #tpu.memory_space<vmem>>
      %dma_start3A_121 = arith.constant 0 : i32
      %dma_start3A_122 = tpu.memref_slice %arg4[%squeeze3A_116, %dma_start3A_121] : memref<1000000x64xf32, #tpu.memory_space<hbm>> -> memref<1x64xf32, #tpu.memory_space<hbm>>
      %dma_start3A_123 = arith.constant 0 : i32
      %dma_start3A_124 = tpu.memref_slice %arg13[%add3A_118, %dma_start3A_123] : memref<256x64xf32, #tpu.memory_space<vmem>> -> memref<1x64xf32, #tpu.memory_space<vmem>>
      %dma_start3A_125 = arith.constant 0 : i32
      %dma_start3A_126 = tpu.memref_slice %arg4[%squeeze3A_116, %dma_start3A_125] : memref<1000000x64xf32, #tpu.memory_space<hbm>> -> memref<1x64xf32, #tpu.memory_space<hbm>>
      tpu.enqueue_dma source(%dma_start3A_126 : memref<1x64xf32, #tpu.memory_space<hbm>>) target(%dma_start3A_124 : memref<1x64xf32, #tpu.memory_space<vmem>>) target_semaphore(%arg15 : memref<!tpu.dma_semaphore, #tpu.memory_space<semaphore_mem>>)
      %add3A_127 = arith.constant 1 : i32
      %add3A_128 = arith.addi %mul3A_91, %add3A_127 : i32
      %dma_start3A_129 = arith.constant 0 : i32
      %dma_start3A_130 = tpu.memref_slice %arg14[%add3A_128, %dma_start3A_129] : memref<256x64xf32, #tpu.memory_space<vmem>> -> memref<1x64xf32, #tpu.memory_space<vmem>>
      %dma_start3A_131 = arith.constant 0 : i32
      %dma_start3A_132 = tpu.memref_slice %arg6[%squeeze3A_116, %dma_start3A_131] : memref<1000000x64xf32, #tpu.memory_space<hbm>> -> memref<1x64xf32, #tpu.memory_space<hbm>>
      %dma_start3A_133 = arith.constant 0 : i32
      %dma_start3A_134 = tpu.memref_slice %arg14[%add3A_128, %dma_start3A_133] : memref<256x64xf32, #tpu.memory_space<vmem>> -> memref<1x64xf32, #tpu.memory_space<vmem>>
      %dma_start3A_135 = arith.constant 0 : i32
      %dma_start3A_136 = tpu.memref_slice %arg6[%squeeze3A_116, %dma_start3A_135] : memref<1000000x64xf32, #tpu.memory_space<hbm>> -> memref<1x64xf32, #tpu.memory_space<hbm>>
      tpu.enqueue_dma source(%dma_start3A_136 : memref<1x64xf32, #tpu.memory_space<hbm>>) target(%dma_start3A_134 : memref<1x64xf32, #tpu.memory_space<vmem>>) target_semaphore(%arg16 : memref<!tpu.dma_semaphore, #tpu.memory_space<semaphore_mem>>)
      %slice3A_137 = vector.extract_strided_slice %get3A_95 {offsets = [2], sizes = [1], strides = [1]} : vector<16xi32> to vector<1xi32>
      %squeeze3A_138 = vector.extract %slice3A_137[0] : i32 from vector<1xi32>
      %add3A_139 = arith.constant 2 : i32
      %add3A_140 = arith.addi %mul3A_91, %add3A_139 : i32
      %dma_start3A_141 = arith.constant 0 : i32
      %dma_start3A_142 = tpu.memref_slice %arg13[%add3A_140, %dma_start3A_141] : memref<256x64xf32, #tpu.memory_space<vmem>> -> memref<1x64xf32, #tpu.memory_space<vmem>>
      %dma_start3A_143 = arith.constant 0 : i32
      %dma_start3A_144 = tpu.memref_slice %arg4[%squeeze3A_138, %dma_start3A_143] : memref<1000000x64xf32, #tpu.memory_space<hbm>> -> memref<1x64xf32, #tpu.memory_space<hbm>>
      %dma_start3A_145 = arith.constant 0 : i32
      %dma_start3A_146 = tpu.memref_slice %arg13[%add3A_140, %dma_start3A_145] : memref<256x64xf32, #tpu.memory_space<vmem>> -> memref<1x64xf32, #tpu.memory_space<vmem>>
      %dma_start3A_147 = arith.constant 0 : i32
      %dma_start3A_148 = tpu.memref_slice %arg4[%squeeze3A_138, %dma_start3A_147] : memref<1000000x64xf32, #tpu.memory_space<hbm>> -> memref<1x64xf32, #tpu.memory_space<hbm>>
      tpu.enqueue_dma source(%dma_start3A_148 : memref<1x64xf32, #tpu.memory_space<hbm>>) target(%dma_start3A_146 : memref<1x64xf32, #tpu.memory_space<vmem>>) target_semaphore(%arg15 : memref<!tpu.dma_semaphore, #tpu.memory_space<semaphore_mem>>)
      %add3A_149 = arith.constant 2 : i32
      %add3A_150 = arith.addi %mul3A_91, %add3A_149 : i32
      %dma_start3A_151 = arith.constant 0 : i32
      %dma_start3A_152 = tpu.memref_slice %arg14[%add3A_150, %dma_start3A_151] : memref<256x64xf32, #tpu.memory_space<vmem>> -> memref<1x64xf32, #tpu.memory_space<vmem>>
      %dma_start3A_153 = arith.constant 0 : i32
      %dma_start3A_154 = tpu.memref_slice %arg6[%squeeze3A_138, %dma_start3A_153] : memref<1000000x64xf32, #tpu.memory_space<hbm>> -> memref<1x64xf32, #tpu.memory_space<hbm>>
      %dma_start3A_155 = arith.constant 0 : i32
      %dma_start3A_156 = tpu.memref_slice %arg14[%add3A_150, %dma_start3A_155] : memref<256x64xf32, #tpu.memory_space<vmem>> -> memref<1x64xf32, #tpu.memory_space<vmem>>
      %dma_start3A_157 = arith.constant 0 : i32
      %dma_start3A_158 = tpu.memref_slice %arg6[%squeeze3A_138, %dma_start3A_157] : memref<1000000x64xf32, #tpu.memory_space<hbm>> -> memref<1x64xf32, #tpu.memory_space<hbm>>
      tpu.enqueue_dma source(%dma_start3A_158 : memref<1x64xf32, #tpu.memory_space<hbm>>) target(%dma_start3A_156 : memref<1x64xf32, #tpu.memory_space<vmem>>) target_semaphore(%arg16 : memref<!tpu.dma_semaphore, #tpu.memory_space<semaphore_mem>>)
      %slice3A_159 = vector.extract_strided_slice %get3A_95 {offsets = [3], sizes = [1], strides = [1]} : vector<16xi32> to vector<1xi32>
      %squeeze3A_160 = vector.extract %slice3A_159[0] : i32 from vector<1xi32>
      %add3A_161 = arith.constant 3 : i32
      %add3A_162 = arith.addi %mul3A_91, %add3A_161 : i32
      %dma_start3A_163 = arith.constant 0 : i32
      %dma_start3A_164 = tpu.memref_slice %arg13[%add3A_162, %dma_start3A_163] : memref<256x64xf32, #tpu.memory_space<vmem>> -> memref<1x64xf32, #tpu.memory_space<vmem>>
      %dma_start3A_165 = arith.constant 0 : i32
      %dma_start3A_166 = tpu.memref_slice %arg4[%squeeze3A_160, %dma_start3A_165] : memref<1000000x64xf32, #tpu.memory_space<hbm>> -> memref<1x64xf32, #tpu.memory_space<hbm>>
      %dma_start3A_167 = arith.constant 0 : i32
      %dma_start3A_168 = tpu.memref_slice %arg13[%add3A_162, %dma_start3A_167] : memref<256x64xf32, #tpu.memory_space<vmem>> -> memref<1x64xf32, #tpu.memory_space<vmem>>
      %dma_start3A_169 = arith.constant 0 : i32
      %dma_start3A_170 = tpu.memref_slice %arg4[%squeeze3A_160, %dma_start3A_169] : memref<1000000x64xf32, #tpu.memory_space<hbm>> -> memref<1x64xf32, #tpu.memory_space<hbm>>
      tpu.enqueue_dma source(%dma_start3A_170 : memref<1x64xf32, #tpu.memory_space<hbm>>) target(%dma_start3A_168 : memref<1x64xf32, #tpu.memory_space<vmem>>) target_semaphore(%arg15 : memref<!tpu.dma_semaphore, #tpu.memory_space<semaphore_mem>>)
      %add3A_171 = arith.constant 3 : i32
      %add3A_172 = arith.addi %mul3A_91, %add3A_171 : i32
      %dma_start3A_173 = arith.constant 0 : i32
      %dma_start3A_174 = tpu.memref_slice %arg14[%add3A_172, %dma_start3A_173] : memref<256x64xf32, #tpu.memory_space<vmem>> -> memref<1x64xf32, #tpu.memory_space<vmem>>
      %dma_start3A_175 = arith.constant 0 : i32
      %dma_start3A_176 = tpu.memref_slice %arg6[%squeeze3A_160, %dma_start3A_175] : memref<1000000x64xf32, #tpu.memory_space<hbm>> -> memref<1x64xf32, #tpu.memory_space<hbm>>
      %dma_start3A_177 = arith.constant 0 : i32
      %dma_start3A_178 = tpu.memref_slice %arg14[%add3A_172, %dma_start3A_177] : memref<256x64xf32, #tpu.memory_space<vmem>> -> memref<1x64xf32, #tpu.memory_space<vmem>>
      %dma_start3A_179 = arith.constant 0 : i32
      %dma_start3A_180 = tpu.memref_slice %arg6[%squeeze3A_160, %dma_start3A_179] : memref<1000000x64xf32, #tpu.memory_space<hbm>> -> memref<1x64xf32, #tpu.memory_space<hbm>>
      tpu.enqueue_dma source(%dma_start3A_180 : memref<1x64xf32, #tpu.memory_space<hbm>>) target(%dma_start3A_178 : memref<1x64xf32, #tpu.memory_space<vmem>>) target_semaphore(%arg16 : memref<!tpu.dma_semaphore, #tpu.memory_space<semaphore_mem>>)
      %slice3A_181 = vector.extract_strided_slice %get3A_95 {offsets = [4], sizes = [1], strides = [1]} : vector<16xi32> to vector<1xi32>
      %squeeze3A_182 = vector.extract %slice3A_181[0] : i32 from vector<1xi32>
      %add3A_183 = arith.constant 4 : i32
      %add3A_184 = arith.addi %mul3A_91, %add3A_183 : i32
      %dma_start3A_185 = arith.constant 0 : i32
      %dma_start3A_186 = tpu.memref_slice %arg13[%add3A_184, %dma_start3A_185] : memref<256x64xf32, #tpu.memory_space<vmem>> -> memref<1x64xf32, #tpu.memory_space<vmem>>
      %dma_start3A_187 = arith.constant 0 : i32
      %dma_start3A_188 = tpu.memref_slice %arg4[%squeeze3A_182, %dma_start3A_187] : memref<1000000x64xf32, #tpu.memory_space<hbm>> -> memref<1x64xf32, #tpu.memory_space<hbm>>
      %dma_start3A_189 = arith.constant 0 : i32
      %dma_start3A_190 = tpu.memref_slice %arg13[%add3A_184, %dma_start3A_189] : memref<256x64xf32, #tpu.memory_space<vmem>> -> memref<1x64xf32, #tpu.memory_space<vmem>>
      %dma_start3A_191 = arith.constant 0 : i32
      %dma_start3A_192 = tpu.memref_slice %arg4[%squeeze3A_182, %dma_start3A_191] : memref<1000000x64xf32, #tpu.memory_space<hbm>> -> memref<1x64xf32, #tpu.memory_space<hbm>>
      tpu.enqueue_dma source(%dma_start3A_192 : memref<1x64xf32, #tpu.memory_space<hbm>>) target(%dma_start3A_190 : memref<1x64xf32, #tpu.memory_space<vmem>>) target_semaphore(%arg15 : memref<!tpu.dma_semaphore, #tpu.memory_space<semaphore_mem>>)
      %add3A_193 = arith.constant 4 : i32
      %add3A_194 = arith.addi %mul3A_91, %add3A_193 : i32
      %dma_start3A_195 = arith.constant 0 : i32
      %dma_start3A_196 = tpu.memref_slice %arg14[%add3A_194, %dma_start3A_195] : memref<256x64xf32, #tpu.memory_space<vmem>> -> memref<1x64xf32, #tpu.memory_space<vmem>>
      %dma_start3A_197 = arith.constant 0 : i32
      %dma_start3A_198 = tpu.memref_slice %arg6[%squeeze3A_182, %dma_start3A_197] : memref<1000000x64xf32, #tpu.memory_space<hbm>> -> memref<1x64xf32, #tpu.memory_space<hbm>>
      %dma_start3A_199 = arith.constant 0 : i32
      %dma_start3A_200 = tpu.memref_slice %arg14[%add3A_194, %dma_start3A_199] : memref<256x64xf32, #tpu.memory_space<vmem>> -> memref<1x64xf32, #tpu.memory_space<vmem>>
      %dma_start3A_201 = arith.constant 0 : i32
      %dma_start3A_202 = tpu.memref_slice %arg6[%squeeze3A_182, %dma_start3A_201] : memref<1000000x64xf32, #tpu.memory_space<hbm>> -> memref<1x64xf32, #tpu.memory_space<hbm>>
      tpu.enqueue_dma source(%dma_start3A_202 : memref<1x64xf32, #tpu.memory_space<hbm>>) target(%dma_start3A_200 : memref<1x64xf32, #tpu.memory_space<vmem>>) target_semaphore(%arg16 : memref<!tpu.dma_semaphore, #tpu.memory_space<semaphore_mem>>)
      %slice3A_203 = vector.extract_strided_slice %get3A_95 {offsets = [5], sizes = [1], strides = [1]} : vector<16xi32> to vector<1xi32>
      %squeeze3A_204 = vector.extract %slice3A_203[0] : i32 from vector<1xi32>
      %add3A_205 = arith.constant 5 : i32
      %add3A_206 = arith.addi %mul3A_91, %add3A_205 : i32
      %dma_start3A_207 = arith.constant 0 : i32
      %dma_start3A_208 = tpu.memref_slice %arg13[%add3A_206, %dma_start3A_207] : memref<256x64xf32, #tpu.memory_space<vmem>> -> memref<1x64xf32, #tpu.memory_space<vmem>>
      %dma_start3A_209 = arith.constant 0 : i32
      %dma_start3A_210 = tpu.memref_slice %arg4[%squeeze3A_204, %dma_start3A_209] : memref<1000000x64xf32, #tpu.memory_space<hbm>> -> memref<1x64xf32, #tpu.memory_space<hbm>>
      %dma_start3A_211 = arith.constant 0 : i32
      %dma_start3A_212 = tpu.memref_slice %arg13[%add3A_206, %dma_start3A_211] : memref<256x64xf32, #tpu.memory_space<vmem>> -> memref<1x64xf32, #tpu.memory_space<vmem>>
      %dma_start3A_213 = arith.constant 0 : i32
      %dma_start3A_214 = tpu.memref_slice %arg4[%squeeze3A_204, %dma_start3A_213] : memref<1000000x64xf32, #tpu.memory_space<hbm>> -> memref<1x64xf32, #tpu.memory_space<hbm>>
      tpu.enqueue_dma source(%dma_start3A_214 : memref<1x64xf32, #tpu.memory_space<hbm>>) target(%dma_start3A_212 : memref<1x64xf32, #tpu.memory_space<vmem>>) target_semaphore(%arg15 : memref<!tpu.dma_semaphore, #tpu.memory_space<semaphore_mem>>)
      %add3A_215 = arith.constant 5 : i32
      %add3A_216 = arith.addi %mul3A_91, %add3A_215 : i32
      %dma_start3A_217 = arith.constant 0 : i32
      %dma_start3A_218 = tpu.memref_slice %arg14[%add3A_216, %dma_start3A_217] : memref<256x64xf32, #tpu.memory_space<vmem>> -> memref<1x64xf32, #tpu.memory_space<vmem>>
      %dma_start3A_219 = arith.constant 0 : i32
      %dma_start3A_220 = tpu.memref_slice %arg6[%squeeze3A_204, %dma_start3A_219] : memref<1000000x64xf32, #tpu.memory_space<hbm>> -> memref<1x64xf32, #tpu.memory_space<hbm>>
      %dma_start3A_221 = arith.constant 0 : i32
      %dma_start3A_222 = tpu.memref_slice %arg14[%add3A_216, %dma_start3A_221] : memref<256x64xf32, #tpu.memory_space<vmem>> -> memref<1x64xf32, #tpu.memory_space<vmem>>
      %dma_start3A_223 = arith.constant 0 : i32
      %dma_start3A_224 = tpu.memref_slice %arg6[%squeeze3A_204, %dma_start3A_223] : memref<1000000x64xf32, #tpu.memory_space<hbm>> -> memref<1x64xf32, #tpu.memory_space<hbm>>
      tpu.enqueue_dma source(%dma_start3A_224 : memref<1x64xf32, #tpu.memory_space<hbm>>) target(%dma_start3A_222 : memref<1x64xf32, #tpu.memory_space<vmem>>) target_semaphore(%arg16 : memref<!tpu.dma_semaphore, #tpu.memory_space<semaphore_mem>>)
      %slice3A_225 = vector.extract_strided_slice %get3A_95 {offsets = [6], sizes = [1], strides = [1]} : vector<16xi32> to vector<1xi32>
      %squeeze3A_226 = vector.extract %slice3A_225[0] : i32 from vector<1xi32>
      %add3A_227 = arith.constant 6 : i32
      %add3A_228 = arith.addi %mul3A_91, %add3A_227 : i32
      %dma_start3A_229 = arith.constant 0 : i32
      %dma_start3A_230 = tpu.memref_slice %arg13[%add3A_228, %dma_start3A_229] : memref<256x64xf32, #tpu.memory_space<vmem>> -> memref<1x64xf32, #tpu.memory_space<vmem>>
      %dma_start3A_231 = arith.constant 0 : i32
      %dma_start3A_232 = tpu.memref_slice %arg4[%squeeze3A_226, %dma_start3A_231] : memref<1000000x64xf32, #tpu.memory_space<hbm>> -> memref<1x64xf32, #tpu.memory_space<hbm>>
      %dma_start3A_233 = arith.constant 0 : i32
      %dma_start3A_234 = tpu.memref_slice %arg13[%add3A_228, %dma_start3A_233] : memref<256x64xf32, #tpu.memory_space<vmem>> -> memref<1x64xf32, #tpu.memory_space<vmem>>
      %dma_start3A_235 = arith.constant 0 : i32
      %dma_start3A_236 = tpu.memref_slice %arg4[%squeeze3A_226, %dma_start3A_235] : memref<1000000x64xf32, #tpu.memory_space<hbm>> -> memref<1x64xf32, #tpu.memory_space<hbm>>
      tpu.enqueue_dma source(%dma_start3A_236 : memref<1x64xf32, #tpu.memory_space<hbm>>) target(%dma_start3A_234 : memref<1x64xf32, #tpu.memory_space<vmem>>) target_semaphore(%arg15 : memref<!tpu.dma_semaphore, #tpu.memory_space<semaphore_mem>>)
      %add3A_237 = arith.constant 6 : i32
      %add3A_238 = arith.addi %mul3A_91, %add3A_237 : i32
      %dma_start3A_239 = arith.constant 0 : i32
      %dma_start3A_240 = tpu.memref_slice %arg14[%add3A_238, %dma_start3A_239] : memref<256x64xf32, #tpu.memory_space<vmem>> -> memref<1x64xf32, #tpu.memory_space<vmem>>
      %dma_start3A_241 = arith.constant 0 : i32
      %dma_start3A_242 = tpu.memref_slice %arg6[%squeeze3A_226, %dma_start3A_241] : memref<1000000x64xf32, #tpu.memory_space<hbm>> -> memref<1x64xf32, #tpu.memory_space<hbm>>
      %dma_start3A_243 = arith.constant 0 : i32
      %dma_start3A_244 = tpu.memref_slice %arg14[%add3A_238, %dma_start3A_243] : memref<256x64xf32, #tpu.memory_space<vmem>> -> memref<1x64xf32, #tpu.memory_space<vmem>>
      %dma_start3A_245 = arith.constant 0 : i32
      %dma_start3A_246 = tpu.memref_slice %arg6[%squeeze3A_226, %dma_start3A_245] : memref<1000000x64xf32, #tpu.memory_space<hbm>> -> memref<1x64xf32, #tpu.memory_space<hbm>>
      tpu.enqueue_dma source(%dma_start3A_246 : memref<1x64xf32, #tpu.memory_space<hbm>>) target(%dma_start3A_244 : memref<1x64xf32, #tpu.memory_space<vmem>>) target_semaphore(%arg16 : memref<!tpu.dma_semaphore, #tpu.memory_space<semaphore_mem>>)
      %slice3A_247 = vector.extract_strided_slice %get3A_95 {offsets = [7], sizes = [1], strides = [1]} : vector<16xi32> to vector<1xi32>
      %squeeze3A_248 = vector.extract %slice3A_247[0] : i32 from vector<1xi32>
      %add3A_249 = arith.constant 7 : i32
      %add3A_250 = arith.addi %mul3A_91, %add3A_249 : i32
      %dma_start3A_251 = arith.constant 0 : i32
      %dma_start3A_252 = tpu.memref_slice %arg13[%add3A_250, %dma_start3A_251] : memref<256x64xf32, #tpu.memory_space<vmem>> -> memref<1x64xf32, #tpu.memory_space<vmem>>
      %dma_start3A_253 = arith.constant 0 : i32
      %dma_start3A_254 = tpu.memref_slice %arg4[%squeeze3A_248, %dma_start3A_253] : memref<1000000x64xf32, #tpu.memory_space<hbm>> -> memref<1x64xf32, #tpu.memory_space<hbm>>
      %dma_start3A_255 = arith.constant 0 : i32
      %dma_start3A_256 = tpu.memref_slice %arg13[%add3A_250, %dma_start3A_255] : memref<256x64xf32, #tpu.memory_space<vmem>> -> memref<1x64xf32, #tpu.memory_space<vmem>>
      %dma_start3A_257 = arith.constant 0 : i32
      %dma_start3A_258 = tpu.memref_slice %arg4[%squeeze3A_248, %dma_start3A_257] : memref<1000000x64xf32, #tpu.memory_space<hbm>> -> memref<1x64xf32, #tpu.memory_space<hbm>>
      tpu.enqueue_dma source(%dma_start3A_258 : memref<1x64xf32, #tpu.memory_space<hbm>>) target(%dma_start3A_256 : memref<1x64xf32, #tpu.memory_space<vmem>>) target_semaphore(%arg15 : memref<!tpu.dma_semaphore, #tpu.memory_space<semaphore_mem>>)
      %add3A_259 = arith.constant 7 : i32
      %add3A_260 = arith.addi %mul3A_91, %add3A_259 : i32
      %dma_start3A_261 = arith.constant 0 : i32
      %dma_start3A_262 = tpu.memref_slice %arg14[%add3A_260, %dma_start3A_261] : memref<256x64xf32, #tpu.memory_space<vmem>> -> memref<1x64xf32, #tpu.memory_space<vmem>>
      %dma_start3A_263 = arith.constant 0 : i32
      %dma_start3A_264 = tpu.memref_slice %arg6[%squeeze3A_248, %dma_start3A_263] : memref<1000000x64xf32, #tpu.memory_space<hbm>> -> memref<1x64xf32, #tpu.memory_space<hbm>>
      %dma_start3A_265 = arith.constant 0 : i32
      %dma_start3A_266 = tpu.memref_slice %arg14[%add3A_260, %dma_start3A_265] : memref<256x64xf32, #tpu.memory_space<vmem>> -> memref<1x64xf32, #tpu.memory_space<vmem>>
      %dma_start3A_267 = arith.constant 0 : i32
      %dma_start3A_268 = tpu.memref_slice %arg6[%squeeze3A_248, %dma_start3A_267] : memref<1000000x64xf32, #tpu.memory_space<hbm>> -> memref<1x64xf32, #tpu.memory_space<hbm>>
      tpu.enqueue_dma source(%dma_start3A_268 : memref<1x64xf32, #tpu.memory_space<hbm>>) target(%dma_start3A_266 : memref<1x64xf32, #tpu.memory_space<vmem>>) target_semaphore(%arg16 : memref<!tpu.dma_semaphore, #tpu.memory_space<semaphore_mem>>)
      %slice3A_269 = vector.extract_strided_slice %get3A_95 {offsets = [8], sizes = [1], strides = [1]} : vector<16xi32> to vector<1xi32>
      %squeeze3A_270 = vector.extract %slice3A_269[0] : i32 from vector<1xi32>
      %add3A_271 = arith.constant 8 : i32
      %add3A_272 = arith.addi %mul3A_91, %add3A_271 : i32
      %dma_start3A_273 = arith.constant 0 : i32
      %dma_start3A_274 = tpu.memref_slice %arg13[%add3A_272, %dma_start3A_273] : memref<256x64xf32, #tpu.memory_space<vmem>> -> memref<1x64xf32, #tpu.memory_space<vmem>>
      %dma_start3A_275 = arith.constant 0 : i32
      %dma_start3A_276 = tpu.memref_slice %arg4[%squeeze3A_270, %dma_start3A_275] : memref<1000000x64xf32, #tpu.memory_space<hbm>> -> memref<1x64xf32, #tpu.memory_space<hbm>>
      %dma_start3A_277 = arith.constant 0 : i32
      %dma_start3A_278 = tpu.memref_slice %arg13[%add3A_272, %dma_start3A_277] : memref<256x64xf32, #tpu.memory_space<vmem>> -> memref<1x64xf32, #tpu.memory_space<vmem>>
      %dma_start3A_279 = arith.constant 0 : i32
      %dma_start3A_280 = tpu.memref_slice %arg4[%squeeze3A_270, %dma_start3A_279] : memref<1000000x64xf32, #tpu.memory_space<hbm>> -> memref<1x64xf32, #tpu.memory_space<hbm>>
      tpu.enqueue_dma source(%dma_start3A_280 : memref<1x64xf32, #tpu.memory_space<hbm>>) target(%dma_start3A_278 : memref<1x64xf32, #tpu.memory_space<vmem>>) target_semaphore(%arg15 : memref<!tpu.dma_semaphore, #tpu.memory_space<semaphore_mem>>)
      %add3A_281 = arith.constant 8 : i32
      %add3A_282 = arith.addi %mul3A_91, %add3A_281 : i32
      %dma_start3A_283 = arith.constant 0 : i32
      %dma_start3A_284 = tpu.memref_slice %arg14[%add3A_282, %dma_start3A_283] : memref<256x64xf32, #tpu.memory_space<vmem>> -> memref<1x64xf32, #tpu.memory_space<vmem>>
      %dma_start3A_285 = arith.constant 0 : i32
      %dma_start3A_286 = tpu.memref_slice %arg6[%squeeze3A_270, %dma_start3A_285] : memref<1000000x64xf32, #tpu.memory_space<hbm>> -> memref<1x64xf32, #tpu.memory_space<hbm>>
      %dma_start3A_287 = arith.constant 0 : i32
      %dma_start3A_288 = tpu.memref_slice %arg14[%add3A_282, %dma_start3A_287] : memref<256x64xf32, #tpu.memory_space<vmem>> -> memref<1x64xf32, #tpu.memory_space<vmem>>
      %dma_start3A_289 = arith.constant 0 : i32
      %dma_start3A_290 = tpu.memref_slice %arg6[%squeeze3A_270, %dma_start3A_289] : memref<1000000x64xf32, #tpu.memory_space<hbm>> -> memref<1x64xf32, #tpu.memory_space<hbm>>
      tpu.enqueue_dma source(%dma_start3A_290 : memref<1x64xf32, #tpu.memory_space<hbm>>) target(%dma_start3A_288 : memref<1x64xf32, #tpu.memory_space<vmem>>) target_semaphore(%arg16 : memref<!tpu.dma_semaphore, #tpu.memory_space<semaphore_mem>>)
      %slice3A_291 = vector.extract_strided_slice %get3A_95 {offsets = [9], sizes = [1], strides = [1]} : vector<16xi32> to vector<1xi32>
      %squeeze3A_292 = vector.extract %slice3A_291[0] : i32 from vector<1xi32>
      %add3A_293 = arith.constant 9 : i32
      %add3A_294 = arith.addi %mul3A_91, %add3A_293 : i32
      %dma_start3A_295 = arith.constant 0 : i32
      %dma_start3A_296 = tpu.memref_slice %arg13[%add3A_294, %dma_start3A_295] : memref<256x64xf32, #tpu.memory_space<vmem>> -> memref<1x64xf32, #tpu.memory_space<vmem>>
      %dma_start3A_297 = arith.constant 0 : i32
      %dma_start3A_298 = tpu.memref_slice %arg4[%squeeze3A_292, %dma_start3A_297] : memref<1000000x64xf32, #tpu.memory_space<hbm>> -> memref<1x64xf32, #tpu.memory_space<hbm>>
      %dma_start3A_299 = arith.constant 0 : i32
      %dma_start3A_300 = tpu.memref_slice %arg13[%add3A_294, %dma_start3A_299] : memref<256x64xf32, #tpu.memory_space<vmem>> -> memref<1x64xf32, #tpu.memory_space<vmem>>
      %dma_start3A_301 = arith.constant 0 : i32
      %dma_start3A_302 = tpu.memref_slice %arg4[%squeeze3A_292, %dma_start3A_301] : memref<1000000x64xf32, #tpu.memory_space<hbm>> -> memref<1x64xf32, #tpu.memory_space<hbm>>
      tpu.enqueue_dma source(%dma_start3A_302 : memref<1x64xf32, #tpu.memory_space<hbm>>) target(%dma_start3A_300 : memref<1x64xf32, #tpu.memory_space<vmem>>) target_semaphore(%arg15 : memref<!tpu.dma_semaphore, #tpu.memory_space<semaphore_mem>>)
      %add3A_303 = arith.constant 9 : i32
      %add3A_304 = arith.addi %mul3A_91, %add3A_303 : i32
      %dma_start3A_305 = arith.constant 0 : i32
      %dma_start3A_306 = tpu.memref_slice %arg14[%add3A_304, %dma_start3A_305] : memref<256x64xf32, #tpu.memory_space<vmem>> -> memref<1x64xf32, #tpu.memory_space<vmem>>
      %dma_start3A_307 = arith.constant 0 : i32
      %dma_start3A_308 = tpu.memref_slice %arg6[%squeeze3A_292, %dma_start3A_307] : memref<1000000x64xf32, #tpu.memory_space<hbm>> -> memref<1x64xf32, #tpu.memory_space<hbm>>
      %dma_start3A_309 = arith.constant 0 : i32
      %dma_start3A_310 = tpu.memref_slice %arg14[%add3A_304, %dma_start3A_309] : memref<256x64xf32, #tpu.memory_space<vmem>> -> memref<1x64xf32, #tpu.memory_space<vmem>>
      %dma_start3A_311 = arith.constant 0 : i32
      %dma_start3A_312 = tpu.memref_slice %arg6[%squeeze3A_292, %dma_start3A_311] : memref<1000000x64xf32, #tpu.memory_space<hbm>> -> memref<1x64xf32, #tpu.memory_space<hbm>>
      tpu.enqueue_dma source(%dma_start3A_312 : memref<1x64xf32, #tpu.memory_space<hbm>>) target(%dma_start3A_310 : memref<1x64xf32, #tpu.memory_space<vmem>>) target_semaphore(%arg16 : memref<!tpu.dma_semaphore, #tpu.memory_space<semaphore_mem>>)
      %slice3A_313 = vector.extract_strided_slice %get3A_95 {offsets = [10], sizes = [1], strides = [1]} : vector<16xi32> to vector<1xi32>
      %squeeze3A_314 = vector.extract %slice3A_313[0] : i32 from vector<1xi32>
      %add3A_315 = arith.constant 10 : i32
      %add3A_316 = arith.addi %mul3A_91, %add3A_315 : i32
      %dma_start3A_317 = arith.constant 0 : i32
      %dma_start3A_318 = tpu.memref_slice %arg13[%add3A_316, %dma_start3A_317] : memref<256x64xf32, #tpu.memory_space<vmem>> -> memref<1x64xf32, #tpu.memory_space<vmem>>
      %dma_start3A_319 = arith.constant 0 : i32
      %dma_start3A_320 = tpu.memref_slice %arg4[%squeeze3A_314, %dma_start3A_319] : memref<1000000x64xf32, #tpu.memory_space<hbm>> -> memref<1x64xf32, #tpu.memory_space<hbm>>
      %dma_start3A_321 = arith.constant 0 : i32
      %dma_start3A_322 = tpu.memref_slice %arg13[%add3A_316, %dma_start3A_321] : memref<256x64xf32, #tpu.memory_space<vmem>> -> memref<1x64xf32, #tpu.memory_space<vmem>>
      %dma_start3A_323 = arith.constant 0 : i32
      %dma_start3A_324 = tpu.memref_slice %arg4[%squeeze3A_314, %dma_start3A_323] : memref<1000000x64xf32, #tpu.memory_space<hbm>> -> memref<1x64xf32, #tpu.memory_space<hbm>>
      tpu.enqueue_dma source(%dma_start3A_324 : memref<1x64xf32, #tpu.memory_space<hbm>>) target(%dma_start3A_322 : memref<1x64xf32, #tpu.memory_space<vmem>>) target_semaphore(%arg15 : memref<!tpu.dma_semaphore, #tpu.memory_space<semaphore_mem>>)
      %add3A_325 = arith.constant 10 : i32
      %add3A_326 = arith.addi %mul3A_91, %add3A_325 : i32
      %dma_start3A_327 = arith.constant 0 : i32
      %dma_start3A_328 = tpu.memref_slice %arg14[%add3A_326, %dma_start3A_327] : memref<256x64xf32, #tpu.memory_space<vmem>> -> memref<1x64xf32, #tpu.memory_space<vmem>>
      %dma_start3A_329 = arith.constant 0 : i32
      %dma_start3A_330 = tpu.memref_slice %arg6[%squeeze3A_314, %dma_start3A_329] : memref<1000000x64xf32, #tpu.memory_space<hbm>> -> memref<1x64xf32, #tpu.memory_space<hbm>>
      %dma_start3A_331 = arith.constant 0 : i32
      %dma_start3A_332 = tpu.memref_slice %arg14[%add3A_326, %dma_start3A_331] : memref<256x64xf32, #tpu.memory_space<vmem>> -> memref<1x64xf32, #tpu.memory_space<vmem>>
      %dma_start3A_333 = arith.constant 0 : i32
      %dma_start3A_334 = tpu.memref_slice %arg6[%squeeze3A_314, %dma_start3A_333] : memref<1000000x64xf32, #tpu.memory_space<hbm>> -> memref<1x64xf32, #tpu.memory_space<hbm>>
      tpu.enqueue_dma source(%dma_start3A_334 : memref<1x64xf32, #tpu.memory_space<hbm>>) target(%dma_start3A_332 : memref<1x64xf32, #tpu.memory_space<vmem>>) target_semaphore(%arg16 : memref<!tpu.dma_semaphore, #tpu.memory_space<semaphore_mem>>)
      %slice3A_335 = vector.extract_strided_slice %get3A_95 {offsets = [11], sizes = [1], strides = [1]} : vector<16xi32> to vector<1xi32>
      %squeeze3A_336 = vector.extract %slice3A_335[0] : i32 from vector<1xi32>
      %add3A_337 = arith.constant 11 : i32
      %add3A_338 = arith.addi %mul3A_91, %add3A_337 : i32
      %dma_start3A_339 = arith.constant 0 : i32
      %dma_start3A_340 = tpu.memref_slice %arg13[%add3A_338, %dma_start3A_339] : memref<256x64xf32, #tpu.memory_space<vmem>> -> memref<1x64xf32, #tpu.memory_space<vmem>>
      %dma_start3A_341 = arith.constant 0 : i32
      %dma_start3A_342 = tpu.memref_slice %arg4[%squeeze3A_336, %dma_start3A_341] : memref<1000000x64xf32, #tpu.memory_space<hbm>> -> memref<1x64xf32, #tpu.memory_space<hbm>>
      %dma_start3A_343 = arith.constant 0 : i32
      %dma_start3A_344 = tpu.memref_slice %arg13[%add3A_338, %dma_start3A_343] : memref<256x64xf32, #tpu.memory_space<vmem>> -> memref<1x64xf32, #tpu.memory_space<vmem>>
      %dma_start3A_345 = arith.constant 0 : i32
      %dma_start3A_346 = tpu.memref_slice %arg4[%squeeze3A_336, %dma_start3A_345] : memref<1000000x64xf32, #tpu.memory_space<hbm>> -> memref<1x64xf32, #tpu.memory_space<hbm>>
      tpu.enqueue_dma source(%dma_start3A_346 : memref<1x64xf32, #tpu.memory_space<hbm>>) target(%dma_start3A_344 : memref<1x64xf32, #tpu.memory_space<vmem>>) target_semaphore(%arg15 : memref<!tpu.dma_semaphore, #tpu.memory_space<semaphore_mem>>)
      %add3A_347 = arith.constant 11 : i32
      %add3A_348 = arith.addi %mul3A_91, %add3A_347 : i32
      %dma_start3A_349 = arith.constant 0 : i32
      %dma_start3A_350 = tpu.memref_slice %arg14[%add3A_348, %dma_start3A_349] : memref<256x64xf32, #tpu.memory_space<vmem>> -> memref<1x64xf32, #tpu.memory_space<vmem>>
      %dma_start3A_351 = arith.constant 0 : i32
      %dma_start3A_352 = tpu.memref_slice %arg6[%squeeze3A_336, %dma_start3A_351] : memref<1000000x64xf32, #tpu.memory_space<hbm>> -> memref<1x64xf32, #tpu.memory_space<hbm>>
      %dma_start3A_353 = arith.constant 0 : i32
      %dma_start3A_354 = tpu.memref_slice %arg14[%add3A_348, %dma_start3A_353] : memref<256x64xf32, #tpu.memory_space<vmem>> -> memref<1x64xf32, #tpu.memory_space<vmem>>
      %dma_start3A_355 = arith.constant 0 : i32
      %dma_start3A_356 = tpu.memref_slice %arg6[%squeeze3A_336, %dma_start3A_355] : memref<1000000x64xf32, #tpu.memory_space<hbm>> -> memref<1x64xf32, #tpu.memory_space<hbm>>
      tpu.enqueue_dma source(%dma_start3A_356 : memref<1x64xf32, #tpu.memory_space<hbm>>) target(%dma_start3A_354 : memref<1x64xf32, #tpu.memory_space<vmem>>) target_semaphore(%arg16 : memref<!tpu.dma_semaphore, #tpu.memory_space<semaphore_mem>>)
      %slice3A_357 = vector.extract_strided_slice %get3A_95 {offsets = [12], sizes = [1], strides = [1]} : vector<16xi32> to vector<1xi32>
      %squeeze3A_358 = vector.extract %slice3A_357[0] : i32 from vector<1xi32>
      %add3A_359 = arith.constant 12 : i32
      %add3A_360 = arith.addi %mul3A_91, %add3A_359 : i32
      %dma_start3A_361 = arith.constant 0 : i32
      %dma_start3A_362 = tpu.memref_slice %arg13[%add3A_360, %dma_start3A_361] : memref<256x64xf32, #tpu.memory_space<vmem>> -> memref<1x64xf32, #tpu.memory_space<vmem>>
      %dma_start3A_363 = arith.constant 0 : i32
      %dma_start3A_364 = tpu.memref_slice %arg4[%squeeze3A_358, %dma_start3A_363] : memref<1000000x64xf32, #tpu.memory_space<hbm>> -> memref<1x64xf32, #tpu.memory_space<hbm>>
      %dma_start3A_365 = arith.constant 0 : i32
      %dma_start3A_366 = tpu.memref_slice %arg13[%add3A_360, %dma_start3A_365] : memref<256x64xf32, #tpu.memory_space<vmem>> -> memref<1x64xf32, #tpu.memory_space<vmem>>
      %dma_start3A_367 = arith.constant 0 : i32
      %dma_start3A_368 = tpu.memref_slice %arg4[%squeeze3A_358, %dma_start3A_367] : memref<1000000x64xf32, #tpu.memory_space<hbm>> -> memref<1x64xf32, #tpu.memory_space<hbm>>
      tpu.enqueue_dma source(%dma_start3A_368 : memref<1x64xf32, #tpu.memory_space<hbm>>) target(%dma_start3A_366 : memref<1x64xf32, #tpu.memory_space<vmem>>) target_semaphore(%arg15 : memref<!tpu.dma_semaphore, #tpu.memory_space<semaphore_mem>>)
      %add3A_369 = arith.constant 12 : i32
      %add3A_370 = arith.addi %mul3A_91, %add3A_369 : i32
      %dma_start3A_371 = arith.constant 0 : i32
      %dma_start3A_372 = tpu.memref_slice %arg14[%add3A_370, %dma_start3A_371] : memref<256x64xf32, #tpu.memory_space<vmem>> -> memref<1x64xf32, #tpu.memory_space<vmem>>
      %dma_start3A_373 = arith.constant 0 : i32
      %dma_start3A_374 = tpu.memref_slice %arg6[%squeeze3A_358, %dma_start3A_373] : memref<1000000x64xf32, #tpu.memory_space<hbm>> -> memref<1x64xf32, #tpu.memory_space<hbm>>
      %dma_start3A_375 = arith.constant 0 : i32
      %dma_start3A_376 = tpu.memref_slice %arg14[%add3A_370, %dma_start3A_375] : memref<256x64xf32, #tpu.memory_space<vmem>> -> memref<1x64xf32, #tpu.memory_space<vmem>>
      %dma_start3A_377 = arith.constant 0 : i32
      %dma_start3A_378 = tpu.memref_slice %arg6[%squeeze3A_358, %dma_start3A_377] : memref<1000000x64xf32, #tpu.memory_space<hbm>> -> memref<1x64xf32, #tpu.memory_space<hbm>>
      tpu.enqueue_dma source(%dma_start3A_378 : memref<1x64xf32, #tpu.memory_space<hbm>>) target(%dma_start3A_376 : memref<1x64xf32, #tpu.memory_space<vmem>>) target_semaphore(%arg16 : memref<!tpu.dma_semaphore, #tpu.memory_space<semaphore_mem>>)
      %slice3A_379 = vector.extract_strided_slice %get3A_95 {offsets = [13], sizes = [1], strides = [1]} : vector<16xi32> to vector<1xi32>
      %squeeze3A_380 = vector.extract %slice3A_379[0] : i32 from vector<1xi32>
      %add3A_381 = arith.constant 13 : i32
      %add3A_382 = arith.addi %mul3A_91, %add3A_381 : i32
      %dma_start3A_383 = arith.constant 0 : i32
      %dma_start3A_384 = tpu.memref_slice %arg13[%add3A_382, %dma_start3A_383] : memref<256x64xf32, #tpu.memory_space<vmem>> -> memref<1x64xf32, #tpu.memory_space<vmem>>
      %dma_start3A_385 = arith.constant 0 : i32
      %dma_start3A_386 = tpu.memref_slice %arg4[%squeeze3A_380, %dma_start3A_385] : memref<1000000x64xf32, #tpu.memory_space<hbm>> -> memref<1x64xf32, #tpu.memory_space<hbm>>
      %dma_start3A_387 = arith.constant 0 : i32
      %dma_start3A_388 = tpu.memref_slice %arg13[%add3A_382, %dma_start3A_387] : memref<256x64xf32, #tpu.memory_space<vmem>> -> memref<1x64xf32, #tpu.memory_space<vmem>>
      %dma_start3A_389 = arith.constant 0 : i32
      %dma_start3A_390 = tpu.memref_slice %arg4[%squeeze3A_380, %dma_start3A_389] : memref<1000000x64xf32, #tpu.memory_space<hbm>> -> memref<1x64xf32, #tpu.memory_space<hbm>>
      tpu.enqueue_dma source(%dma_start3A_390 : memref<1x64xf32, #tpu.memory_space<hbm>>) target(%dma_start3A_388 : memref<1x64xf32, #tpu.memory_space<vmem>>) target_semaphore(%arg15 : memref<!tpu.dma_semaphore, #tpu.memory_space<semaphore_mem>>)
      %add3A_391 = arith.constant 13 : i32
      %add3A_392 = arith.addi %mul3A_91, %add3A_391 : i32
      %dma_start3A_393 = arith.constant 0 : i32
      %dma_start3A_394 = tpu.memref_slice %arg14[%add3A_392, %dma_start3A_393] : memref<256x64xf32, #tpu.memory_space<vmem>> -> memref<1x64xf32, #tpu.memory_space<vmem>>
      %dma_start3A_395 = arith.constant 0 : i32
      %dma_start3A_396 = tpu.memref_slice %arg6[%squeeze3A_380, %dma_start3A_395] : memref<1000000x64xf32, #tpu.memory_space<hbm>> -> memref<1x64xf32, #tpu.memory_space<hbm>>
      %dma_start3A_397 = arith.constant 0 : i32
      %dma_start3A_398 = tpu.memref_slice %arg14[%add3A_392, %dma_start3A_397] : memref<256x64xf32, #tpu.memory_space<vmem>> -> memref<1x64xf32, #tpu.memory_space<vmem>>
      %dma_start3A_399 = arith.constant 0 : i32
      %dma_start3A_400 = tpu.memref_slice %arg6[%squeeze3A_380, %dma_start3A_399] : memref<1000000x64xf32, #tpu.memory_space<hbm>> -> memref<1x64xf32, #tpu.memory_space<hbm>>
      tpu.enqueue_dma source(%dma_start3A_400 : memref<1x64xf32, #tpu.memory_space<hbm>>) target(%dma_start3A_398 : memref<1x64xf32, #tpu.memory_space<vmem>>) target_semaphore(%arg16 : memref<!tpu.dma_semaphore, #tpu.memory_space<semaphore_mem>>)
      %slice3A_401 = vector.extract_strided_slice %get3A_95 {offsets = [14], sizes = [1], strides = [1]} : vector<16xi32> to vector<1xi32>
      %squeeze3A_402 = vector.extract %slice3A_401[0] : i32 from vector<1xi32>
      %add3A_403 = arith.constant 14 : i32
      %add3A_404 = arith.addi %mul3A_91, %add3A_403 : i32
      %dma_start3A_405 = arith.constant 0 : i32
      %dma_start3A_406 = tpu.memref_slice %arg13[%add3A_404, %dma_start3A_405] : memref<256x64xf32, #tpu.memory_space<vmem>> -> memref<1x64xf32, #tpu.memory_space<vmem>>
      %dma_start3A_407 = arith.constant 0 : i32
      %dma_start3A_408 = tpu.memref_slice %arg4[%squeeze3A_402, %dma_start3A_407] : memref<1000000x64xf32, #tpu.memory_space<hbm>> -> memref<1x64xf32, #tpu.memory_space<hbm>>
      %dma_start3A_409 = arith.constant 0 : i32
      %dma_start3A_410 = tpu.memref_slice %arg13[%add3A_404, %dma_start3A_409] : memref<256x64xf32, #tpu.memory_space<vmem>> -> memref<1x64xf32, #tpu.memory_space<vmem>>
      %dma_start3A_411 = arith.constant 0 : i32
      %dma_start3A_412 = tpu.memref_slice %arg4[%squeeze3A_402, %dma_start3A_411] : memref<1000000x64xf32, #tpu.memory_space<hbm>> -> memref<1x64xf32, #tpu.memory_space<hbm>>
      tpu.enqueue_dma source(%dma_start3A_412 : memref<1x64xf32, #tpu.memory_space<hbm>>) target(%dma_start3A_410 : memref<1x64xf32, #tpu.memory_space<vmem>>) target_semaphore(%arg15 : memref<!tpu.dma_semaphore, #tpu.memory_space<semaphore_mem>>)
      %add3A_413 = arith.constant 14 : i32
      %add3A_414 = arith.addi %mul3A_91, %add3A_413 : i32
      %dma_start3A_415 = arith.constant 0 : i32
      %dma_start3A_416 = tpu.memref_slice %arg14[%add3A_414, %dma_start3A_415] : memref<256x64xf32, #tpu.memory_space<vmem>> -> memref<1x64xf32, #tpu.memory_space<vmem>>
      %dma_start3A_417 = arith.constant 0 : i32
      %dma_start3A_418 = tpu.memref_slice %arg6[%squeeze3A_402, %dma_start3A_417] : memref<1000000x64xf32, #tpu.memory_space<hbm>> -> memref<1x64xf32, #tpu.memory_space<hbm>>
      %dma_start3A_419 = arith.constant 0 : i32
      %dma_start3A_420 = tpu.memref_slice %arg14[%add3A_414, %dma_start3A_419] : memref<256x64xf32, #tpu.memory_space<vmem>> -> memref<1x64xf32, #tpu.memory_space<vmem>>
      %dma_start3A_421 = arith.constant 0 : i32
      %dma_start3A_422 = tpu.memref_slice %arg6[%squeeze3A_402, %dma_start3A_421] : memref<1000000x64xf32, #tpu.memory_space<hbm>> -> memref<1x64xf32, #tpu.memory_space<hbm>>
      tpu.enqueue_dma source(%dma_start3A_422 : memref<1x64xf32, #tpu.memory_space<hbm>>) target(%dma_start3A_420 : memref<1x64xf32, #tpu.memory_space<vmem>>) target_semaphore(%arg16 : memref<!tpu.dma_semaphore, #tpu.memory_space<semaphore_mem>>)
      %slice3A_423 = vector.extract_strided_slice %get3A_95 {offsets = [15], sizes = [1], strides = [1]} : vector<16xi32> to vector<1xi32>
      %squeeze3A_424 = vector.extract %slice3A_423[0] : i32 from vector<1xi32>
      %add3A_425 = arith.constant 15 : i32
      %add3A_426 = arith.addi %mul3A_91, %add3A_425 : i32
      %dma_start3A_427 = arith.constant 0 : i32
      %dma_start3A_428 = tpu.memref_slice %arg13[%add3A_426, %dma_start3A_427] : memref<256x64xf32, #tpu.memory_space<vmem>> -> memref<1x64xf32, #tpu.memory_space<vmem>>
      %dma_start3A_429 = arith.constant 0 : i32
      %dma_start3A_430 = tpu.memref_slice %arg4[%squeeze3A_424, %dma_start3A_429] : memref<1000000x64xf32, #tpu.memory_space<hbm>> -> memref<1x64xf32, #tpu.memory_space<hbm>>
      %dma_start3A_431 = arith.constant 0 : i32
      %dma_start3A_432 = tpu.memref_slice %arg13[%add3A_426, %dma_start3A_431] : memref<256x64xf32, #tpu.memory_space<vmem>> -> memref<1x64xf32, #tpu.memory_space<vmem>>
      %dma_start3A_433 = arith.constant 0 : i32
      %dma_start3A_434 = tpu.memref_slice %arg4[%squeeze3A_424, %dma_start3A_433] : memref<1000000x64xf32, #tpu.memory_space<hbm>> -> memref<1x64xf32, #tpu.memory_space<hbm>>
      tpu.enqueue_dma source(%dma_start3A_434 : memref<1x64xf32, #tpu.memory_space<hbm>>) target(%dma_start3A_432 : memref<1x64xf32, #tpu.memory_space<vmem>>) target_semaphore(%arg15 : memref<!tpu.dma_semaphore, #tpu.memory_space<semaphore_mem>>)
      %add3A_435 = arith.constant 15 : i32
      %add3A_436 = arith.addi %mul3A_91, %add3A_435 : i32
      %dma_start3A_437 = arith.constant 0 : i32
      %dma_start3A_438 = tpu.memref_slice %arg14[%add3A_436, %dma_start3A_437] : memref<256x64xf32, #tpu.memory_space<vmem>> -> memref<1x64xf32, #tpu.memory_space<vmem>>
      %dma_start3A_439 = arith.constant 0 : i32
      %dma_start3A_440 = tpu.memref_slice %arg6[%squeeze3A_424, %dma_start3A_439] : memref<1000000x64xf32, #tpu.memory_space<hbm>> -> memref<1x64xf32, #tpu.memory_space<hbm>>
      %dma_start3A_441 = arith.constant 0 : i32
      %dma_start3A_442 = tpu.memref_slice %arg14[%add3A_436, %dma_start3A_441] : memref<256x64xf32, #tpu.memory_space<vmem>> -> memref<1x64xf32, #tpu.memory_space<vmem>>
      %dma_start3A_443 = arith.constant 0 : i32
      %dma_start3A_444 = tpu.memref_slice %arg6[%squeeze3A_424, %dma_start3A_443] : memref<1000000x64xf32, #tpu.memory_space<hbm>> -> memref<1x64xf32, #tpu.memory_space<hbm>>
      tpu.enqueue_dma source(%dma_start3A_444 : memref<1x64xf32, #tpu.memory_space<hbm>>) target(%dma_start3A_442 : memref<1x64xf32, #tpu.memory_space<vmem>>) target_semaphore(%arg16 : memref<!tpu.dma_semaphore, #tpu.memory_space<semaphore_mem>>)
    }
    %scan3A_28 = arith.constant 16 : i32
    %dma_wait3A_29 = arith.constant 0 : i32
    %dma_wait3A_30 = arith.constant 0 : i32
    %dma_wait3A_31 = tpu.memref_slice %arg4[%dma_wait3A_29, %dma_wait3A_30] : memref<1000000x64xf32, #tpu.memory_space<hbm>> -> memref<256x64xf32, #tpu.memory_space<hbm>>
    %dma_wait3A_32 = arith.constant 0 : i32
    %dma_wait3A_33 = arith.constant 0 : i32
    %dma_wait3A_34 = tpu.memref_slice %arg4[%dma_wait3A_32, %dma_wait3A_33] : memref<1000000x64xf32, #tpu.memory_space<hbm>> -> memref<256x64xf32, #tpu.memory_space<hbm>>
    tpu.wait_dma2 semaphore(%arg15 : memref<!tpu.dma_semaphore, #tpu.memory_space<semaphore_mem>>) src(%dma_wait3A_34 : memref<256x64xf32, #tpu.memory_space<hbm>>) dst(%arg13 : memref<256x64xf32, #tpu.memory_space<vmem>>)
    %dma_wait3A_35 = arith.constant 0 : i32
    %dma_wait3A_36 = arith.constant 0 : i32
    %dma_wait3A_37 = tpu.memref_slice %arg6[%dma_wait3A_35, %dma_wait3A_36] : memref<1000000x64xf32, #tpu.memory_space<hbm>> -> memref<256x64xf32, #tpu.memory_space<hbm>>
    %dma_wait3A_38 = arith.constant 0 : i32
    %dma_wait3A_39 = arith.constant 0 : i32
    %dma_wait3A_40 = tpu.memref_slice %arg6[%dma_wait3A_38, %dma_wait3A_39] : memref<1000000x64xf32, #tpu.memory_space<hbm>> -> memref<256x64xf32, #tpu.memory_space<hbm>>
    tpu.wait_dma2 semaphore(%arg16 : memref<!tpu.dma_semaphore, #tpu.memory_space<semaphore_mem>>) src(%dma_wait3A_40 : memref<256x64xf32, #tpu.memory_space<hbm>>) dst(%arg14 : memref<256x64xf32, #tpu.memory_space<vmem>>)
    %add3A_41 = arith.constant 256 : i32
    %add3A_42 = arith.addi %mul3A_2, %add3A_41 : i32
    "tpu.region"() ({
      %run_scoped3A = tpu.sem_alloc : memref<!tpu.dma_semaphore, #tpu.memory_space<semaphore_mem>>
      %dma_start3A = arith.constant 0 : i32
      %dma_start3A_89 = tpu.memref_slice %arg8[%add3A_42, %dma_start3A] : memref<16384x64xf32, #tpu.memory_space<hbm>> -> memref<256x64xf32, #tpu.memory_space<hbm>>
      %dma_start3A_90 = arith.constant 0 : i32
      %dma_start3A_91 = tpu.memref_slice %arg8[%add3A_42, %dma_start3A_90] : memref<16384x64xf32, #tpu.memory_space<hbm>> -> memref<256x64xf32, #tpu.memory_space<hbm>>
      tpu.enqueue_dma source(%arg13 : memref<256x64xf32, #tpu.memory_space<vmem>>) target(%dma_start3A_91 : memref<256x64xf32, #tpu.memory_space<hbm>>) target_semaphore(%run_scoped3A : memref<!tpu.dma_semaphore, #tpu.memory_space<semaphore_mem>>)
      %dma_wait3A_92 = arith.constant 0 : i32
      %dma_wait3A_93 = tpu.memref_slice %arg8[%add3A_42, %dma_wait3A_92] : memref<16384x64xf32, #tpu.memory_space<hbm>> -> memref<256x64xf32, #tpu.memory_space<hbm>>
      %dma_wait3A_94 = arith.constant 0 : i32
      %dma_wait3A_95 = tpu.memref_slice %arg8[%add3A_42, %dma_wait3A_94] : memref<16384x64xf32, #tpu.memory_space<hbm>> -> memref<256x64xf32, #tpu.memory_space<hbm>>
      tpu.wait_dma2 semaphore(%run_scoped3A : memref<!tpu.dma_semaphore, #tpu.memory_space<semaphore_mem>>) src(%arg13 : memref<256x64xf32, #tpu.memory_space<vmem>>) dst(%dma_wait3A_95 : memref<256x64xf32, #tpu.memory_space<hbm>>)
      tpu.yield
    }) : () -> ()
    %add3A_43 = arith.constant 256 : i32
    %add3A_44 = arith.addi %mul3A_2, %add3A_43 : i32
    "tpu.region"() ({
      %run_scoped3A = tpu.sem_alloc : memref<!tpu.dma_semaphore, #tpu.memory_space<semaphore_mem>>
      %dma_start3A = arith.constant 0 : i32
      %dma_start3A_89 = tpu.memref_slice %arg10[%add3A_44, %dma_start3A] : memref<16384x64xf32, #tpu.memory_space<hbm>> -> memref<256x64xf32, #tpu.memory_space<hbm>>
      %dma_start3A_90 = arith.constant 0 : i32
      %dma_start3A_91 = tpu.memref_slice %arg10[%add3A_44, %dma_start3A_90] : memref<16384x64xf32, #tpu.memory_space<hbm>> -> memref<256x64xf32, #tpu.memory_space<hbm>>
      tpu.enqueue_dma source(%arg14 : memref<256x64xf32, #tpu.memory_space<vmem>>) target(%dma_start3A_91 : memref<256x64xf32, #tpu.memory_space<hbm>>) target_semaphore(%run_scoped3A : memref<!tpu.dma_semaphore, #tpu.memory_space<semaphore_mem>>)
      %dma_wait3A_92 = arith.constant 0 : i32
      %dma_wait3A_93 = tpu.memref_slice %arg10[%add3A_44, %dma_wait3A_92] : memref<16384x64xf32, #tpu.memory_space<hbm>> -> memref<256x64xf32, #tpu.memory_space<hbm>>
      %dma_wait3A_94 = arith.constant 0 : i32
      %dma_wait3A_95 = tpu.memref_slice %arg10[%add3A_44, %dma_wait3A_94] : memref<16384x64xf32, #tpu.memory_space<hbm>> -> memref<256x64xf32, #tpu.memory_space<hbm>>
      tpu.wait_dma2 semaphore(%run_scoped3A : memref<!tpu.dma_semaphore, #tpu.memory_space<semaphore_mem>>) src(%arg14 : memref<256x64xf32, #tpu.memory_space<vmem>>) dst(%dma_wait3A_95 : memref<256x64xf32, #tpu.memory_space<hbm>>)
      tpu.yield
    }) : () -> ()
    "tpu.region"() ({
      %run_scoped3A = tpu.sem_alloc : memref<!tpu.dma_semaphore, #tpu.memory_space<semaphore_mem>>
      %dma_start3A = tpu.memref_slice %arg3[%mul3A_2] : memref<16384xi32, #tpu.memory_space<hbm>> -> memref<512xi32, #tpu.memory_space<hbm>>
      %dma_start3A_89 = tpu.memref_slice %arg3[%mul3A_2] : memref<16384xi32, #tpu.memory_space<hbm>> -> memref<512xi32, #tpu.memory_space<hbm>>
      tpu.enqueue_dma source(%dma_start3A_89 : memref<512xi32, #tpu.memory_space<hbm>>) target(%arg12 : memref<512xi32, #tpu.memory_space<vmem>>) target_semaphore(%run_scoped3A : memref<!tpu.dma_semaphore, #tpu.memory_space<semaphore_mem>>)
      %dma_wait3A_90 = tpu.memref_slice %arg3[%mul3A_2] : memref<16384xi32, #tpu.memory_space<hbm>> -> memref<512xi32, #tpu.memory_space<hbm>>
      %dma_wait3A_91 = tpu.memref_slice %arg3[%mul3A_2] : memref<16384xi32, #tpu.memory_space<hbm>> -> memref<512xi32, #tpu.memory_space<hbm>>
      tpu.wait_dma2 semaphore(%run_scoped3A : memref<!tpu.dma_semaphore, #tpu.memory_space<semaphore_mem>>) src(%dma_wait3A_91 : memref<512xi32, #tpu.memory_space<hbm>>) dst(%arg12 : memref<512xi32, #tpu.memory_space<vmem>>)
      tpu.yield
    }) : () -> ()
    %scan3A_45 = arith.constant 0 : i32
    %scan3A_46 = arith.constant 0 : i32
    %scan3A_47 = arith.constant 16 : i32
    %scan3A_48 = arith.addi %scan3A_46, %scan3A_47 : i32
    %scan3A_49 = arith.constant 1 : i32
    scf.for %scan3A_89 = %scan3A_46 to %scan3A_48 step %scan3A_49  : i32 {
      %mul3A_90 = arith.constant 16 : i32
      %mul3A_91 = arith.muli %scan3A_89, %mul3A_90 : i32
      %add3A_92 = arith.constant 0 : i32
      %add3A_93 = arith.addi %add3A_92, %mul3A_91 : i32
      %get3A = arith.index_cast %add3A_93 : i32 to index
      %get3A_94 = tpu.vector_load %arg12[%get3A] {strides = array<i32>} : memref<512xi32, #tpu.memory_space<vmem>>, vector<16xi32>,
      %get3A_95 = vector.shape_cast %get3A_94 : vector<16xi32> to vector<16xi32>
      %slice3A = vector.extract_strided_slice %get3A_95 {offsets = [0], sizes = [1], strides = [1]} : vector<16xi32> to vector<1xi32>
      %squeeze3A = vector.extract %slice3A[0] : i32 from vector<1xi32>
      %add3A_96 = arith.constant 0 : i32
      %add3A_97 = arith.addi %mul3A_91, %add3A_96 : i32
      %dma_start3A = arith.constant 0 : i32
      %dma_start3A_98 = tpu.memref_slice %arg13[%add3A_97, %dma_start3A] : memref<256x64xf32, #tpu.memory_space<vmem>> -> memref<1x64xf32, #tpu.memory_space<vmem>>
      %dma_start3A_99 = arith.constant 0 : i32
      %dma_start3A_100 = tpu.memref_slice %arg5[%squeeze3A, %dma_start3A_99] : memref<1000000x64xf32, #tpu.memory_space<hbm>> -> memref<1x64xf32, #tpu.memory_space<hbm>>
      %dma_start3A_101 = arith.constant 0 : i32
      %dma_start3A_102 = tpu.memref_slice %arg13[%add3A_97, %dma_start3A_101] : memref<256x64xf32, #tpu.memory_space<vmem>> -> memref<1x64xf32, #tpu.memory_space<vmem>>
      %dma_start3A_103 = arith.constant 0 : i32
      %dma_start3A_104 = tpu.memref_slice %arg5[%squeeze3A, %dma_start3A_103] : memref<1000000x64xf32, #tpu.memory_space<hbm>> -> memref<1x64xf32, #tpu.memory_space<hbm>>
      tpu.enqueue_dma source(%dma_start3A_104 : memref<1x64xf32, #tpu.memory_space<hbm>>) target(%dma_start3A_102 : memref<1x64xf32, #tpu.memory_space<vmem>>) target_semaphore(%arg15 : memref<!tpu.dma_semaphore, #tpu.memory_space<semaphore_mem>>)
      %add3A_105 = arith.constant 0 : i32
      %add3A_106 = arith.addi %mul3A_91, %add3A_105 : i32
      %dma_start3A_107 = arith.constant 0 : i32
      %dma_start3A_108 = tpu.memref_slice %arg14[%add3A_106, %dma_start3A_107] : memref<256x64xf32, #tpu.memory_space<vmem>> -> memref<1x64xf32, #tpu.memory_space<vmem>>
      %dma_start3A_109 = arith.constant 0 : i32
      %dma_start3A_110 = tpu.memref_slice %arg7[%squeeze3A, %dma_start3A_109] : memref<1000000x64xf32, #tpu.memory_space<hbm>> -> memref<1x64xf32, #tpu.memory_space<hbm>>
      %dma_start3A_111 = arith.constant 0 : i32
      %dma_start3A_112 = tpu.memref_slice %arg14[%add3A_106, %dma_start3A_111] : memref<256x64xf32, #tpu.memory_space<vmem>> -> memref<1x64xf32, #tpu.memory_space<vmem>>
      %dma_start3A_113 = arith.constant 0 : i32
      %dma_start3A_114 = tpu.memref_slice %arg7[%squeeze3A, %dma_start3A_113] : memref<1000000x64xf32, #tpu.memory_space<hbm>> -> memref<1x64xf32, #tpu.memory_space<hbm>>
      tpu.enqueue_dma source(%dma_start3A_114 : memref<1x64xf32, #tpu.memory_space<hbm>>) target(%dma_start3A_112 : memref<1x64xf32, #tpu.memory_space<vmem>>) target_semaphore(%arg16 : memref<!tpu.dma_semaphore, #tpu.memory_space<semaphore_mem>>)
      %slice3A_115 = vector.extract_strided_slice %get3A_95 {offsets = [1], sizes = [1], strides = [1]} : vector<16xi32> to vector<1xi32>
      %squeeze3A_116 = vector.extract %slice3A_115[0] : i32 from vector<1xi32>
      %add3A_117 = arith.constant 1 : i32
      %add3A_118 = arith.addi %mul3A_91, %add3A_117 : i32
      %dma_start3A_119 = arith.constant 0 : i32
      %dma_start3A_120 = tpu.memref_slice %arg13[%add3A_118, %dma_start3A_119] : memref<256x64xf32, #tpu.memory_space<vmem>> -> memref<1x64xf32, #tpu.memory_space<vmem>>
      %dma_start3A_121 = arith.constant 0 : i32
      %dma_start3A_122 = tpu.memref_slice %arg5[%squeeze3A_116, %dma_start3A_121] : memref<1000000x64xf32, #tpu.memory_space<hbm>> -> memref<1x64xf32, #tpu.memory_space<hbm>>
      %dma_start3A_123 = arith.constant 0 : i32
      %dma_start3A_124 = tpu.memref_slice %arg13[%add3A_118, %dma_start3A_123] : memref<256x64xf32, #tpu.memory_space<vmem>> -> memref<1x64xf32, #tpu.memory_space<vmem>>
      %dma_start3A_125 = arith.constant 0 : i32
      %dma_start3A_126 = tpu.memref_slice %arg5[%squeeze3A_116, %dma_start3A_125] : memref<1000000x64xf32, #tpu.memory_space<hbm>> -> memref<1x64xf32, #tpu.memory_space<hbm>>
      tpu.enqueue_dma source(%dma_start3A_126 : memref<1x64xf32, #tpu.memory_space<hbm>>) target(%dma_start3A_124 : memref<1x64xf32, #tpu.memory_space<vmem>>) target_semaphore(%arg15 : memref<!tpu.dma_semaphore, #tpu.memory_space<semaphore_mem>>)
      %add3A_127 = arith.constant 1 : i32
      %add3A_128 = arith.addi %mul3A_91, %add3A_127 : i32
      %dma_start3A_129 = arith.constant 0 : i32
      %dma_start3A_130 = tpu.memref_slice %arg14[%add3A_128, %dma_start3A_129] : memref<256x64xf32, #tpu.memory_space<vmem>> -> memref<1x64xf32, #tpu.memory_space<vmem>>
      %dma_start3A_131 = arith.constant 0 : i32
      %dma_start3A_132 = tpu.memref_slice %arg7[%squeeze3A_116, %dma_start3A_131] : memref<1000000x64xf32, #tpu.memory_space<hbm>> -> memref<1x64xf32, #tpu.memory_space<hbm>>
      %dma_start3A_133 = arith.constant 0 : i32
      %dma_start3A_134 = tpu.memref_slice %arg14[%add3A_128, %dma_start3A_133] : memref<256x64xf32, #tpu.memory_space<vmem>> -> memref<1x64xf32, #tpu.memory_space<vmem>>
      %dma_start3A_135 = arith.constant 0 : i32
      %dma_start3A_136 = tpu.memref_slice %arg7[%squeeze3A_116, %dma_start3A_135] : memref<1000000x64xf32, #tpu.memory_space<hbm>> -> memref<1x64xf32, #tpu.memory_space<hbm>>
      tpu.enqueue_dma source(%dma_start3A_136 : memref<1x64xf32, #tpu.memory_space<hbm>>) target(%dma_start3A_134 : memref<1x64xf32, #tpu.memory_space<vmem>>) target_semaphore(%arg16 : memref<!tpu.dma_semaphore, #tpu.memory_space<semaphore_mem>>)
      %slice3A_137 = vector.extract_strided_slice %get3A_95 {offsets = [2], sizes = [1], strides = [1]} : vector<16xi32> to vector<1xi32>
      %squeeze3A_138 = vector.extract %slice3A_137[0] : i32 from vector<1xi32>
      %add3A_139 = arith.constant 2 : i32
      %add3A_140 = arith.addi %mul3A_91, %add3A_139 : i32
      %dma_start3A_141 = arith.constant 0 : i32
      %dma_start3A_142 = tpu.memref_slice %arg13[%add3A_140, %dma_start3A_141] : memref<256x64xf32, #tpu.memory_space<vmem>> -> memref<1x64xf32, #tpu.memory_space<vmem>>
      %dma_start3A_143 = arith.constant 0 : i32
      %dma_start3A_144 = tpu.memref_slice %arg5[%squeeze3A_138, %dma_start3A_143] : memref<1000000x64xf32, #tpu.memory_space<hbm>> -> memref<1x64xf32, #tpu.memory_space<hbm>>
      %dma_start3A_145 = arith.constant 0 : i32
      %dma_start3A_146 = tpu.memref_slice %arg13[%add3A_140, %dma_start3A_145] : memref<256x64xf32, #tpu.memory_space<vmem>> -> memref<1x64xf32, #tpu.memory_space<vmem>>
      %dma_start3A_147 = arith.constant 0 : i32
      %dma_start3A_148 = tpu.memref_slice %arg5[%squeeze3A_138, %dma_start3A_147] : memref<1000000x64xf32, #tpu.memory_space<hbm>> -> memref<1x64xf32, #tpu.memory_space<hbm>>
      tpu.enqueue_dma source(%dma_start3A_148 : memref<1x64xf32, #tpu.memory_space<hbm>>) target(%dma_start3A_146 : memref<1x64xf32, #tpu.memory_space<vmem>>) target_semaphore(%arg15 : memref<!tpu.dma_semaphore, #tpu.memory_space<semaphore_mem>>)
      %add3A_149 = arith.constant 2 : i32
      %add3A_150 = arith.addi %mul3A_91, %add3A_149 : i32
      %dma_start3A_151 = arith.constant 0 : i32
      %dma_start3A_152 = tpu.memref_slice %arg14[%add3A_150, %dma_start3A_151] : memref<256x64xf32, #tpu.memory_space<vmem>> -> memref<1x64xf32, #tpu.memory_space<vmem>>
      %dma_start3A_153 = arith.constant 0 : i32
      %dma_start3A_154 = tpu.memref_slice %arg7[%squeeze3A_138, %dma_start3A_153] : memref<1000000x64xf32, #tpu.memory_space<hbm>> -> memref<1x64xf32, #tpu.memory_space<hbm>>
      %dma_start3A_155 = arith.constant 0 : i32
      %dma_start3A_156 = tpu.memref_slice %arg14[%add3A_150, %dma_start3A_155] : memref<256x64xf32, #tpu.memory_space<vmem>> -> memref<1x64xf32, #tpu.memory_space<vmem>>
      %dma_start3A_157 = arith.constant 0 : i32
      %dma_start3A_158 = tpu.memref_slice %arg7[%squeeze3A_138, %dma_start3A_157] : memref<1000000x64xf32, #tpu.memory_space<hbm>> -> memref<1x64xf32, #tpu.memory_space<hbm>>
      tpu.enqueue_dma source(%dma_start3A_158 : memref<1x64xf32, #tpu.memory_space<hbm>>) target(%dma_start3A_156 : memref<1x64xf32, #tpu.memory_space<vmem>>) target_semaphore(%arg16 : memref<!tpu.dma_semaphore, #tpu.memory_space<semaphore_mem>>)
      %slice3A_159 = vector.extract_strided_slice %get3A_95 {offsets = [3], sizes = [1], strides = [1]} : vector<16xi32> to vector<1xi32>
      %squeeze3A_160 = vector.extract %slice3A_159[0] : i32 from vector<1xi32>
      %add3A_161 = arith.constant 3 : i32
      %add3A_162 = arith.addi %mul3A_91, %add3A_161 : i32
      %dma_start3A_163 = arith.constant 0 : i32
      %dma_start3A_164 = tpu.memref_slice %arg13[%add3A_162, %dma_start3A_163] : memref<256x64xf32, #tpu.memory_space<vmem>> -> memref<1x64xf32, #tpu.memory_space<vmem>>
      %dma_start3A_165 = arith.constant 0 : i32
      %dma_start3A_166 = tpu.memref_slice %arg5[%squeeze3A_160, %dma_start3A_165] : memref<1000000x64xf32, #tpu.memory_space<hbm>> -> memref<1x64xf32, #tpu.memory_space<hbm>>
      %dma_start3A_167 = arith.constant 0 : i32
      %dma_start3A_168 = tpu.memref_slice %arg13[%add3A_162, %dma_start3A_167] : memref<256x64xf32, #tpu.memory_space<vmem>> -> memref<1x64xf32, #tpu.memory_space<vmem>>
      %dma_start3A_169 = arith.constant 0 : i32
      %dma_start3A_170 = tpu.memref_slice %arg5[%squeeze3A_160, %dma_start3A_169] : memref<1000000x64xf32, #tpu.memory_space<hbm>> -> memref<1x64xf32, #tpu.memory_space<hbm>>
      tpu.enqueue_dma source(%dma_start3A_170 : memref<1x64xf32, #tpu.memory_space<hbm>>) target(%dma_start3A_168 : memref<1x64xf32, #tpu.memory_space<vmem>>) target_semaphore(%arg15 : memref<!tpu.dma_semaphore, #tpu.memory_space<semaphore_mem>>)
      %add3A_171 = arith.constant 3 : i32
      %add3A_172 = arith.addi %mul3A_91, %add3A_171 : i32
      %dma_start3A_173 = arith.constant 0 : i32
      %dma_start3A_174 = tpu.memref_slice %arg14[%add3A_172, %dma_start3A_173] : memref<256x64xf32, #tpu.memory_space<vmem>> -> memref<1x64xf32, #tpu.memory_space<vmem>>
      %dma_start3A_175 = arith.constant 0 : i32
      %dma_start3A_176 = tpu.memref_slice %arg7[%squeeze3A_160, %dma_start3A_175] : memref<1000000x64xf32, #tpu.memory_space<hbm>> -> memref<1x64xf32, #tpu.memory_space<hbm>>
      %dma_start3A_177 = arith.constant 0 : i32
      %dma_start3A_178 = tpu.memref_slice %arg14[%add3A_172, %dma_start3A_177] : memref<256x64xf32, #tpu.memory_space<vmem>> -> memref<1x64xf32, #tpu.memory_space<vmem>>
      %dma_start3A_179 = arith.constant 0 : i32
      %dma_start3A_180 = tpu.memref_slice %arg7[%squeeze3A_160, %dma_start3A_179] : memref<1000000x64xf32, #tpu.memory_space<hbm>> -> memref<1x64xf32, #tpu.memory_space<hbm>>
      tpu.enqueue_dma source(%dma_start3A_180 : memref<1x64xf32, #tpu.memory_space<hbm>>) target(%dma_start3A_178 : memref<1x64xf32, #tpu.memory_space<vmem>>) target_semaphore(%arg16 : memref<!tpu.dma_semaphore, #tpu.memory_space<semaphore_mem>>)
      %slice3A_181 = vector.extract_strided_slice %get3A_95 {offsets = [4], sizes = [1], strides = [1]} : vector<16xi32> to vector<1xi32>
      %squeeze3A_182 = vector.extract %slice3A_181[0] : i32 from vector<1xi32>
      %add3A_183 = arith.constant 4 : i32
      %add3A_184 = arith.addi %mul3A_91, %add3A_183 : i32
      %dma_start3A_185 = arith.constant 0 : i32
      %dma_start3A_186 = tpu.memref_slice %arg13[%add3A_184, %dma_start3A_185] : memref<256x64xf32, #tpu.memory_space<vmem>> -> memref<1x64xf32, #tpu.memory_space<vmem>>
      %dma_start3A_187 = arith.constant 0 : i32
      %dma_start3A_188 = tpu.memref_slice %arg5[%squeeze3A_182, %dma_start3A_187] : memref<1000000x64xf32, #tpu.memory_space<hbm>> -> memref<1x64xf32, #tpu.memory_space<hbm>>
      %dma_start3A_189 = arith.constant 0 : i32
      %dma_start3A_190 = tpu.memref_slice %arg13[%add3A_184, %dma_start3A_189] : memref<256x64xf32, #tpu.memory_space<vmem>> -> memref<1x64xf32, #tpu.memory_space<vmem>>
      %dma_start3A_191 = arith.constant 0 : i32
      %dma_start3A_192 = tpu.memref_slice %arg5[%squeeze3A_182, %dma_start3A_191] : memref<1000000x64xf32, #tpu.memory_space<hbm>> -> memref<1x64xf32, #tpu.memory_space<hbm>>
      tpu.enqueue_dma source(%dma_start3A_192 : memref<1x64xf32, #tpu.memory_space<hbm>>) target(%dma_start3A_190 : memref<1x64xf32, #tpu.memory_space<vmem>>) target_semaphore(%arg15 : memref<!tpu.dma_semaphore, #tpu.memory_space<semaphore_mem>>)
      %add3A_193 = arith.constant 4 : i32
      %add3A_194 = arith.addi %mul3A_91, %add3A_193 : i32
      %dma_start3A_195 = arith.constant 0 : i32
      %dma_start3A_196 = tpu.memref_slice %arg14[%add3A_194, %dma_start3A_195] : memref<256x64xf32, #tpu.memory_space<vmem>> -> memref<1x64xf32, #tpu.memory_space<vmem>>
      %dma_start3A_197 = arith.constant 0 : i32
      %dma_start3A_198 = tpu.memref_slice %arg7[%squeeze3A_182, %dma_start3A_197] : memref<1000000x64xf32, #tpu.memory_space<hbm>> -> memref<1x64xf32, #tpu.memory_space<hbm>>
      %dma_start3A_199 = arith.constant 0 : i32
      %dma_start3A_200 = tpu.memref_slice %arg14[%add3A_194, %dma_start3A_199] : memref<256x64xf32, #tpu.memory_space<vmem>> -> memref<1x64xf32, #tpu.memory_space<vmem>>
      %dma_start3A_201 = arith.constant 0 : i32
      %dma_start3A_202 = tpu.memref_slice %arg7[%squeeze3A_182, %dma_start3A_201] : memref<1000000x64xf32, #tpu.memory_space<hbm>> -> memref<1x64xf32, #tpu.memory_space<hbm>>
      tpu.enqueue_dma source(%dma_start3A_202 : memref<1x64xf32, #tpu.memory_space<hbm>>) target(%dma_start3A_200 : memref<1x64xf32, #tpu.memory_space<vmem>>) target_semaphore(%arg16 : memref<!tpu.dma_semaphore, #tpu.memory_space<semaphore_mem>>)
      %slice3A_203 = vector.extract_strided_slice %get3A_95 {offsets = [5], sizes = [1], strides = [1]} : vector<16xi32> to vector<1xi32>
      %squeeze3A_204 = vector.extract %slice3A_203[0] : i32 from vector<1xi32>
      %add3A_205 = arith.constant 5 : i32
      %add3A_206 = arith.addi %mul3A_91, %add3A_205 : i32
      %dma_start3A_207 = arith.constant 0 : i32
      %dma_start3A_208 = tpu.memref_slice %arg13[%add3A_206, %dma_start3A_207] : memref<256x64xf32, #tpu.memory_space<vmem>> -> memref<1x64xf32, #tpu.memory_space<vmem>>
      %dma_start3A_209 = arith.constant 0 : i32
      %dma_start3A_210 = tpu.memref_slice %arg5[%squeeze3A_204, %dma_start3A_209] : memref<1000000x64xf32, #tpu.memory_space<hbm>> -> memref<1x64xf32, #tpu.memory_space<hbm>>
      %dma_start3A_211 = arith.constant 0 : i32
      %dma_start3A_212 = tpu.memref_slice %arg13[%add3A_206, %dma_start3A_211] : memref<256x64xf32, #tpu.memory_space<vmem>> -> memref<1x64xf32, #tpu.memory_space<vmem>>
      %dma_start3A_213 = arith.constant 0 : i32
      %dma_start3A_214 = tpu.memref_slice %arg5[%squeeze3A_204, %dma_start3A_213] : memref<1000000x64xf32, #tpu.memory_space<hbm>> -> memref<1x64xf32, #tpu.memory_space<hbm>>
      tpu.enqueue_dma source(%dma_start3A_214 : memref<1x64xf32, #tpu.memory_space<hbm>>) target(%dma_start3A_212 : memref<1x64xf32, #tpu.memory_space<vmem>>) target_semaphore(%arg15 : memref<!tpu.dma_semaphore, #tpu.memory_space<semaphore_mem>>)
      %add3A_215 = arith.constant 5 : i32
      %add3A_216 = arith.addi %mul3A_91, %add3A_215 : i32
      %dma_start3A_217 = arith.constant 0 : i32
      %dma_start3A_218 = tpu.memref_slice %arg14[%add3A_216, %dma_start3A_217] : memref<256x64xf32, #tpu.memory_space<vmem>> -> memref<1x64xf32, #tpu.memory_space<vmem>>
      %dma_start3A_219 = arith.constant 0 : i32
      %dma_start3A_220 = tpu.memref_slice %arg7[%squeeze3A_204, %dma_start3A_219] : memref<1000000x64xf32, #tpu.memory_space<hbm>> -> memref<1x64xf32, #tpu.memory_space<hbm>>
      %dma_start3A_221 = arith.constant 0 : i32
      %dma_start3A_222 = tpu.memref_slice %arg14[%add3A_216, %dma_start3A_221] : memref<256x64xf32, #tpu.memory_space<vmem>> -> memref<1x64xf32, #tpu.memory_space<vmem>>
      %dma_start3A_223 = arith.constant 0 : i32
      %dma_start3A_224 = tpu.memref_slice %arg7[%squeeze3A_204, %dma_start3A_223] : memref<1000000x64xf32, #tpu.memory_space<hbm>> -> memref<1x64xf32, #tpu.memory_space<hbm>>
      tpu.enqueue_dma source(%dma_start3A_224 : memref<1x64xf32, #tpu.memory_space<hbm>>) target(%dma_start3A_222 : memref<1x64xf32, #tpu.memory_space<vmem>>) target_semaphore(%arg16 : memref<!tpu.dma_semaphore, #tpu.memory_space<semaphore_mem>>)
      %slice3A_225 = vector.extract_strided_slice %get3A_95 {offsets = [6], sizes = [1], strides = [1]} : vector<16xi32> to vector<1xi32>
      %squeeze3A_226 = vector.extract %slice3A_225[0] : i32 from vector<1xi32>
      %add3A_227 = arith.constant 6 : i32
      %add3A_228 = arith.addi %mul3A_91, %add3A_227 : i32
      %dma_start3A_229 = arith.constant 0 : i32
      %dma_start3A_230 = tpu.memref_slice %arg13[%add3A_228, %dma_start3A_229] : memref<256x64xf32, #tpu.memory_space<vmem>> -> memref<1x64xf32, #tpu.memory_space<vmem>>
      %dma_start3A_231 = arith.constant 0 : i32
      %dma_start3A_232 = tpu.memref_slice %arg5[%squeeze3A_226, %dma_start3A_231] : memref<1000000x64xf32, #tpu.memory_space<hbm>> -> memref<1x64xf32, #tpu.memory_space<hbm>>
      %dma_start3A_233 = arith.constant 0 : i32
      %dma_start3A_234 = tpu.memref_slice %arg13[%add3A_228, %dma_start3A_233] : memref<256x64xf32, #tpu.memory_space<vmem>> -> memref<1x64xf32, #tpu.memory_space<vmem>>
      %dma_start3A_235 = arith.constant 0 : i32
      %dma_start3A_236 = tpu.memref_slice %arg5[%squeeze3A_226, %dma_start3A_235] : memref<1000000x64xf32, #tpu.memory_space<hbm>> -> memref<1x64xf32, #tpu.memory_space<hbm>>
      tpu.enqueue_dma source(%dma_start3A_236 : memref<1x64xf32, #tpu.memory_space<hbm>>) target(%dma_start3A_234 : memref<1x64xf32, #tpu.memory_space<vmem>>) target_semaphore(%arg15 : memref<!tpu.dma_semaphore, #tpu.memory_space<semaphore_mem>>)
      %add3A_237 = arith.constant 6 : i32
      %add3A_238 = arith.addi %mul3A_91, %add3A_237 : i32
      %dma_start3A_239 = arith.constant 0 : i32
      %dma_start3A_240 = tpu.memref_slice %arg14[%add3A_238, %dma_start3A_239] : memref<256x64xf32, #tpu.memory_space<vmem>> -> memref<1x64xf32, #tpu.memory_space<vmem>>
      %dma_start3A_241 = arith.constant 0 : i32
      %dma_start3A_242 = tpu.memref_slice %arg7[%squeeze3A_226, %dma_start3A_241] : memref<1000000x64xf32, #tpu.memory_space<hbm>> -> memref<1x64xf32, #tpu.memory_space<hbm>>
      %dma_start3A_243 = arith.constant 0 : i32
      %dma_start3A_244 = tpu.memref_slice %arg14[%add3A_238, %dma_start3A_243] : memref<256x64xf32, #tpu.memory_space<vmem>> -> memref<1x64xf32, #tpu.memory_space<vmem>>
      %dma_start3A_245 = arith.constant 0 : i32
      %dma_start3A_246 = tpu.memref_slice %arg7[%squeeze3A_226, %dma_start3A_245] : memref<1000000x64xf32, #tpu.memory_space<hbm>> -> memref<1x64xf32, #tpu.memory_space<hbm>>
      tpu.enqueue_dma source(%dma_start3A_246 : memref<1x64xf32, #tpu.memory_space<hbm>>) target(%dma_start3A_244 : memref<1x64xf32, #tpu.memory_space<vmem>>) target_semaphore(%arg16 : memref<!tpu.dma_semaphore, #tpu.memory_space<semaphore_mem>>)
      %slice3A_247 = vector.extract_strided_slice %get3A_95 {offsets = [7], sizes = [1], strides = [1]} : vector<16xi32> to vector<1xi32>
      %squeeze3A_248 = vector.extract %slice3A_247[0] : i32 from vector<1xi32>
      %add3A_249 = arith.constant 7 : i32
      %add3A_250 = arith.addi %mul3A_91, %add3A_249 : i32
      %dma_start3A_251 = arith.constant 0 : i32
      %dma_start3A_252 = tpu.memref_slice %arg13[%add3A_250, %dma_start3A_251] : memref<256x64xf32, #tpu.memory_space<vmem>> -> memref<1x64xf32, #tpu.memory_space<vmem>>
      %dma_start3A_253 = arith.constant 0 : i32
      %dma_start3A_254 = tpu.memref_slice %arg5[%squeeze3A_248, %dma_start3A_253] : memref<1000000x64xf32, #tpu.memory_space<hbm>> -> memref<1x64xf32, #tpu.memory_space<hbm>>
      %dma_start3A_255 = arith.constant 0 : i32
      %dma_start3A_256 = tpu.memref_slice %arg13[%add3A_250, %dma_start3A_255] : memref<256x64xf32, #tpu.memory_space<vmem>> -> memref<1x64xf32, #tpu.memory_space<vmem>>
      %dma_start3A_257 = arith.constant 0 : i32
      %dma_start3A_258 = tpu.memref_slice %arg5[%squeeze3A_248, %dma_start3A_257] : memref<1000000x64xf32, #tpu.memory_space<hbm>> -> memref<1x64xf32, #tpu.memory_space<hbm>>
      tpu.enqueue_dma source(%dma_start3A_258 : memref<1x64xf32, #tpu.memory_space<hbm>>) target(%dma_start3A_256 : memref<1x64xf32, #tpu.memory_space<vmem>>) target_semaphore(%arg15 : memref<!tpu.dma_semaphore, #tpu.memory_space<semaphore_mem>>)
      %add3A_259 = arith.constant 7 : i32
      %add3A_260 = arith.addi %mul3A_91, %add3A_259 : i32
      %dma_start3A_261 = arith.constant 0 : i32
      %dma_start3A_262 = tpu.memref_slice %arg14[%add3A_260, %dma_start3A_261] : memref<256x64xf32, #tpu.memory_space<vmem>> -> memref<1x64xf32, #tpu.memory_space<vmem>>
      %dma_start3A_263 = arith.constant 0 : i32
      %dma_start3A_264 = tpu.memref_slice %arg7[%squeeze3A_248, %dma_start3A_263] : memref<1000000x64xf32, #tpu.memory_space<hbm>> -> memref<1x64xf32, #tpu.memory_space<hbm>>
      %dma_start3A_265 = arith.constant 0 : i32
      %dma_start3A_266 = tpu.memref_slice %arg14[%add3A_260, %dma_start3A_265] : memref<256x64xf32, #tpu.memory_space<vmem>> -> memref<1x64xf32, #tpu.memory_space<vmem>>
      %dma_start3A_267 = arith.constant 0 : i32
      %dma_start3A_268 = tpu.memref_slice %arg7[%squeeze3A_248, %dma_start3A_267] : memref<1000000x64xf32, #tpu.memory_space<hbm>> -> memref<1x64xf32, #tpu.memory_space<hbm>>
      tpu.enqueue_dma source(%dma_start3A_268 : memref<1x64xf32, #tpu.memory_space<hbm>>) target(%dma_start3A_266 : memref<1x64xf32, #tpu.memory_space<vmem>>) target_semaphore(%arg16 : memref<!tpu.dma_semaphore, #tpu.memory_space<semaphore_mem>>)
      %slice3A_269 = vector.extract_strided_slice %get3A_95 {offsets = [8], sizes = [1], strides = [1]} : vector<16xi32> to vector<1xi32>
      %squeeze3A_270 = vector.extract %slice3A_269[0] : i32 from vector<1xi32>
      %add3A_271 = arith.constant 8 : i32
      %add3A_272 = arith.addi %mul3A_91, %add3A_271 : i32
      %dma_start3A_273 = arith.constant 0 : i32
      %dma_start3A_274 = tpu.memref_slice %arg13[%add3A_272, %dma_start3A_273] : memref<256x64xf32, #tpu.memory_space<vmem>> -> memref<1x64xf32, #tpu.memory_space<vmem>>
      %dma_start3A_275 = arith.constant 0 : i32
      %dma_start3A_276 = tpu.memref_slice %arg5[%squeeze3A_270, %dma_start3A_275] : memref<1000000x64xf32, #tpu.memory_space<hbm>> -> memref<1x64xf32, #tpu.memory_space<hbm>>
      %dma_start3A_277 = arith.constant 0 : i32
      %dma_start3A_278 = tpu.memref_slice %arg13[%add3A_272, %dma_start3A_277] : memref<256x64xf32, #tpu.memory_space<vmem>> -> memref<1x64xf32, #tpu.memory_space<vmem>>
      %dma_start3A_279 = arith.constant 0 : i32
      %dma_start3A_280 = tpu.memref_slice %arg5[%squeeze3A_270, %dma_start3A_279] : memref<1000000x64xf32, #tpu.memory_space<hbm>> -> memref<1x64xf32, #tpu.memory_space<hbm>>
      tpu.enqueue_dma source(%dma_start3A_280 : memref<1x64xf32, #tpu.memory_space<hbm>>) target(%dma_start3A_278 : memref<1x64xf32, #tpu.memory_space<vmem>>) target_semaphore(%arg15 : memref<!tpu.dma_semaphore, #tpu.memory_space<semaphore_mem>>)
      %add3A_281 = arith.constant 8 : i32
      %add3A_282 = arith.addi %mul3A_91, %add3A_281 : i32
      %dma_start3A_283 = arith.constant 0 : i32
      %dma_start3A_284 = tpu.memref_slice %arg14[%add3A_282, %dma_start3A_283] : memref<256x64xf32, #tpu.memory_space<vmem>> -> memref<1x64xf32, #tpu.memory_space<vmem>>
      %dma_start3A_285 = arith.constant 0 : i32
      %dma_start3A_286 = tpu.memref_slice %arg7[%squeeze3A_270, %dma_start3A_285] : memref<1000000x64xf32, #tpu.memory_space<hbm>> -> memref<1x64xf32, #tpu.memory_space<hbm>>
      %dma_start3A_287 = arith.constant 0 : i32
      %dma_start3A_288 = tpu.memref_slice %arg14[%add3A_282, %dma_start3A_287] : memref<256x64xf32, #tpu.memory_space<vmem>> -> memref<1x64xf32, #tpu.memory_space<vmem>>
      %dma_start3A_289 = arith.constant 0 : i32
      %dma_start3A_290 = tpu.memref_slice %arg7[%squeeze3A_270, %dma_start3A_289] : memref<1000000x64xf32, #tpu.memory_space<hbm>> -> memref<1x64xf32, #tpu.memory_space<hbm>>
      tpu.enqueue_dma source(%dma_start3A_290 : memref<1x64xf32, #tpu.memory_space<hbm>>) target(%dma_start3A_288 : memref<1x64xf32, #tpu.memory_space<vmem>>) target_semaphore(%arg16 : memref<!tpu.dma_semaphore, #tpu.memory_space<semaphore_mem>>)
      %slice3A_291 = vector.extract_strided_slice %get3A_95 {offsets = [9], sizes = [1], strides = [1]} : vector<16xi32> to vector<1xi32>
      %squeeze3A_292 = vector.extract %slice3A_291[0] : i32 from vector<1xi32>
      %add3A_293 = arith.constant 9 : i32
      %add3A_294 = arith.addi %mul3A_91, %add3A_293 : i32
      %dma_start3A_295 = arith.constant 0 : i32
      %dma_start3A_296 = tpu.memref_slice %arg13[%add3A_294, %dma_start3A_295] : memref<256x64xf32, #tpu.memory_space<vmem>> -> memref<1x64xf32, #tpu.memory_space<vmem>>
      %dma_start3A_297 = arith.constant 0 : i32
      %dma_start3A_298 = tpu.memref_slice %arg5[%squeeze3A_292, %dma_start3A_297] : memref<1000000x64xf32, #tpu.memory_space<hbm>> -> memref<1x64xf32, #tpu.memory_space<hbm>>
      %dma_start3A_299 = arith.constant 0 : i32
      %dma_start3A_300 = tpu.memref_slice %arg13[%add3A_294, %dma_start3A_299] : memref<256x64xf32, #tpu.memory_space<vmem>> -> memref<1x64xf32, #tpu.memory_space<vmem>>
      %dma_start3A_301 = arith.constant 0 : i32
      %dma_start3A_302 = tpu.memref_slice %arg5[%squeeze3A_292, %dma_start3A_301] : memref<1000000x64xf32, #tpu.memory_space<hbm>> -> memref<1x64xf32, #tpu.memory_space<hbm>>
      tpu.enqueue_dma source(%dma_start3A_302 : memref<1x64xf32, #tpu.memory_space<hbm>>) target(%dma_start3A_300 : memref<1x64xf32, #tpu.memory_space<vmem>>) target_semaphore(%arg15 : memref<!tpu.dma_semaphore, #tpu.memory_space<semaphore_mem>>)
      %add3A_303 = arith.constant 9 : i32
      %add3A_304 = arith.addi %mul3A_91, %add3A_303 : i32
      %dma_start3A_305 = arith.constant 0 : i32
      %dma_start3A_306 = tpu.memref_slice %arg14[%add3A_304, %dma_start3A_305] : memref<256x64xf32, #tpu.memory_space<vmem>> -> memref<1x64xf32, #tpu.memory_space<vmem>>
      %dma_start3A_307 = arith.constant 0 : i32
      %dma_start3A_308 = tpu.memref_slice %arg7[%squeeze3A_292, %dma_start3A_307] : memref<1000000x64xf32, #tpu.memory_space<hbm>> -> memref<1x64xf32, #tpu.memory_space<hbm>>
      %dma_start3A_309 = arith.constant 0 : i32
      %dma_start3A_310 = tpu.memref_slice %arg14[%add3A_304, %dma_start3A_309] : memref<256x64xf32, #tpu.memory_space<vmem>> -> memref<1x64xf32, #tpu.memory_space<vmem>>
      %dma_start3A_311 = arith.constant 0 : i32
      %dma_start3A_312 = tpu.memref_slice %arg7[%squeeze3A_292, %dma_start3A_311] : memref<1000000x64xf32, #tpu.memory_space<hbm>> -> memref<1x64xf32, #tpu.memory_space<hbm>>
      tpu.enqueue_dma source(%dma_start3A_312 : memref<1x64xf32, #tpu.memory_space<hbm>>) target(%dma_start3A_310 : memref<1x64xf32, #tpu.memory_space<vmem>>) target_semaphore(%arg16 : memref<!tpu.dma_semaphore, #tpu.memory_space<semaphore_mem>>)
      %slice3A_313 = vector.extract_strided_slice %get3A_95 {offsets = [10], sizes = [1], strides = [1]} : vector<16xi32> to vector<1xi32>
      %squeeze3A_314 = vector.extract %slice3A_313[0] : i32 from vector<1xi32>
      %add3A_315 = arith.constant 10 : i32
      %add3A_316 = arith.addi %mul3A_91, %add3A_315 : i32
      %dma_start3A_317 = arith.constant 0 : i32
      %dma_start3A_318 = tpu.memref_slice %arg13[%add3A_316, %dma_start3A_317] : memref<256x64xf32, #tpu.memory_space<vmem>> -> memref<1x64xf32, #tpu.memory_space<vmem>>
      %dma_start3A_319 = arith.constant 0 : i32
      %dma_start3A_320 = tpu.memref_slice %arg5[%squeeze3A_314, %dma_start3A_319] : memref<1000000x64xf32, #tpu.memory_space<hbm>> -> memref<1x64xf32, #tpu.memory_space<hbm>>
      %dma_start3A_321 = arith.constant 0 : i32
      %dma_start3A_322 = tpu.memref_slice %arg13[%add3A_316, %dma_start3A_321] : memref<256x64xf32, #tpu.memory_space<vmem>> -> memref<1x64xf32, #tpu.memory_space<vmem>>
      %dma_start3A_323 = arith.constant 0 : i32
      %dma_start3A_324 = tpu.memref_slice %arg5[%squeeze3A_314, %dma_start3A_323] : memref<1000000x64xf32, #tpu.memory_space<hbm>> -> memref<1x64xf32, #tpu.memory_space<hbm>>
      tpu.enqueue_dma source(%dma_start3A_324 : memref<1x64xf32, #tpu.memory_space<hbm>>) target(%dma_start3A_322 : memref<1x64xf32, #tpu.memory_space<vmem>>) target_semaphore(%arg15 : memref<!tpu.dma_semaphore, #tpu.memory_space<semaphore_mem>>)
      %add3A_325 = arith.constant 10 : i32
      %add3A_326 = arith.addi %mul3A_91, %add3A_325 : i32
      %dma_start3A_327 = arith.constant 0 : i32
      %dma_start3A_328 = tpu.memref_slice %arg14[%add3A_326, %dma_start3A_327] : memref<256x64xf32, #tpu.memory_space<vmem>> -> memref<1x64xf32, #tpu.memory_space<vmem>>
      %dma_start3A_329 = arith.constant 0 : i32
      %dma_start3A_330 = tpu.memref_slice %arg7[%squeeze3A_314, %dma_start3A_329] : memref<1000000x64xf32, #tpu.memory_space<hbm>> -> memref<1x64xf32, #tpu.memory_space<hbm>>
      %dma_start3A_331 = arith.constant 0 : i32
      %dma_start3A_332 = tpu.memref_slice %arg14[%add3A_326, %dma_start3A_331] : memref<256x64xf32, #tpu.memory_space<vmem>> -> memref<1x64xf32, #tpu.memory_space<vmem>>
      %dma_start3A_333 = arith.constant 0 : i32
      %dma_start3A_334 = tpu.memref_slice %arg7[%squeeze3A_314, %dma_start3A_333] : memref<1000000x64xf32, #tpu.memory_space<hbm>> -> memref<1x64xf32, #tpu.memory_space<hbm>>
      tpu.enqueue_dma source(%dma_start3A_334 : memref<1x64xf32, #tpu.memory_space<hbm>>) target(%dma_start3A_332 : memref<1x64xf32, #tpu.memory_space<vmem>>) target_semaphore(%arg16 : memref<!tpu.dma_semaphore, #tpu.memory_space<semaphore_mem>>)
      %slice3A_335 = vector.extract_strided_slice %get3A_95 {offsets = [11], sizes = [1], strides = [1]} : vector<16xi32> to vector<1xi32>
      %squeeze3A_336 = vector.extract %slice3A_335[0] : i32 from vector<1xi32>
      %add3A_337 = arith.constant 11 : i32
      %add3A_338 = arith.addi %mul3A_91, %add3A_337 : i32
      %dma_start3A_339 = arith.constant 0 : i32
      %dma_start3A_340 = tpu.memref_slice %arg13[%add3A_338, %dma_start3A_339] : memref<256x64xf32, #tpu.memory_space<vmem>> -> memref<1x64xf32, #tpu.memory_space<vmem>>
      %dma_start3A_341 = arith.constant 0 : i32
      %dma_start3A_342 = tpu.memref_slice %arg5[%squeeze3A_336, %dma_start3A_341] : memref<1000000x64xf32, #tpu.memory_space<hbm>> -> memref<1x64xf32, #tpu.memory_space<hbm>>
      %dma_start3A_343 = arith.constant 0 : i32
      %dma_start3A_344 = tpu.memref_slice %arg13[%add3A_338, %dma_start3A_343] : memref<256x64xf32, #tpu.memory_space<vmem>> -> memref<1x64xf32, #tpu.memory_space<vmem>>
      %dma_start3A_345 = arith.constant 0 : i32
      %dma_start3A_346 = tpu.memref_slice %arg5[%squeeze3A_336, %dma_start3A_345] : memref<1000000x64xf32, #tpu.memory_space<hbm>> -> memref<1x64xf32, #tpu.memory_space<hbm>>
      tpu.enqueue_dma source(%dma_start3A_346 : memref<1x64xf32, #tpu.memory_space<hbm>>) target(%dma_start3A_344 : memref<1x64xf32, #tpu.memory_space<vmem>>) target_semaphore(%arg15 : memref<!tpu.dma_semaphore, #tpu.memory_space<semaphore_mem>>)
      %add3A_347 = arith.constant 11 : i32
      %add3A_348 = arith.addi %mul3A_91, %add3A_347 : i32
      %dma_start3A_349 = arith.constant 0 : i32
      %dma_start3A_350 = tpu.memref_slice %arg14[%add3A_348, %dma_start3A_349] : memref<256x64xf32, #tpu.memory_space<vmem>> -> memref<1x64xf32, #tpu.memory_space<vmem>>
      %dma_start3A_351 = arith.constant 0 : i32
      %dma_start3A_352 = tpu.memref_slice %arg7[%squeeze3A_336, %dma_start3A_351] : memref<1000000x64xf32, #tpu.memory_space<hbm>> -> memref<1x64xf32, #tpu.memory_space<hbm>>
      %dma_start3A_353 = arith.constant 0 : i32
      %dma_start3A_354 = tpu.memref_slice %arg14[%add3A_348, %dma_start3A_353] : memref<256x64xf32, #tpu.memory_space<vmem>> -> memref<1x64xf32, #tpu.memory_space<vmem>>
      %dma_start3A_355 = arith.constant 0 : i32
      %dma_start3A_356 = tpu.memref_slice %arg7[%squeeze3A_336, %dma_start3A_355] : memref<1000000x64xf32, #tpu.memory_space<hbm>> -> memref<1x64xf32, #tpu.memory_space<hbm>>
      tpu.enqueue_dma source(%dma_start3A_356 : memref<1x64xf32, #tpu.memory_space<hbm>>) target(%dma_start3A_354 : memref<1x64xf32, #tpu.memory_space<vmem>>) target_semaphore(%arg16 : memref<!tpu.dma_semaphore, #tpu.memory_space<semaphore_mem>>)
      %slice3A_357 = vector.extract_strided_slice %get3A_95 {offsets = [12], sizes = [1], strides = [1]} : vector<16xi32> to vector<1xi32>
      %squeeze3A_358 = vector.extract %slice3A_357[0] : i32 from vector<1xi32>
      %add3A_359 = arith.constant 12 : i32
      %add3A_360 = arith.addi %mul3A_91, %add3A_359 : i32
      %dma_start3A_361 = arith.constant 0 : i32
      %dma_start3A_362 = tpu.memref_slice %arg13[%add3A_360, %dma_start3A_361] : memref<256x64xf32, #tpu.memory_space<vmem>> -> memref<1x64xf32, #tpu.memory_space<vmem>>
      %dma_start3A_363 = arith.constant 0 : i32
      %dma_start3A_364 = tpu.memref_slice %arg5[%squeeze3A_358, %dma_start3A_363] : memref<1000000x64xf32, #tpu.memory_space<hbm>> -> memref<1x64xf32, #tpu.memory_space<hbm>>
      %dma_start3A_365 = arith.constant 0 : i32
      %dma_start3A_366 = tpu.memref_slice %arg13[%add3A_360, %dma_start3A_365] : memref<256x64xf32, #tpu.memory_space<vmem>> -> memref<1x64xf32, #tpu.memory_space<vmem>>
      %dma_start3A_367 = arith.constant 0 : i32
      %dma_start3A_368 = tpu.memref_slice %arg5[%squeeze3A_358, %dma_start3A_367] : memref<1000000x64xf32, #tpu.memory_space<hbm>> -> memref<1x64xf32, #tpu.memory_space<hbm>>
      tpu.enqueue_dma source(%dma_start3A_368 : memref<1x64xf32, #tpu.memory_space<hbm>>) target(%dma_start3A_366 : memref<1x64xf32, #tpu.memory_space<vmem>>) target_semaphore(%arg15 : memref<!tpu.dma_semaphore, #tpu.memory_space<semaphore_mem>>)
      %add3A_369 = arith.constant 12 : i32
      %add3A_370 = arith.addi %mul3A_91, %add3A_369 : i32
      %dma_start3A_371 = arith.constant 0 : i32
      %dma_start3A_372 = tpu.memref_slice %arg14[%add3A_370, %dma_start3A_371] : memref<256x64xf32, #tpu.memory_space<vmem>> -> memref<1x64xf32, #tpu.memory_space<vmem>>
      %dma_start3A_373 = arith.constant 0 : i32
      %dma_start3A_374 = tpu.memref_slice %arg7[%squeeze3A_358, %dma_start3A_373] : memref<1000000x64xf32, #tpu.memory_space<hbm>> -> memref<1x64xf32, #tpu.memory_space<hbm>>
      %dma_start3A_375 = arith.constant 0 : i32
      %dma_start3A_376 = tpu.memref_slice %arg14[%add3A_370, %dma_start3A_375] : memref<256x64xf32, #tpu.memory_space<vmem>> -> memref<1x64xf32, #tpu.memory_space<vmem>>
      %dma_start3A_377 = arith.constant 0 : i32
      %dma_start3A_378 = tpu.memref_slice %arg7[%squeeze3A_358, %dma_start3A_377] : memref<1000000x64xf32, #tpu.memory_space<hbm>> -> memref<1x64xf32, #tpu.memory_space<hbm>>
      tpu.enqueue_dma source(%dma_start3A_378 : memref<1x64xf32, #tpu.memory_space<hbm>>) target(%dma_start3A_376 : memref<1x64xf32, #tpu.memory_space<vmem>>) target_semaphore(%arg16 : memref<!tpu.dma_semaphore, #tpu.memory_space<semaphore_mem>>)
      %slice3A_379 = vector.extract_strided_slice %get3A_95 {offsets = [13], sizes = [1], strides = [1]} : vector<16xi32> to vector<1xi32>
      %squeeze3A_380 = vector.extract %slice3A_379[0] : i32 from vector<1xi32>
      %add3A_381 = arith.constant 13 : i32
      %add3A_382 = arith.addi %mul3A_91, %add3A_381 : i32
      %dma_start3A_383 = arith.constant 0 : i32
      %dma_start3A_384 = tpu.memref_slice %arg13[%add3A_382, %dma_start3A_383] : memref<256x64xf32, #tpu.memory_space<vmem>> -> memref<1x64xf32, #tpu.memory_space<vmem>>
      %dma_start3A_385 = arith.constant 0 : i32
      %dma_start3A_386 = tpu.memref_slice %arg5[%squeeze3A_380, %dma_start3A_385] : memref<1000000x64xf32, #tpu.memory_space<hbm>> -> memref<1x64xf32, #tpu.memory_space<hbm>>
      %dma_start3A_387 = arith.constant 0 : i32
      %dma_start3A_388 = tpu.memref_slice %arg13[%add3A_382, %dma_start3A_387] : memref<256x64xf32, #tpu.memory_space<vmem>> -> memref<1x64xf32, #tpu.memory_space<vmem>>
      %dma_start3A_389 = arith.constant 0 : i32
      %dma_start3A_390 = tpu.memref_slice %arg5[%squeeze3A_380, %dma_start3A_389] : memref<1000000x64xf32, #tpu.memory_space<hbm>> -> memref<1x64xf32, #tpu.memory_space<hbm>>
      tpu.enqueue_dma source(%dma_start3A_390 : memref<1x64xf32, #tpu.memory_space<hbm>>) target(%dma_start3A_388 : memref<1x64xf32, #tpu.memory_space<vmem>>) target_semaphore(%arg15 : memref<!tpu.dma_semaphore, #tpu.memory_space<semaphore_mem>>)
      %add3A_391 = arith.constant 13 : i32
      %add3A_392 = arith.addi %mul3A_91, %add3A_391 : i32
      %dma_start3A_393 = arith.constant 0 : i32
      %dma_start3A_394 = tpu.memref_slice %arg14[%add3A_392, %dma_start3A_393] : memref<256x64xf32, #tpu.memory_space<vmem>> -> memref<1x64xf32, #tpu.memory_space<vmem>>
      %dma_start3A_395 = arith.constant 0 : i32
      %dma_start3A_396 = tpu.memref_slice %arg7[%squeeze3A_380, %dma_start3A_395] : memref<1000000x64xf32, #tpu.memory_space<hbm>> -> memref<1x64xf32, #tpu.memory_space<hbm>>
      %dma_start3A_397 = arith.constant 0 : i32
      %dma_start3A_398 = tpu.memref_slice %arg14[%add3A_392, %dma_start3A_397] : memref<256x64xf32, #tpu.memory_space<vmem>> -> memref<1x64xf32, #tpu.memory_space<vmem>>
      %dma_start3A_399 = arith.constant 0 : i32
      %dma_start3A_400 = tpu.memref_slice %arg7[%squeeze3A_380, %dma_start3A_399] : memref<1000000x64xf32, #tpu.memory_space<hbm>> -> memref<1x64xf32, #tpu.memory_space<hbm>>
      tpu.enqueue_dma source(%dma_start3A_400 : memref<1x64xf32, #tpu.memory_space<hbm>>) target(%dma_start3A_398 : memref<1x64xf32, #tpu.memory_space<vmem>>) target_semaphore(%arg16 : memref<!tpu.dma_semaphore, #tpu.memory_space<semaphore_mem>>)
      %slice3A_401 = vector.extract_strided_slice %get3A_95 {offsets = [14], sizes = [1], strides = [1]} : vector<16xi32> to vector<1xi32>
      %squeeze3A_402 = vector.extract %slice3A_401[0] : i32 from vector<1xi32>
      %add3A_403 = arith.constant 14 : i32
      %add3A_404 = arith.addi %mul3A_91, %add3A_403 : i32
      %dma_start3A_405 = arith.constant 0 : i32
      %dma_start3A_406 = tpu.memref_slice %arg13[%add3A_404, %dma_start3A_405] : memref<256x64xf32, #tpu.memory_space<vmem>> -> memref<1x64xf32, #tpu.memory_space<vmem>>
      %dma_start3A_407 = arith.constant 0 : i32
      %dma_start3A_408 = tpu.memref_slice %arg5[%squeeze3A_402, %dma_start3A_407] : memref<1000000x64xf32, #tpu.memory_space<hbm>> -> memref<1x64xf32, #tpu.memory_space<hbm>>
      %dma_start3A_409 = arith.constant 0 : i32
      %dma_start3A_410 = tpu.memref_slice %arg13[%add3A_404, %dma_start3A_409] : memref<256x64xf32, #tpu.memory_space<vmem>> -> memref<1x64xf32, #tpu.memory_space<vmem>>
      %dma_start3A_411 = arith.constant 0 : i32
      %dma_start3A_412 = tpu.memref_slice %arg5[%squeeze3A_402, %dma_start3A_411] : memref<1000000x64xf32, #tpu.memory_space<hbm>> -> memref<1x64xf32, #tpu.memory_space<hbm>>
      tpu.enqueue_dma source(%dma_start3A_412 : memref<1x64xf32, #tpu.memory_space<hbm>>) target(%dma_start3A_410 : memref<1x64xf32, #tpu.memory_space<vmem>>) target_semaphore(%arg15 : memref<!tpu.dma_semaphore, #tpu.memory_space<semaphore_mem>>)
      %add3A_413 = arith.constant 14 : i32
      %add3A_414 = arith.addi %mul3A_91, %add3A_413 : i32
      %dma_start3A_415 = arith.constant 0 : i32
      %dma_start3A_416 = tpu.memref_slice %arg14[%add3A_414, %dma_start3A_415] : memref<256x64xf32, #tpu.memory_space<vmem>> -> memref<1x64xf32, #tpu.memory_space<vmem>>
      %dma_start3A_417 = arith.constant 0 : i32
      %dma_start3A_418 = tpu.memref_slice %arg7[%squeeze3A_402, %dma_start3A_417] : memref<1000000x64xf32, #tpu.memory_space<hbm>> -> memref<1x64xf32, #tpu.memory_space<hbm>>
      %dma_start3A_419 = arith.constant 0 : i32
      %dma_start3A_420 = tpu.memref_slice %arg14[%add3A_414, %dma_start3A_419] : memref<256x64xf32, #tpu.memory_space<vmem>> -> memref<1x64xf32, #tpu.memory_space<vmem>>
      %dma_start3A_421 = arith.constant 0 : i32
      %dma_start3A_422 = tpu.memref_slice %arg7[%squeeze3A_402, %dma_start3A_421] : memref<1000000x64xf32, #tpu.memory_space<hbm>> -> memref<1x64xf32, #tpu.memory_space<hbm>>
      tpu.enqueue_dma source(%dma_start3A_422 : memref<1x64xf32, #tpu.memory_space<hbm>>) target(%dma_start3A_420 : memref<1x64xf32, #tpu.memory_space<vmem>>) target_semaphore(%arg16 : memref<!tpu.dma_semaphore, #tpu.memory_space<semaphore_mem>>)
      %slice3A_423 = vector.extract_strided_slice %get3A_95 {offsets = [15], sizes = [1], strides = [1]} : vector<16xi32> to vector<1xi32>
      %squeeze3A_424 = vector.extract %slice3A_423[0] : i32 from vector<1xi32>
      %add3A_425 = arith.constant 15 : i32
      %add3A_426 = arith.addi %mul3A_91, %add3A_425 : i32
      %dma_start3A_427 = arith.constant 0 : i32
      %dma_start3A_428 = tpu.memref_slice %arg13[%add3A_426, %dma_start3A_427] : memref<256x64xf32, #tpu.memory_space<vmem>> -> memref<1x64xf32, #tpu.memory_space<vmem>>
      %dma_start3A_429 = arith.constant 0 : i32
      %dma_start3A_430 = tpu.memref_slice %arg5[%squeeze3A_424, %dma_start3A_429] : memref<1000000x64xf32, #tpu.memory_space<hbm>> -> memref<1x64xf32, #tpu.memory_space<hbm>>
      %dma_start3A_431 = arith.constant 0 : i32
      %dma_start3A_432 = tpu.memref_slice %arg13[%add3A_426, %dma_start3A_431] : memref<256x64xf32, #tpu.memory_space<vmem>> -> memref<1x64xf32, #tpu.memory_space<vmem>>
      %dma_start3A_433 = arith.constant 0 : i32
      %dma_start3A_434 = tpu.memref_slice %arg5[%squeeze3A_424, %dma_start3A_433] : memref<1000000x64xf32, #tpu.memory_space<hbm>> -> memref<1x64xf32, #tpu.memory_space<hbm>>
      tpu.enqueue_dma source(%dma_start3A_434 : memref<1x64xf32, #tpu.memory_space<hbm>>) target(%dma_start3A_432 : memref<1x64xf32, #tpu.memory_space<vmem>>) target_semaphore(%arg15 : memref<!tpu.dma_semaphore, #tpu.memory_space<semaphore_mem>>)
      %add3A_435 = arith.constant 15 : i32
      %add3A_436 = arith.addi %mul3A_91, %add3A_435 : i32
      %dma_start3A_437 = arith.constant 0 : i32
      %dma_start3A_438 = tpu.memref_slice %arg14[%add3A_436, %dma_start3A_437] : memref<256x64xf32, #tpu.memory_space<vmem>> -> memref<1x64xf32, #tpu.memory_space<vmem>>
      %dma_start3A_439 = arith.constant 0 : i32
      %dma_start3A_440 = tpu.memref_slice %arg7[%squeeze3A_424, %dma_start3A_439] : memref<1000000x64xf32, #tpu.memory_space<hbm>> -> memref<1x64xf32, #tpu.memory_space<hbm>>
      %dma_start3A_441 = arith.constant 0 : i32
      %dma_start3A_442 = tpu.memref_slice %arg14[%add3A_436, %dma_start3A_441] : memref<256x64xf32, #tpu.memory_space<vmem>> -> memref<1x64xf32, #tpu.memory_space<vmem>>
      %dma_start3A_443 = arith.constant 0 : i32
      %dma_start3A_444 = tpu.memref_slice %arg7[%squeeze3A_424, %dma_start3A_443] : memref<1000000x64xf32, #tpu.memory_space<hbm>> -> memref<1x64xf32, #tpu.memory_space<hbm>>
      tpu.enqueue_dma source(%dma_start3A_444 : memref<1x64xf32, #tpu.memory_space<hbm>>) target(%dma_start3A_442 : memref<1x64xf32, #tpu.memory_space<vmem>>) target_semaphore(%arg16 : memref<!tpu.dma_semaphore, #tpu.memory_space<semaphore_mem>>)
    }
    %scan3A_50 = arith.constant 16 : i32
    %dma_wait3A_51 = arith.constant 0 : i32
    %dma_wait3A_52 = arith.constant 0 : i32
    %dma_wait3A_53 = tpu.memref_slice %arg5[%dma_wait3A_51, %dma_wait3A_52] : memref<1000000x64xf32, #tpu.memory_space<hbm>> -> memref<256x64xf32, #tpu.memory_space<hbm>>
    %dma_wait3A_54 = arith.constant 0 : i32
    %dma_wait3A_55 = arith.constant 0 : i32
    %dma_wait3A_56 = tpu.memref_slice %arg5[%dma_wait3A_54, %dma_wait3A_55] : memref<1000000x64xf32, #tpu.memory_space<hbm>> -> memref<256x64xf32, #tpu.memory_space<hbm>>
    tpu.wait_dma2 semaphore(%arg15 : memref<!tpu.dma_semaphore, #tpu.memory_space<semaphore_mem>>) src(%dma_wait3A_56 : memref<256x64xf32, #tpu.memory_space<hbm>>) dst(%arg13 : memref<256x64xf32, #tpu.memory_space<vmem>>)
    %dma_wait3A_57 = arith.constant 0 : i32
    %dma_wait3A_58 = arith.constant 0 : i32
    %dma_wait3A_59 = tpu.memref_slice %arg7[%dma_wait3A_57, %dma_wait3A_58] : memref<1000000x64xf32, #tpu.memory_space<hbm>> -> memref<256x64xf32, #tpu.memory_space<hbm>>
    %dma_wait3A_60 = arith.constant 0 : i32
    %dma_wait3A_61 = arith.constant 0 : i32
    %dma_wait3A_62 = tpu.memref_slice %arg7[%dma_wait3A_60, %dma_wait3A_61] : memref<1000000x64xf32, #tpu.memory_space<hbm>> -> memref<256x64xf32, #tpu.memory_space<hbm>>
    tpu.wait_dma2 semaphore(%arg16 : memref<!tpu.dma_semaphore, #tpu.memory_space<semaphore_mem>>) src(%dma_wait3A_62 : memref<256x64xf32, #tpu.memory_space<hbm>>) dst(%arg14 : memref<256x64xf32, #tpu.memory_space<vmem>>)
    %add3A_63 = arith.constant 0 : i32
    %add3A_64 = arith.addi %mul3A_2, %add3A_63 : i32
    "tpu.region"() ({
      %run_scoped3A = tpu.sem_alloc : memref<!tpu.dma_semaphore, #tpu.memory_space<semaphore_mem>>
      %dma_start3A = arith.constant 0 : i32
      %dma_start3A_89 = tpu.memref_slice %arg9[%add3A_64, %dma_start3A] : memref<16384x64xf32, #tpu.memory_space<hbm>> -> memref<256x64xf32, #tpu.memory_space<hbm>>
      %dma_start3A_90 = arith.constant 0 : i32
      %dma_start3A_91 = tpu.memref_slice %arg9[%add3A_64, %dma_start3A_90] : memref<16384x64xf32, #tpu.memory_space<hbm>> -> memref<256x64xf32, #tpu.memory_space<hbm>>
      tpu.enqueue_dma source(%arg13 : memref<256x64xf32, #tpu.memory_space<vmem>>) target(%dma_start3A_91 : memref<256x64xf32, #tpu.memory_space<hbm>>) target_semaphore(%run_scoped3A : memref<!tpu.dma_semaphore, #tpu.memory_space<semaphore_mem>>)
      %dma_wait3A_92 = arith.constant 0 : i32
      %dma_wait3A_93 = tpu.memref_slice %arg9[%add3A_64, %dma_wait3A_92] : memref<16384x64xf32, #tpu.memory_space<hbm>> -> memref<256x64xf32, #tpu.memory_space<hbm>>
      %dma_wait3A_94 = arith.constant 0 : i32
      %dma_wait3A_95 = tpu.memref_slice %arg9[%add3A_64, %dma_wait3A_94] : memref<16384x64xf32, #tpu.memory_space<hbm>> -> memref<256x64xf32, #tpu.memory_space<hbm>>
      tpu.wait_dma2 semaphore(%run_scoped3A : memref<!tpu.dma_semaphore, #tpu.memory_space<semaphore_mem>>) src(%arg13 : memref<256x64xf32, #tpu.memory_space<vmem>>) dst(%dma_wait3A_95 : memref<256x64xf32, #tpu.memory_space<hbm>>)
      tpu.yield
    }) : () -> ()
    %add3A_65 = arith.constant 0 : i32
    %add3A_66 = arith.addi %mul3A_2, %add3A_65 : i32
    "tpu.region"() ({
      %run_scoped3A = tpu.sem_alloc : memref<!tpu.dma_semaphore, #tpu.memory_space<semaphore_mem>>
      %dma_start3A = arith.constant 0 : i32
      %dma_start3A_89 = tpu.memref_slice %arg11[%add3A_66, %dma_start3A] : memref<16384x64xf32, #tpu.memory_space<hbm>> -> memref<256x64xf32, #tpu.memory_space<hbm>>
      %dma_start3A_90 = arith.constant 0 : i32
      %dma_start3A_91 = tpu.memref_slice %arg11[%add3A_66, %dma_start3A_90] : memref<16384x64xf32, #tpu.memory_space<hbm>> -> memref<256x64xf32, #tpu.memory_space<hbm>>
      tpu.enqueue_dma source(%arg14 : memref<256x64xf32, #tpu.memory_space<vmem>>) target(%dma_start3A_91 : memref<256x64xf32, #tpu.memory_space<hbm>>) target_semaphore(%run_scoped3A : memref<!tpu.dma_semaphore, #tpu.memory_space<semaphore_mem>>)
      %dma_wait3A_92 = arith.constant 0 : i32
      %dma_wait3A_93 = tpu.memref_slice %arg11[%add3A_66, %dma_wait3A_92] : memref<16384x64xf32, #tpu.memory_space<hbm>> -> memref<256x64xf32, #tpu.memory_space<hbm>>
      %dma_wait3A_94 = arith.constant 0 : i32
      %dma_wait3A_95 = tpu.memref_slice %arg11[%add3A_66, %dma_wait3A_94] : memref<16384x64xf32, #tpu.memory_space<hbm>> -> memref<256x64xf32, #tpu.memory_space<hbm>>
      tpu.wait_dma2 semaphore(%run_scoped3A : memref<!tpu.dma_semaphore, #tpu.memory_space<semaphore_mem>>) src(%arg14 : memref<256x64xf32, #tpu.memory_space<vmem>>) dst(%dma_wait3A_95 : memref<256x64xf32, #tpu.memory_space<hbm>>)
      tpu.yield
    }) : () -> ()
    %scan3A_67 = arith.constant 0 : i32
    %scan3A_68 = arith.constant 0 : i32
    %scan3A_69 = arith.constant 16 : i32
    %scan3A_70 = arith.addi %scan3A_68, %scan3A_69 : i32
    %scan3A_71 = arith.constant 1 : i32
    scf.for %scan3A_89 = %scan3A_68 to %scan3A_70 step %scan3A_71  : i32 {
      %mul3A_90 = arith.constant 16 : i32
      %mul3A_91 = arith.muli %scan3A_89, %mul3A_90 : i32
      %add3A_92 = arith.constant 256 : i32
      %add3A_93 = arith.addi %add3A_92, %mul3A_91 : i32
      %get3A = arith.index_cast %add3A_93 : i32 to index
      %get3A_94 = tpu.vector_load %arg12[%get3A] {strides = array<i32>} : memref<512xi32, #tpu.memory_space<vmem>>, vector<16xi32>,
      %get3A_95 = vector.shape_cast %get3A_94 : vector<16xi32> to vector<16xi32>
      %slice3A = vector.extract_strided_slice %get3A_95 {offsets = [0], sizes = [1], strides = [1]} : vector<16xi32> to vector<1xi32>
      %squeeze3A = vector.extract %slice3A[0] : i32 from vector<1xi32>
      %add3A_96 = arith.constant 0 : i32
      %add3A_97 = arith.addi %mul3A_91, %add3A_96 : i32
      %dma_start3A = arith.constant 0 : i32
      %dma_start3A_98 = tpu.memref_slice %arg13[%add3A_97, %dma_start3A] : memref<256x64xf32, #tpu.memory_space<vmem>> -> memref<1x64xf32, #tpu.memory_space<vmem>>
      %dma_start3A_99 = arith.constant 0 : i32
      %dma_start3A_100 = tpu.memref_slice %arg5[%squeeze3A, %dma_start3A_99] : memref<1000000x64xf32, #tpu.memory_space<hbm>> -> memref<1x64xf32, #tpu.memory_space<hbm>>
      %dma_start3A_101 = arith.constant 0 : i32
      %dma_start3A_102 = tpu.memref_slice %arg13[%add3A_97, %dma_start3A_101] : memref<256x64xf32, #tpu.memory_space<vmem>> -> memref<1x64xf32, #tpu.memory_space<vmem>>
      %dma_start3A_103 = arith.constant 0 : i32
      %dma_start3A_104 = tpu.memref_slice %arg5[%squeeze3A, %dma_start3A_103] : memref<1000000x64xf32, #tpu.memory_space<hbm>> -> memref<1x64xf32, #tpu.memory_space<hbm>>
      tpu.enqueue_dma source(%dma_start3A_104 : memref<1x64xf32, #tpu.memory_space<hbm>>) target(%dma_start3A_102 : memref<1x64xf32, #tpu.memory_space<vmem>>) target_semaphore(%arg15 : memref<!tpu.dma_semaphore, #tpu.memory_space<semaphore_mem>>)
      %add3A_105 = arith.constant 0 : i32
      %add3A_106 = arith.addi %mul3A_91, %add3A_105 : i32
      %dma_start3A_107 = arith.constant 0 : i32
      %dma_start3A_108 = tpu.memref_slice %arg14[%add3A_106, %dma_start3A_107] : memref<256x64xf32, #tpu.memory_space<vmem>> -> memref<1x64xf32, #tpu.memory_space<vmem>>
      %dma_start3A_109 = arith.constant 0 : i32
      %dma_start3A_110 = tpu.memref_slice %arg7[%squeeze3A, %dma_start3A_109] : memref<1000000x64xf32, #tpu.memory_space<hbm>> -> memref<1x64xf32, #tpu.memory_space<hbm>>
      %dma_start3A_111 = arith.constant 0 : i32
      %dma_start3A_112 = tpu.memref_slice %arg14[%add3A_106, %dma_start3A_111] : memref<256x64xf32, #tpu.memory_space<vmem>> -> memref<1x64xf32, #tpu.memory_space<vmem>>
      %dma_start3A_113 = arith.constant 0 : i32
      %dma_start3A_114 = tpu.memref_slice %arg7[%squeeze3A, %dma_start3A_113] : memref<1000000x64xf32, #tpu.memory_space<hbm>> -> memref<1x64xf32, #tpu.memory_space<hbm>>
      tpu.enqueue_dma source(%dma_start3A_114 : memref<1x64xf32, #tpu.memory_space<hbm>>) target(%dma_start3A_112 : memref<1x64xf32, #tpu.memory_space<vmem>>) target_semaphore(%arg16 : memref<!tpu.dma_semaphore, #tpu.memory_space<semaphore_mem>>)
      %slice3A_115 = vector.extract_strided_slice %get3A_95 {offsets = [1], sizes = [1], strides = [1]} : vector<16xi32> to vector<1xi32>
      %squeeze3A_116 = vector.extract %slice3A_115[0] : i32 from vector<1xi32>
      %add3A_117 = arith.constant 1 : i32
      %add3A_118 = arith.addi %mul3A_91, %add3A_117 : i32
      %dma_start3A_119 = arith.constant 0 : i32
      %dma_start3A_120 = tpu.memref_slice %arg13[%add3A_118, %dma_start3A_119] : memref<256x64xf32, #tpu.memory_space<vmem>> -> memref<1x64xf32, #tpu.memory_space<vmem>>
      %dma_start3A_121 = arith.constant 0 : i32
      %dma_start3A_122 = tpu.memref_slice %arg5[%squeeze3A_116, %dma_start3A_121] : memref<1000000x64xf32, #tpu.memory_space<hbm>> -> memref<1x64xf32, #tpu.memory_space<hbm>>
      %dma_start3A_123 = arith.constant 0 : i32
      %dma_start3A_124 = tpu.memref_slice %arg13[%add3A_118, %dma_start3A_123] : memref<256x64xf32, #tpu.memory_space<vmem>> -> memref<1x64xf32, #tpu.memory_space<vmem>>
      %dma_start3A_125 = arith.constant 0 : i32
      %dma_start3A_126 = tpu.memref_slice %arg5[%squeeze3A_116, %dma_start3A_125] : memref<1000000x64xf32, #tpu.memory_space<hbm>> -> memref<1x64xf32, #tpu.memory_space<hbm>>
      tpu.enqueue_dma source(%dma_start3A_126 : memref<1x64xf32, #tpu.memory_space<hbm>>) target(%dma_start3A_124 : memref<1x64xf32, #tpu.memory_space<vmem>>) target_semaphore(%arg15 : memref<!tpu.dma_semaphore, #tpu.memory_space<semaphore_mem>>)
      %add3A_127 = arith.constant 1 : i32
      %add3A_128 = arith.addi %mul3A_91, %add3A_127 : i32
      %dma_start3A_129 = arith.constant 0 : i32
      %dma_start3A_130 = tpu.memref_slice %arg14[%add3A_128, %dma_start3A_129] : memref<256x64xf32, #tpu.memory_space<vmem>> -> memref<1x64xf32, #tpu.memory_space<vmem>>
      %dma_start3A_131 = arith.constant 0 : i32
      %dma_start3A_132 = tpu.memref_slice %arg7[%squeeze3A_116, %dma_start3A_131] : memref<1000000x64xf32, #tpu.memory_space<hbm>> -> memref<1x64xf32, #tpu.memory_space<hbm>>
      %dma_start3A_133 = arith.constant 0 : i32
      %dma_start3A_134 = tpu.memref_slice %arg14[%add3A_128, %dma_start3A_133] : memref<256x64xf32, #tpu.memory_space<vmem>> -> memref<1x64xf32, #tpu.memory_space<vmem>>
      %dma_start3A_135 = arith.constant 0 : i32
      %dma_start3A_136 = tpu.memref_slice %arg7[%squeeze3A_116, %dma_start3A_135] : memref<1000000x64xf32, #tpu.memory_space<hbm>> -> memref<1x64xf32, #tpu.memory_space<hbm>>
      tpu.enqueue_dma source(%dma_start3A_136 : memref<1x64xf32, #tpu.memory_space<hbm>>) target(%dma_start3A_134 : memref<1x64xf32, #tpu.memory_space<vmem>>) target_semaphore(%arg16 : memref<!tpu.dma_semaphore, #tpu.memory_space<semaphore_mem>>)
      %slice3A_137 = vector.extract_strided_slice %get3A_95 {offsets = [2], sizes = [1], strides = [1]} : vector<16xi32> to vector<1xi32>
      %squeeze3A_138 = vector.extract %slice3A_137[0] : i32 from vector<1xi32>
      %add3A_139 = arith.constant 2 : i32
      %add3A_140 = arith.addi %mul3A_91, %add3A_139 : i32
      %dma_start3A_141 = arith.constant 0 : i32
      %dma_start3A_142 = tpu.memref_slice %arg13[%add3A_140, %dma_start3A_141] : memref<256x64xf32, #tpu.memory_space<vmem>> -> memref<1x64xf32, #tpu.memory_space<vmem>>
      %dma_start3A_143 = arith.constant 0 : i32
      %dma_start3A_144 = tpu.memref_slice %arg5[%squeeze3A_138, %dma_start3A_143] : memref<1000000x64xf32, #tpu.memory_space<hbm>> -> memref<1x64xf32, #tpu.memory_space<hbm>>
      %dma_start3A_145 = arith.constant 0 : i32
      %dma_start3A_146 = tpu.memref_slice %arg13[%add3A_140, %dma_start3A_145] : memref<256x64xf32, #tpu.memory_space<vmem>> -> memref<1x64xf32, #tpu.memory_space<vmem>>
      %dma_start3A_147 = arith.constant 0 : i32
      %dma_start3A_148 = tpu.memref_slice %arg5[%squeeze3A_138, %dma_start3A_147] : memref<1000000x64xf32, #tpu.memory_space<hbm>> -> memref<1x64xf32, #tpu.memory_space<hbm>>
      tpu.enqueue_dma source(%dma_start3A_148 : memref<1x64xf32, #tpu.memory_space<hbm>>) target(%dma_start3A_146 : memref<1x64xf32, #tpu.memory_space<vmem>>) target_semaphore(%arg15 : memref<!tpu.dma_semaphore, #tpu.memory_space<semaphore_mem>>)
      %add3A_149 = arith.constant 2 : i32
      %add3A_150 = arith.addi %mul3A_91, %add3A_149 : i32
      %dma_start3A_151 = arith.constant 0 : i32
      %dma_start3A_152 = tpu.memref_slice %arg14[%add3A_150, %dma_start3A_151] : memref<256x64xf32, #tpu.memory_space<vmem>> -> memref<1x64xf32, #tpu.memory_space<vmem>>
      %dma_start3A_153 = arith.constant 0 : i32
      %dma_start3A_154 = tpu.memref_slice %arg7[%squeeze3A_138, %dma_start3A_153] : memref<1000000x64xf32, #tpu.memory_space<hbm>> -> memref<1x64xf32, #tpu.memory_space<hbm>>
      %dma_start3A_155 = arith.constant 0 : i32
      %dma_start3A_156 = tpu.memref_slice %arg14[%add3A_150, %dma_start3A_155] : memref<256x64xf32, #tpu.memory_space<vmem>> -> memref<1x64xf32, #tpu.memory_space<vmem>>
      %dma_start3A_157 = arith.constant 0 : i32
      %dma_start3A_158 = tpu.memref_slice %arg7[%squeeze3A_138, %dma_start3A_157] : memref<1000000x64xf32, #tpu.memory_space<hbm>> -> memref<1x64xf32, #tpu.memory_space<hbm>>
      tpu.enqueue_dma source(%dma_start3A_158 : memref<1x64xf32, #tpu.memory_space<hbm>>) target(%dma_start3A_156 : memref<1x64xf32, #tpu.memory_space<vmem>>) target_semaphore(%arg16 : memref<!tpu.dma_semaphore, #tpu.memory_space<semaphore_mem>>)
      %slice3A_159 = vector.extract_strided_slice %get3A_95 {offsets = [3], sizes = [1], strides = [1]} : vector<16xi32> to vector<1xi32>
      %squeeze3A_160 = vector.extract %slice3A_159[0] : i32 from vector<1xi32>
      %add3A_161 = arith.constant 3 : i32
      %add3A_162 = arith.addi %mul3A_91, %add3A_161 : i32
      %dma_start3A_163 = arith.constant 0 : i32
      %dma_start3A_164 = tpu.memref_slice %arg13[%add3A_162, %dma_start3A_163] : memref<256x64xf32, #tpu.memory_space<vmem>> -> memref<1x64xf32, #tpu.memory_space<vmem>>
      %dma_start3A_165 = arith.constant 0 : i32
      %dma_start3A_166 = tpu.memref_slice %arg5[%squeeze3A_160, %dma_start3A_165] : memref<1000000x64xf32, #tpu.memory_space<hbm>> -> memref<1x64xf32, #tpu.memory_space<hbm>>
      %dma_start3A_167 = arith.constant 0 : i32
      %dma_start3A_168 = tpu.memref_slice %arg13[%add3A_162, %dma_start3A_167] : memref<256x64xf32, #tpu.memory_space<vmem>> -> memref<1x64xf32, #tpu.memory_space<vmem>>
      %dma_start3A_169 = arith.constant 0 : i32
      %dma_start3A_170 = tpu.memref_slice %arg5[%squeeze3A_160, %dma_start3A_169] : memref<1000000x64xf32, #tpu.memory_space<hbm>> -> memref<1x64xf32, #tpu.memory_space<hbm>>
      tpu.enqueue_dma source(%dma_start3A_170 : memref<1x64xf32, #tpu.memory_space<hbm>>) target(%dma_start3A_168 : memref<1x64xf32, #tpu.memory_space<vmem>>) target_semaphore(%arg15 : memref<!tpu.dma_semaphore, #tpu.memory_space<semaphore_mem>>)
      %add3A_171 = arith.constant 3 : i32
      %add3A_172 = arith.addi %mul3A_91, %add3A_171 : i32
      %dma_start3A_173 = arith.constant 0 : i32
      %dma_start3A_174 = tpu.memref_slice %arg14[%add3A_172, %dma_start3A_173] : memref<256x64xf32, #tpu.memory_space<vmem>> -> memref<1x64xf32, #tpu.memory_space<vmem>>
      %dma_start3A_175 = arith.constant 0 : i32
      %dma_start3A_176 = tpu.memref_slice %arg7[%squeeze3A_160, %dma_start3A_175] : memref<1000000x64xf32, #tpu.memory_space<hbm>> -> memref<1x64xf32, #tpu.memory_space<hbm>>
      %dma_start3A_177 = arith.constant 0 : i32
      %dma_start3A_178 = tpu.memref_slice %arg14[%add3A_172, %dma_start3A_177] : memref<256x64xf32, #tpu.memory_space<vmem>> -> memref<1x64xf32, #tpu.memory_space<vmem>>
      %dma_start3A_179 = arith.constant 0 : i32
      %dma_start3A_180 = tpu.memref_slice %arg7[%squeeze3A_160, %dma_start3A_179] : memref<1000000x64xf32, #tpu.memory_space<hbm>> -> memref<1x64xf32, #tpu.memory_space<hbm>>
      tpu.enqueue_dma source(%dma_start3A_180 : memref<1x64xf32, #tpu.memory_space<hbm>>) target(%dma_start3A_178 : memref<1x64xf32, #tpu.memory_space<vmem>>) target_semaphore(%arg16 : memref<!tpu.dma_semaphore, #tpu.memory_space<semaphore_mem>>)
      %slice3A_181 = vector.extract_strided_slice %get3A_95 {offsets = [4], sizes = [1], strides = [1]} : vector<16xi32> to vector<1xi32>
      %squeeze3A_182 = vector.extract %slice3A_181[0] : i32 from vector<1xi32>
      %add3A_183 = arith.constant 4 : i32
      %add3A_184 = arith.addi %mul3A_91, %add3A_183 : i32
      %dma_start3A_185 = arith.constant 0 : i32
      %dma_start3A_186 = tpu.memref_slice %arg13[%add3A_184, %dma_start3A_185] : memref<256x64xf32, #tpu.memory_space<vmem>> -> memref<1x64xf32, #tpu.memory_space<vmem>>
      %dma_start3A_187 = arith.constant 0 : i32
      %dma_start3A_188 = tpu.memref_slice %arg5[%squeeze3A_182, %dma_start3A_187] : memref<1000000x64xf32, #tpu.memory_space<hbm>> -> memref<1x64xf32, #tpu.memory_space<hbm>>
      %dma_start3A_189 = arith.constant 0 : i32
      %dma_start3A_190 = tpu.memref_slice %arg13[%add3A_184, %dma_start3A_189] : memref<256x64xf32, #tpu.memory_space<vmem>> -> memref<1x64xf32, #tpu.memory_space<vmem>>
      %dma_start3A_191 = arith.constant 0 : i32
      %dma_start3A_192 = tpu.memref_slice %arg5[%squeeze3A_182, %dma_start3A_191] : memref<1000000x64xf32, #tpu.memory_space<hbm>> -> memref<1x64xf32, #tpu.memory_space<hbm>>
      tpu.enqueue_dma source(%dma_start3A_192 : memref<1x64xf32, #tpu.memory_space<hbm>>) target(%dma_start3A_190 : memref<1x64xf32, #tpu.memory_space<vmem>>) target_semaphore(%arg15 : memref<!tpu.dma_semaphore, #tpu.memory_space<semaphore_mem>>)
      %add3A_193 = arith.constant 4 : i32
      %add3A_194 = arith.addi %mul3A_91, %add3A_193 : i32
      %dma_start3A_195 = arith.constant 0 : i32
      %dma_start3A_196 = tpu.memref_slice %arg14[%add3A_194, %dma_start3A_195] : memref<256x64xf32, #tpu.memory_space<vmem>> -> memref<1x64xf32, #tpu.memory_space<vmem>>
      %dma_start3A_197 = arith.constant 0 : i32
      %dma_start3A_198 = tpu.memref_slice %arg7[%squeeze3A_182, %dma_start3A_197] : memref<1000000x64xf32, #tpu.memory_space<hbm>> -> memref<1x64xf32, #tpu.memory_space<hbm>>
      %dma_start3A_199 = arith.constant 0 : i32
      %dma_start3A_200 = tpu.memref_slice %arg14[%add3A_194, %dma_start3A_199] : memref<256x64xf32, #tpu.memory_space<vmem>> -> memref<1x64xf32, #tpu.memory_space<vmem>>
      %dma_start3A_201 = arith.constant 0 : i32
      %dma_start3A_202 = tpu.memref_slice %arg7[%squeeze3A_182, %dma_start3A_201] : memref<1000000x64xf32, #tpu.memory_space<hbm>> -> memref<1x64xf32, #tpu.memory_space<hbm>>
      tpu.enqueue_dma source(%dma_start3A_202 : memref<1x64xf32, #tpu.memory_space<hbm>>) target(%dma_start3A_200 : memref<1x64xf32, #tpu.memory_space<vmem>>) target_semaphore(%arg16 : memref<!tpu.dma_semaphore, #tpu.memory_space<semaphore_mem>>)
      %slice3A_203 = vector.extract_strided_slice %get3A_95 {offsets = [5], sizes = [1], strides = [1]} : vector<16xi32> to vector<1xi32>
      %squeeze3A_204 = vector.extract %slice3A_203[0] : i32 from vector<1xi32>
      %add3A_205 = arith.constant 5 : i32
      %add3A_206 = arith.addi %mul3A_91, %add3A_205 : i32
      %dma_start3A_207 = arith.constant 0 : i32
      %dma_start3A_208 = tpu.memref_slice %arg13[%add3A_206, %dma_start3A_207] : memref<256x64xf32, #tpu.memory_space<vmem>> -> memref<1x64xf32, #tpu.memory_space<vmem>>
      %dma_start3A_209 = arith.constant 0 : i32
      %dma_start3A_210 = tpu.memref_slice %arg5[%squeeze3A_204, %dma_start3A_209] : memref<1000000x64xf32, #tpu.memory_space<hbm>> -> memref<1x64xf32, #tpu.memory_space<hbm>>
      %dma_start3A_211 = arith.constant 0 : i32
      %dma_start3A_212 = tpu.memref_slice %arg13[%add3A_206, %dma_start3A_211] : memref<256x64xf32, #tpu.memory_space<vmem>> -> memref<1x64xf32, #tpu.memory_space<vmem>>
      %dma_start3A_213 = arith.constant 0 : i32
      %dma_start3A_214 = tpu.memref_slice %arg5[%squeeze3A_204, %dma_start3A_213] : memref<1000000x64xf32, #tpu.memory_space<hbm>> -> memref<1x64xf32, #tpu.memory_space<hbm>>
      tpu.enqueue_dma source(%dma_start3A_214 : memref<1x64xf32, #tpu.memory_space<hbm>>) target(%dma_start3A_212 : memref<1x64xf32, #tpu.memory_space<vmem>>) target_semaphore(%arg15 : memref<!tpu.dma_semaphore, #tpu.memory_space<semaphore_mem>>)
      %add3A_215 = arith.constant 5 : i32
      %add3A_216 = arith.addi %mul3A_91, %add3A_215 : i32
      %dma_start3A_217 = arith.constant 0 : i32
      %dma_start3A_218 = tpu.memref_slice %arg14[%add3A_216, %dma_start3A_217] : memref<256x64xf32, #tpu.memory_space<vmem>> -> memref<1x64xf32, #tpu.memory_space<vmem>>
      %dma_start3A_219 = arith.constant 0 : i32
      %dma_start3A_220 = tpu.memref_slice %arg7[%squeeze3A_204, %dma_start3A_219] : memref<1000000x64xf32, #tpu.memory_space<hbm>> -> memref<1x64xf32, #tpu.memory_space<hbm>>
      %dma_start3A_221 = arith.constant 0 : i32
      %dma_start3A_222 = tpu.memref_slice %arg14[%add3A_216, %dma_start3A_221] : memref<256x64xf32, #tpu.memory_space<vmem>> -> memref<1x64xf32, #tpu.memory_space<vmem>>
      %dma_start3A_223 = arith.constant 0 : i32
      %dma_start3A_224 = tpu.memref_slice %arg7[%squeeze3A_204, %dma_start3A_223] : memref<1000000x64xf32, #tpu.memory_space<hbm>> -> memref<1x64xf32, #tpu.memory_space<hbm>>
      tpu.enqueue_dma source(%dma_start3A_224 : memref<1x64xf32, #tpu.memory_space<hbm>>) target(%dma_start3A_222 : memref<1x64xf32, #tpu.memory_space<vmem>>) target_semaphore(%arg16 : memref<!tpu.dma_semaphore, #tpu.memory_space<semaphore_mem>>)
      %slice3A_225 = vector.extract_strided_slice %get3A_95 {offsets = [6], sizes = [1], strides = [1]} : vector<16xi32> to vector<1xi32>
      %squeeze3A_226 = vector.extract %slice3A_225[0] : i32 from vector<1xi32>
      %add3A_227 = arith.constant 6 : i32
      %add3A_228 = arith.addi %mul3A_91, %add3A_227 : i32
      %dma_start3A_229 = arith.constant 0 : i32
      %dma_start3A_230 = tpu.memref_slice %arg13[%add3A_228, %dma_start3A_229] : memref<256x64xf32, #tpu.memory_space<vmem>> -> memref<1x64xf32, #tpu.memory_space<vmem>>
      %dma_start3A_231 = arith.constant 0 : i32
      %dma_start3A_232 = tpu.memref_slice %arg5[%squeeze3A_226, %dma_start3A_231] : memref<1000000x64xf32, #tpu.memory_space<hbm>> -> memref<1x64xf32, #tpu.memory_space<hbm>>
      %dma_start3A_233 = arith.constant 0 : i32
      %dma_start3A_234 = tpu.memref_slice %arg13[%add3A_228, %dma_start3A_233] : memref<256x64xf32, #tpu.memory_space<vmem>> -> memref<1x64xf32, #tpu.memory_space<vmem>>
      %dma_start3A_235 = arith.constant 0 : i32
      %dma_start3A_236 = tpu.memref_slice %arg5[%squeeze3A_226, %dma_start3A_235] : memref<1000000x64xf32, #tpu.memory_space<hbm>> -> memref<1x64xf32, #tpu.memory_space<hbm>>
      tpu.enqueue_dma source(%dma_start3A_236 : memref<1x64xf32, #tpu.memory_space<hbm>>) target(%dma_start3A_234 : memref<1x64xf32, #tpu.memory_space<vmem>>) target_semaphore(%arg15 : memref<!tpu.dma_semaphore, #tpu.memory_space<semaphore_mem>>)
      %add3A_237 = arith.constant 6 : i32
      %add3A_238 = arith.addi %mul3A_91, %add3A_237 : i32
      %dma_start3A_239 = arith.constant 0 : i32
      %dma_start3A_240 = tpu.memref_slice %arg14[%add3A_238, %dma_start3A_239] : memref<256x64xf32, #tpu.memory_space<vmem>> -> memref<1x64xf32, #tpu.memory_space<vmem>>
      %dma_start3A_241 = arith.constant 0 : i32
      %dma_start3A_242 = tpu.memref_slice %arg7[%squeeze3A_226, %dma_start3A_241] : memref<1000000x64xf32, #tpu.memory_space<hbm>> -> memref<1x64xf32, #tpu.memory_space<hbm>>
      %dma_start3A_243 = arith.constant 0 : i32
      %dma_start3A_244 = tpu.memref_slice %arg14[%add3A_238, %dma_start3A_243] : memref<256x64xf32, #tpu.memory_space<vmem>> -> memref<1x64xf32, #tpu.memory_space<vmem>>
      %dma_start3A_245 = arith.constant 0 : i32
      %dma_start3A_246 = tpu.memref_slice %arg7[%squeeze3A_226, %dma_start3A_245] : memref<1000000x64xf32, #tpu.memory_space<hbm>> -> memref<1x64xf32, #tpu.memory_space<hbm>>
      tpu.enqueue_dma source(%dma_start3A_246 : memref<1x64xf32, #tpu.memory_space<hbm>>) target(%dma_start3A_244 : memref<1x64xf32, #tpu.memory_space<vmem>>) target_semaphore(%arg16 : memref<!tpu.dma_semaphore, #tpu.memory_space<semaphore_mem>>)
      %slice3A_247 = vector.extract_strided_slice %get3A_95 {offsets = [7], sizes = [1], strides = [1]} : vector<16xi32> to vector<1xi32>
      %squeeze3A_248 = vector.extract %slice3A_247[0] : i32 from vector<1xi32>
      %add3A_249 = arith.constant 7 : i32
      %add3A_250 = arith.addi %mul3A_91, %add3A_249 : i32
      %dma_start3A_251 = arith.constant 0 : i32
      %dma_start3A_252 = tpu.memref_slice %arg13[%add3A_250, %dma_start3A_251] : memref<256x64xf32, #tpu.memory_space<vmem>> -> memref<1x64xf32, #tpu.memory_space<vmem>>
      %dma_start3A_253 = arith.constant 0 : i32
      %dma_start3A_254 = tpu.memref_slice %arg5[%squeeze3A_248, %dma_start3A_253] : memref<1000000x64xf32, #tpu.memory_space<hbm>> -> memref<1x64xf32, #tpu.memory_space<hbm>>
      %dma_start3A_255 = arith.constant 0 : i32
      %dma_start3A_256 = tpu.memref_slice %arg13[%add3A_250, %dma_start3A_255] : memref<256x64xf32, #tpu.memory_space<vmem>> -> memref<1x64xf32, #tpu.memory_space<vmem>>
      %dma_start3A_257 = arith.constant 0 : i32
      %dma_start3A_258 = tpu.memref_slice %arg5[%squeeze3A_248, %dma_start3A_257] : memref<1000000x64xf32, #tpu.memory_space<hbm>> -> memref<1x64xf32, #tpu.memory_space<hbm>>
      tpu.enqueue_dma source(%dma_start3A_258 : memref<1x64xf32, #tpu.memory_space<hbm>>) target(%dma_start3A_256 : memref<1x64xf32, #tpu.memory_space<vmem>>) target_semaphore(%arg15 : memref<!tpu.dma_semaphore, #tpu.memory_space<semaphore_mem>>)
      %add3A_259 = arith.constant 7 : i32
      %add3A_260 = arith.addi %mul3A_91, %add3A_259 : i32
      %dma_start3A_261 = arith.constant 0 : i32
      %dma_start3A_262 = tpu.memref_slice %arg14[%add3A_260, %dma_start3A_261] : memref<256x64xf32, #tpu.memory_space<vmem>> -> memref<1x64xf32, #tpu.memory_space<vmem>>
      %dma_start3A_263 = arith.constant 0 : i32
      %dma_start3A_264 = tpu.memref_slice %arg7[%squeeze3A_248, %dma_start3A_263] : memref<1000000x64xf32, #tpu.memory_space<hbm>> -> memref<1x64xf32, #tpu.memory_space<hbm>>
      %dma_start3A_265 = arith.constant 0 : i32
      %dma_start3A_266 = tpu.memref_slice %arg14[%add3A_260, %dma_start3A_265] : memref<256x64xf32, #tpu.memory_space<vmem>> -> memref<1x64xf32, #tpu.memory_space<vmem>>
      %dma_start3A_267 = arith.constant 0 : i32
      %dma_start3A_268 = tpu.memref_slice %arg7[%squeeze3A_248, %dma_start3A_267] : memref<1000000x64xf32, #tpu.memory_space<hbm>> -> memref<1x64xf32, #tpu.memory_space<hbm>>
      tpu.enqueue_dma source(%dma_start3A_268 : memref<1x64xf32, #tpu.memory_space<hbm>>) target(%dma_start3A_266 : memref<1x64xf32, #tpu.memory_space<vmem>>) target_semaphore(%arg16 : memref<!tpu.dma_semaphore, #tpu.memory_space<semaphore_mem>>)
      %slice3A_269 = vector.extract_strided_slice %get3A_95 {offsets = [8], sizes = [1], strides = [1]} : vector<16xi32> to vector<1xi32>
      %squeeze3A_270 = vector.extract %slice3A_269[0] : i32 from vector<1xi32>
      %add3A_271 = arith.constant 8 : i32
      %add3A_272 = arith.addi %mul3A_91, %add3A_271 : i32
      %dma_start3A_273 = arith.constant 0 : i32
      %dma_start3A_274 = tpu.memref_slice %arg13[%add3A_272, %dma_start3A_273] : memref<256x64xf32, #tpu.memory_space<vmem>> -> memref<1x64xf32, #tpu.memory_space<vmem>>
      %dma_start3A_275 = arith.constant 0 : i32
      %dma_start3A_276 = tpu.memref_slice %arg5[%squeeze3A_270, %dma_start3A_275] : memref<1000000x64xf32, #tpu.memory_space<hbm>> -> memref<1x64xf32, #tpu.memory_space<hbm>>
      %dma_start3A_277 = arith.constant 0 : i32
      %dma_start3A_278 = tpu.memref_slice %arg13[%add3A_272, %dma_start3A_277] : memref<256x64xf32, #tpu.memory_space<vmem>> -> memref<1x64xf32, #tpu.memory_space<vmem>>
      %dma_start3A_279 = arith.constant 0 : i32
      %dma_start3A_280 = tpu.memref_slice %arg5[%squeeze3A_270, %dma_start3A_279] : memref<1000000x64xf32, #tpu.memory_space<hbm>> -> memref<1x64xf32, #tpu.memory_space<hbm>>
      tpu.enqueue_dma source(%dma_start3A_280 : memref<1x64xf32, #tpu.memory_space<hbm>>) target(%dma_start3A_278 : memref<1x64xf32, #tpu.memory_space<vmem>>) target_semaphore(%arg15 : memref<!tpu.dma_semaphore, #tpu.memory_space<semaphore_mem>>)
      %add3A_281 = arith.constant 8 : i32
      %add3A_282 = arith.addi %mul3A_91, %add3A_281 : i32
      %dma_start3A_283 = arith.constant 0 : i32
      %dma_start3A_284 = tpu.memref_slice %arg14[%add3A_282, %dma_start3A_283] : memref<256x64xf32, #tpu.memory_space<vmem>> -> memref<1x64xf32, #tpu.memory_space<vmem>>
      %dma_start3A_285 = arith.constant 0 : i32
      %dma_start3A_286 = tpu.memref_slice %arg7[%squeeze3A_270, %dma_start3A_285] : memref<1000000x64xf32, #tpu.memory_space<hbm>> -> memref<1x64xf32, #tpu.memory_space<hbm>>
      %dma_start3A_287 = arith.constant 0 : i32
      %dma_start3A_288 = tpu.memref_slice %arg14[%add3A_282, %dma_start3A_287] : memref<256x64xf32, #tpu.memory_space<vmem>> -> memref<1x64xf32, #tpu.memory_space<vmem>>
      %dma_start3A_289 = arith.constant 0 : i32
      %dma_start3A_290 = tpu.memref_slice %arg7[%squeeze3A_270, %dma_start3A_289] : memref<1000000x64xf32, #tpu.memory_space<hbm>> -> memref<1x64xf32, #tpu.memory_space<hbm>>
      tpu.enqueue_dma source(%dma_start3A_290 : memref<1x64xf32, #tpu.memory_space<hbm>>) target(%dma_start3A_288 : memref<1x64xf32, #tpu.memory_space<vmem>>) target_semaphore(%arg16 : memref<!tpu.dma_semaphore, #tpu.memory_space<semaphore_mem>>)
      %slice3A_291 = vector.extract_strided_slice %get3A_95 {offsets = [9], sizes = [1], strides = [1]} : vector<16xi32> to vector<1xi32>
      %squeeze3A_292 = vector.extract %slice3A_291[0] : i32 from vector<1xi32>
      %add3A_293 = arith.constant 9 : i32
      %add3A_294 = arith.addi %mul3A_91, %add3A_293 : i32
      %dma_start3A_295 = arith.constant 0 : i32
      %dma_start3A_296 = tpu.memref_slice %arg13[%add3A_294, %dma_start3A_295] : memref<256x64xf32, #tpu.memory_space<vmem>> -> memref<1x64xf32, #tpu.memory_space<vmem>>
      %dma_start3A_297 = arith.constant 0 : i32
      %dma_start3A_298 = tpu.memref_slice %arg5[%squeeze3A_292, %dma_start3A_297] : memref<1000000x64xf32, #tpu.memory_space<hbm>> -> memref<1x64xf32, #tpu.memory_space<hbm>>
      %dma_start3A_299 = arith.constant 0 : i32
      %dma_start3A_300 = tpu.memref_slice %arg13[%add3A_294, %dma_start3A_299] : memref<256x64xf32, #tpu.memory_space<vmem>> -> memref<1x64xf32, #tpu.memory_space<vmem>>
      %dma_start3A_301 = arith.constant 0 : i32
      %dma_start3A_302 = tpu.memref_slice %arg5[%squeeze3A_292, %dma_start3A_301] : memref<1000000x64xf32, #tpu.memory_space<hbm>> -> memref<1x64xf32, #tpu.memory_space<hbm>>
      tpu.enqueue_dma source(%dma_start3A_302 : memref<1x64xf32, #tpu.memory_space<hbm>>) target(%dma_start3A_300 : memref<1x64xf32, #tpu.memory_space<vmem>>) target_semaphore(%arg15 : memref<!tpu.dma_semaphore, #tpu.memory_space<semaphore_mem>>)
      %add3A_303 = arith.constant 9 : i32
      %add3A_304 = arith.addi %mul3A_91, %add3A_303 : i32
      %dma_start3A_305 = arith.constant 0 : i32
      %dma_start3A_306 = tpu.memref_slice %arg14[%add3A_304, %dma_start3A_305] : memref<256x64xf32, #tpu.memory_space<vmem>> -> memref<1x64xf32, #tpu.memory_space<vmem>>
      %dma_start3A_307 = arith.constant 0 : i32
      %dma_start3A_308 = tpu.memref_slice %arg7[%squeeze3A_292, %dma_start3A_307] : memref<1000000x64xf32, #tpu.memory_space<hbm>> -> memref<1x64xf32, #tpu.memory_space<hbm>>
      %dma_start3A_309 = arith.constant 0 : i32
      %dma_start3A_310 = tpu.memref_slice %arg14[%add3A_304, %dma_start3A_309] : memref<256x64xf32, #tpu.memory_space<vmem>> -> memref<1x64xf32, #tpu.memory_space<vmem>>
      %dma_start3A_311 = arith.constant 0 : i32
      %dma_start3A_312 = tpu.memref_slice %arg7[%squeeze3A_292, %dma_start3A_311] : memref<1000000x64xf32, #tpu.memory_space<hbm>> -> memref<1x64xf32, #tpu.memory_space<hbm>>
      tpu.enqueue_dma source(%dma_start3A_312 : memref<1x64xf32, #tpu.memory_space<hbm>>) target(%dma_start3A_310 : memref<1x64xf32, #tpu.memory_space<vmem>>) target_semaphore(%arg16 : memref<!tpu.dma_semaphore, #tpu.memory_space<semaphore_mem>>)
      %slice3A_313 = vector.extract_strided_slice %get3A_95 {offsets = [10], sizes = [1], strides = [1]} : vector<16xi32> to vector<1xi32>
      %squeeze3A_314 = vector.extract %slice3A_313[0] : i32 from vector<1xi32>
      %add3A_315 = arith.constant 10 : i32
      %add3A_316 = arith.addi %mul3A_91, %add3A_315 : i32
      %dma_start3A_317 = arith.constant 0 : i32
      %dma_start3A_318 = tpu.memref_slice %arg13[%add3A_316, %dma_start3A_317] : memref<256x64xf32, #tpu.memory_space<vmem>> -> memref<1x64xf32, #tpu.memory_space<vmem>>
      %dma_start3A_319 = arith.constant 0 : i32
      %dma_start3A_320 = tpu.memref_slice %arg5[%squeeze3A_314, %dma_start3A_319] : memref<1000000x64xf32, #tpu.memory_space<hbm>> -> memref<1x64xf32, #tpu.memory_space<hbm>>
      %dma_start3A_321 = arith.constant 0 : i32
      %dma_start3A_322 = tpu.memref_slice %arg13[%add3A_316, %dma_start3A_321] : memref<256x64xf32, #tpu.memory_space<vmem>> -> memref<1x64xf32, #tpu.memory_space<vmem>>
      %dma_start3A_323 = arith.constant 0 : i32
      %dma_start3A_324 = tpu.memref_slice %arg5[%squeeze3A_314, %dma_start3A_323] : memref<1000000x64xf32, #tpu.memory_space<hbm>> -> memref<1x64xf32, #tpu.memory_space<hbm>>
      tpu.enqueue_dma source(%dma_start3A_324 : memref<1x64xf32, #tpu.memory_space<hbm>>) target(%dma_start3A_322 : memref<1x64xf32, #tpu.memory_space<vmem>>) target_semaphore(%arg15 : memref<!tpu.dma_semaphore, #tpu.memory_space<semaphore_mem>>)
      %add3A_325 = arith.constant 10 : i32
      %add3A_326 = arith.addi %mul3A_91, %add3A_325 : i32
      %dma_start3A_327 = arith.constant 0 : i32
      %dma_start3A_328 = tpu.memref_slice %arg14[%add3A_326, %dma_start3A_327] : memref<256x64xf32, #tpu.memory_space<vmem>> -> memref<1x64xf32, #tpu.memory_space<vmem>>
      %dma_start3A_329 = arith.constant 0 : i32
      %dma_start3A_330 = tpu.memref_slice %arg7[%squeeze3A_314, %dma_start3A_329] : memref<1000000x64xf32, #tpu.memory_space<hbm>> -> memref<1x64xf32, #tpu.memory_space<hbm>>
      %dma_start3A_331 = arith.constant 0 : i32
      %dma_start3A_332 = tpu.memref_slice %arg14[%add3A_326, %dma_start3A_331] : memref<256x64xf32, #tpu.memory_space<vmem>> -> memref<1x64xf32, #tpu.memory_space<vmem>>
      %dma_start3A_333 = arith.constant 0 : i32
      %dma_start3A_334 = tpu.memref_slice %arg7[%squeeze3A_314, %dma_start3A_333] : memref<1000000x64xf32, #tpu.memory_space<hbm>> -> memref<1x64xf32, #tpu.memory_space<hbm>>
      tpu.enqueue_dma source(%dma_start3A_334 : memref<1x64xf32, #tpu.memory_space<hbm>>) target(%dma_start3A_332 : memref<1x64xf32, #tpu.memory_space<vmem>>) target_semaphore(%arg16 : memref<!tpu.dma_semaphore, #tpu.memory_space<semaphore_mem>>)
      %slice3A_335 = vector.extract_strided_slice %get3A_95 {offsets = [11], sizes = [1], strides = [1]} : vector<16xi32> to vector<1xi32>
      %squeeze3A_336 = vector.extract %slice3A_335[0] : i32 from vector<1xi32>
      %add3A_337 = arith.constant 11 : i32
      %add3A_338 = arith.addi %mul3A_91, %add3A_337 : i32
      %dma_start3A_339 = arith.constant 0 : i32
      %dma_start3A_340 = tpu.memref_slice %arg13[%add3A_338, %dma_start3A_339] : memref<256x64xf32, #tpu.memory_space<vmem>> -> memref<1x64xf32, #tpu.memory_space<vmem>>
      %dma_start3A_341 = arith.constant 0 : i32
      %dma_start3A_342 = tpu.memref_slice %arg5[%squeeze3A_336, %dma_start3A_341] : memref<1000000x64xf32, #tpu.memory_space<hbm>> -> memref<1x64xf32, #tpu.memory_space<hbm>>
      %dma_start3A_343 = arith.constant 0 : i32
      %dma_start3A_344 = tpu.memref_slice %arg13[%add3A_338, %dma_start3A_343] : memref<256x64xf32, #tpu.memory_space<vmem>> -> memref<1x64xf32, #tpu.memory_space<vmem>>
      %dma_start3A_345 = arith.constant 0 : i32
      %dma_start3A_346 = tpu.memref_slice %arg5[%squeeze3A_336, %dma_start3A_345] : memref<1000000x64xf32, #tpu.memory_space<hbm>> -> memref<1x64xf32, #tpu.memory_space<hbm>>
      tpu.enqueue_dma source(%dma_start3A_346 : memref<1x64xf32, #tpu.memory_space<hbm>>) target(%dma_start3A_344 : memref<1x64xf32, #tpu.memory_space<vmem>>) target_semaphore(%arg15 : memref<!tpu.dma_semaphore, #tpu.memory_space<semaphore_mem>>)
      %add3A_347 = arith.constant 11 : i32
      %add3A_348 = arith.addi %mul3A_91, %add3A_347 : i32
      %dma_start3A_349 = arith.constant 0 : i32
      %dma_start3A_350 = tpu.memref_slice %arg14[%add3A_348, %dma_start3A_349] : memref<256x64xf32, #tpu.memory_space<vmem>> -> memref<1x64xf32, #tpu.memory_space<vmem>>
      %dma_start3A_351 = arith.constant 0 : i32
      %dma_start3A_352 = tpu.memref_slice %arg7[%squeeze3A_336, %dma_start3A_351] : memref<1000000x64xf32, #tpu.memory_space<hbm>> -> memref<1x64xf32, #tpu.memory_space<hbm>>
      %dma_start3A_353 = arith.constant 0 : i32
      %dma_start3A_354 = tpu.memref_slice %arg14[%add3A_348, %dma_start3A_353] : memref<256x64xf32, #tpu.memory_space<vmem>> -> memref<1x64xf32, #tpu.memory_space<vmem>>
      %dma_start3A_355 = arith.constant 0 : i32
      %dma_start3A_356 = tpu.memref_slice %arg7[%squeeze3A_336, %dma_start3A_355] : memref<1000000x64xf32, #tpu.memory_space<hbm>> -> memref<1x64xf32, #tpu.memory_space<hbm>>
      tpu.enqueue_dma source(%dma_start3A_356 : memref<1x64xf32, #tpu.memory_space<hbm>>) target(%dma_start3A_354 : memref<1x64xf32, #tpu.memory_space<vmem>>) target_semaphore(%arg16 : memref<!tpu.dma_semaphore, #tpu.memory_space<semaphore_mem>>)
      %slice3A_357 = vector.extract_strided_slice %get3A_95 {offsets = [12], sizes = [1], strides = [1]} : vector<16xi32> to vector<1xi32>
      %squeeze3A_358 = vector.extract %slice3A_357[0] : i32 from vector<1xi32>
      %add3A_359 = arith.constant 12 : i32
      %add3A_360 = arith.addi %mul3A_91, %add3A_359 : i32
      %dma_start3A_361 = arith.constant 0 : i32
      %dma_start3A_362 = tpu.memref_slice %arg13[%add3A_360, %dma_start3A_361] : memref<256x64xf32, #tpu.memory_space<vmem>> -> memref<1x64xf32, #tpu.memory_space<vmem>>
      %dma_start3A_363 = arith.constant 0 : i32
      %dma_start3A_364 = tpu.memref_slice %arg5[%squeeze3A_358, %dma_start3A_363] : memref<1000000x64xf32, #tpu.memory_space<hbm>> -> memref<1x64xf32, #tpu.memory_space<hbm>>
      %dma_start3A_365 = arith.constant 0 : i32
      %dma_start3A_366 = tpu.memref_slice %arg13[%add3A_360, %dma_start3A_365] : memref<256x64xf32, #tpu.memory_space<vmem>> -> memref<1x64xf32, #tpu.memory_space<vmem>>
      %dma_start3A_367 = arith.constant 0 : i32
      %dma_start3A_368 = tpu.memref_slice %arg5[%squeeze3A_358, %dma_start3A_367] : memref<1000000x64xf32, #tpu.memory_space<hbm>> -> memref<1x64xf32, #tpu.memory_space<hbm>>
      tpu.enqueue_dma source(%dma_start3A_368 : memref<1x64xf32, #tpu.memory_space<hbm>>) target(%dma_start3A_366 : memref<1x64xf32, #tpu.memory_space<vmem>>) target_semaphore(%arg15 : memref<!tpu.dma_semaphore, #tpu.memory_space<semaphore_mem>>)
      %add3A_369 = arith.constant 12 : i32
      %add3A_370 = arith.addi %mul3A_91, %add3A_369 : i32
      %dma_start3A_371 = arith.constant 0 : i32
      %dma_start3A_372 = tpu.memref_slice %arg14[%add3A_370, %dma_start3A_371] : memref<256x64xf32, #tpu.memory_space<vmem>> -> memref<1x64xf32, #tpu.memory_space<vmem>>
      %dma_start3A_373 = arith.constant 0 : i32
      %dma_start3A_374 = tpu.memref_slice %arg7[%squeeze3A_358, %dma_start3A_373] : memref<1000000x64xf32, #tpu.memory_space<hbm>> -> memref<1x64xf32, #tpu.memory_space<hbm>>
      %dma_start3A_375 = arith.constant 0 : i32
      %dma_start3A_376 = tpu.memref_slice %arg14[%add3A_370, %dma_start3A_375] : memref<256x64xf32, #tpu.memory_space<vmem>> -> memref<1x64xf32, #tpu.memory_space<vmem>>
      %dma_start3A_377 = arith.constant 0 : i32
      %dma_start3A_378 = tpu.memref_slice %arg7[%squeeze3A_358, %dma_start3A_377] : memref<1000000x64xf32, #tpu.memory_space<hbm>> -> memref<1x64xf32, #tpu.memory_space<hbm>>
      tpu.enqueue_dma source(%dma_start3A_378 : memref<1x64xf32, #tpu.memory_space<hbm>>) target(%dma_start3A_376 : memref<1x64xf32, #tpu.memory_space<vmem>>) target_semaphore(%arg16 : memref<!tpu.dma_semaphore, #tpu.memory_space<semaphore_mem>>)
      %slice3A_379 = vector.extract_strided_slice %get3A_95 {offsets = [13], sizes = [1], strides = [1]} : vector<16xi32> to vector<1xi32>
      %squeeze3A_380 = vector.extract %slice3A_379[0] : i32 from vector<1xi32>
      %add3A_381 = arith.constant 13 : i32
      %add3A_382 = arith.addi %mul3A_91, %add3A_381 : i32
      %dma_start3A_383 = arith.constant 0 : i32
      %dma_start3A_384 = tpu.memref_slice %arg13[%add3A_382, %dma_start3A_383] : memref<256x64xf32, #tpu.memory_space<vmem>> -> memref<1x64xf32, #tpu.memory_space<vmem>>
      %dma_start3A_385 = arith.constant 0 : i32
      %dma_start3A_386 = tpu.memref_slice %arg5[%squeeze3A_380, %dma_start3A_385] : memref<1000000x64xf32, #tpu.memory_space<hbm>> -> memref<1x64xf32, #tpu.memory_space<hbm>>
      %dma_start3A_387 = arith.constant 0 : i32
      %dma_start3A_388 = tpu.memref_slice %arg13[%add3A_382, %dma_start3A_387] : memref<256x64xf32, #tpu.memory_space<vmem>> -> memref<1x64xf32, #tpu.memory_space<vmem>>
      %dma_start3A_389 = arith.constant 0 : i32
      %dma_start3A_390 = tpu.memref_slice %arg5[%squeeze3A_380, %dma_start3A_389] : memref<1000000x64xf32, #tpu.memory_space<hbm>> -> memref<1x64xf32, #tpu.memory_space<hbm>>
      tpu.enqueue_dma source(%dma_start3A_390 : memref<1x64xf32, #tpu.memory_space<hbm>>) target(%dma_start3A_388 : memref<1x64xf32, #tpu.memory_space<vmem>>) target_semaphore(%arg15 : memref<!tpu.dma_semaphore, #tpu.memory_space<semaphore_mem>>)
      %add3A_391 = arith.constant 13 : i32
      %add3A_392 = arith.addi %mul3A_91, %add3A_391 : i32
      %dma_start3A_393 = arith.constant 0 : i32
      %dma_start3A_394 = tpu.memref_slice %arg14[%add3A_392, %dma_start3A_393] : memref<256x64xf32, #tpu.memory_space<vmem>> -> memref<1x64xf32, #tpu.memory_space<vmem>>
      %dma_start3A_395 = arith.constant 0 : i32
      %dma_start3A_396 = tpu.memref_slice %arg7[%squeeze3A_380, %dma_start3A_395] : memref<1000000x64xf32, #tpu.memory_space<hbm>> -> memref<1x64xf32, #tpu.memory_space<hbm>>
      %dma_start3A_397 = arith.constant 0 : i32
      %dma_start3A_398 = tpu.memref_slice %arg14[%add3A_392, %dma_start3A_397] : memref<256x64xf32, #tpu.memory_space<vmem>> -> memref<1x64xf32, #tpu.memory_space<vmem>>
      %dma_start3A_399 = arith.constant 0 : i32
      %dma_start3A_400 = tpu.memref_slice %arg7[%squeeze3A_380, %dma_start3A_399] : memref<1000000x64xf32, #tpu.memory_space<hbm>> -> memref<1x64xf32, #tpu.memory_space<hbm>>
      tpu.enqueue_dma source(%dma_start3A_400 : memref<1x64xf32, #tpu.memory_space<hbm>>) target(%dma_start3A_398 : memref<1x64xf32, #tpu.memory_space<vmem>>) target_semaphore(%arg16 : memref<!tpu.dma_semaphore, #tpu.memory_space<semaphore_mem>>)
      %slice3A_401 = vector.extract_strided_slice %get3A_95 {offsets = [14], sizes = [1], strides = [1]} : vector<16xi32> to vector<1xi32>
      %squeeze3A_402 = vector.extract %slice3A_401[0] : i32 from vector<1xi32>
      %add3A_403 = arith.constant 14 : i32
      %add3A_404 = arith.addi %mul3A_91, %add3A_403 : i32
      %dma_start3A_405 = arith.constant 0 : i32
      %dma_start3A_406 = tpu.memref_slice %arg13[%add3A_404, %dma_start3A_405] : memref<256x64xf32, #tpu.memory_space<vmem>> -> memref<1x64xf32, #tpu.memory_space<vmem>>
      %dma_start3A_407 = arith.constant 0 : i32
      %dma_start3A_408 = tpu.memref_slice %arg5[%squeeze3A_402, %dma_start3A_407] : memref<1000000x64xf32, #tpu.memory_space<hbm>> -> memref<1x64xf32, #tpu.memory_space<hbm>>
      %dma_start3A_409 = arith.constant 0 : i32
      %dma_start3A_410 = tpu.memref_slice %arg13[%add3A_404, %dma_start3A_409] : memref<256x64xf32, #tpu.memory_space<vmem>> -> memref<1x64xf32, #tpu.memory_space<vmem>>
      %dma_start3A_411 = arith.constant 0 : i32
      %dma_start3A_412 = tpu.memref_slice %arg5[%squeeze3A_402, %dma_start3A_411] : memref<1000000x64xf32, #tpu.memory_space<hbm>> -> memref<1x64xf32, #tpu.memory_space<hbm>>
      tpu.enqueue_dma source(%dma_start3A_412 : memref<1x64xf32, #tpu.memory_space<hbm>>) target(%dma_start3A_410 : memref<1x64xf32, #tpu.memory_space<vmem>>) target_semaphore(%arg15 : memref<!tpu.dma_semaphore, #tpu.memory_space<semaphore_mem>>)
      %add3A_413 = arith.constant 14 : i32
      %add3A_414 = arith.addi %mul3A_91, %add3A_413 : i32
      %dma_start3A_415 = arith.constant 0 : i32
      %dma_start3A_416 = tpu.memref_slice %arg14[%add3A_414, %dma_start3A_415] : memref<256x64xf32, #tpu.memory_space<vmem>> -> memref<1x64xf32, #tpu.memory_space<vmem>>
      %dma_start3A_417 = arith.constant 0 : i32
      %dma_start3A_418 = tpu.memref_slice %arg7[%squeeze3A_402, %dma_start3A_417] : memref<1000000x64xf32, #tpu.memory_space<hbm>> -> memref<1x64xf32, #tpu.memory_space<hbm>>
      %dma_start3A_419 = arith.constant 0 : i32
      %dma_start3A_420 = tpu.memref_slice %arg14[%add3A_414, %dma_start3A_419] : memref<256x64xf32, #tpu.memory_space<vmem>> -> memref<1x64xf32, #tpu.memory_space<vmem>>
      %dma_start3A_421 = arith.constant 0 : i32
      %dma_start3A_422 = tpu.memref_slice %arg7[%squeeze3A_402, %dma_start3A_421] : memref<1000000x64xf32, #tpu.memory_space<hbm>> -> memref<1x64xf32, #tpu.memory_space<hbm>>
      tpu.enqueue_dma source(%dma_start3A_422 : memref<1x64xf32, #tpu.memory_space<hbm>>) target(%dma_start3A_420 : memref<1x64xf32, #tpu.memory_space<vmem>>) target_semaphore(%arg16 : memref<!tpu.dma_semaphore, #tpu.memory_space<semaphore_mem>>)
      %slice3A_423 = vector.extract_strided_slice %get3A_95 {offsets = [15], sizes = [1], strides = [1]} : vector<16xi32> to vector<1xi32>
      %squeeze3A_424 = vector.extract %slice3A_423[0] : i32 from vector<1xi32>
      %add3A_425 = arith.constant 15 : i32
      %add3A_426 = arith.addi %mul3A_91, %add3A_425 : i32
      %dma_start3A_427 = arith.constant 0 : i32
      %dma_start3A_428 = tpu.memref_slice %arg13[%add3A_426, %dma_start3A_427] : memref<256x64xf32, #tpu.memory_space<vmem>> -> memref<1x64xf32, #tpu.memory_space<vmem>>
      %dma_start3A_429 = arith.constant 0 : i32
      %dma_start3A_430 = tpu.memref_slice %arg5[%squeeze3A_424, %dma_start3A_429] : memref<1000000x64xf32, #tpu.memory_space<hbm>> -> memref<1x64xf32, #tpu.memory_space<hbm>>
      %dma_start3A_431 = arith.constant 0 : i32
      %dma_start3A_432 = tpu.memref_slice %arg13[%add3A_426, %dma_start3A_431] : memref<256x64xf32, #tpu.memory_space<vmem>> -> memref<1x64xf32, #tpu.memory_space<vmem>>
      %dma_start3A_433 = arith.constant 0 : i32
      %dma_start3A_434 = tpu.memref_slice %arg5[%squeeze3A_424, %dma_start3A_433] : memref<1000000x64xf32, #tpu.memory_space<hbm>> -> memref<1x64xf32, #tpu.memory_space<hbm>>
      tpu.enqueue_dma source(%dma_start3A_434 : memref<1x64xf32, #tpu.memory_space<hbm>>) target(%dma_start3A_432 : memref<1x64xf32, #tpu.memory_space<vmem>>) target_semaphore(%arg15 : memref<!tpu.dma_semaphore, #tpu.memory_space<semaphore_mem>>)
      %add3A_435 = arith.constant 15 : i32
      %add3A_436 = arith.addi %mul3A_91, %add3A_435 : i32
      %dma_start3A_437 = arith.constant 0 : i32
      %dma_start3A_438 = tpu.memref_slice %arg14[%add3A_436, %dma_start3A_437] : memref<256x64xf32, #tpu.memory_space<vmem>> -> memref<1x64xf32, #tpu.memory_space<vmem>>
      %dma_start3A_439 = arith.constant 0 : i32
      %dma_start3A_440 = tpu.memref_slice %arg7[%squeeze3A_424, %dma_start3A_439] : memref<1000000x64xf32, #tpu.memory_space<hbm>> -> memref<1x64xf32, #tpu.memory_space<hbm>>
      %dma_start3A_441 = arith.constant 0 : i32
      %dma_start3A_442 = tpu.memref_slice %arg14[%add3A_436, %dma_start3A_441] : memref<256x64xf32, #tpu.memory_space<vmem>> -> memref<1x64xf32, #tpu.memory_space<vmem>>
      %dma_start3A_443 = arith.constant 0 : i32
      %dma_start3A_444 = tpu.memref_slice %arg7[%squeeze3A_424, %dma_start3A_443] : memref<1000000x64xf32, #tpu.memory_space<hbm>> -> memref<1x64xf32, #tpu.memory_space<hbm>>
      tpu.enqueue_dma source(%dma_start3A_444 : memref<1x64xf32, #tpu.memory_space<hbm>>) target(%dma_start3A_442 : memref<1x64xf32, #tpu.memory_space<vmem>>) target_semaphore(%arg16 : memref<!tpu.dma_semaphore, #tpu.memory_space<semaphore_mem>>)
    }
    %scan3A_72 = arith.constant 16 : i32
    %dma_wait3A_73 = arith.constant 0 : i32
    %dma_wait3A_74 = arith.constant 0 : i32
    %dma_wait3A_75 = tpu.memref_slice %arg5[%dma_wait3A_73, %dma_wait3A_74] : memref<1000000x64xf32, #tpu.memory_space<hbm>> -> memref<256x64xf32, #tpu.memory_space<hbm>>
    %dma_wait3A_76 = arith.constant 0 : i32
    %dma_wait3A_77 = arith.constant 0 : i32
    %dma_wait3A_78 = tpu.memref_slice %arg5[%dma_wait3A_76, %dma_wait3A_77] : memref<1000000x64xf32, #tpu.memory_space<hbm>> -> memref<256x64xf32, #tpu.memory_space<hbm>>
    tpu.wait_dma2 semaphore(%arg15 : memref<!tpu.dma_semaphore, #tpu.memory_space<semaphore_mem>>) src(%dma_wait3A_78 : memref<256x64xf32, #tpu.memory_space<hbm>>) dst(%arg13 : memref<256x64xf32, #tpu.memory_space<vmem>>)
    %dma_wait3A_79 = arith.constant 0 : i32
    %dma_wait3A_80 = arith.constant 0 : i32
    %dma_wait3A_81 = tpu.memref_slice %arg7[%dma_wait3A_79, %dma_wait3A_80] : memref<1000000x64xf32, #tpu.memory_space<hbm>> -> memref<256x64xf32, #tpu.memory_space<hbm>>
    %dma_wait3A_82 = arith.constant 0 : i32
    %dma_wait3A_83 = arith.constant 0 : i32
    %dma_wait3A_84 = tpu.memref_slice %arg7[%dma_wait3A_82, %dma_wait3A_83] : memref<1000000x64xf32, #tpu.memory_space<hbm>> -> memref<256x64xf32, #tpu.memory_space<hbm>>
    tpu.wait_dma2 semaphore(%arg16 : memref<!tpu.dma_semaphore, #tpu.memory_space<semaphore_mem>>) src(%dma_wait3A_84 : memref<256x64xf32, #tpu.memory_space<hbm>>) dst(%arg14 : memref<256x64xf32, #tpu.memory_space<vmem>>)
    %add3A_85 = arith.constant 256 : i32
    %add3A_86 = arith.addi %mul3A_2, %add3A_85 : i32
    "tpu.region"() ({
      %run_scoped3A = tpu.sem_alloc : memref<!tpu.dma_semaphore, #tpu.memory_space<semaphore_mem>>
      %dma_start3A = arith.constant 0 : i32
      %dma_start3A_89 = tpu.memref_slice %arg9[%add3A_86, %dma_start3A] : memref<16384x64xf32, #tpu.memory_space<hbm>> -> memref<256x64xf32, #tpu.memory_space<hbm>>
      %dma_start3A_90 = arith.constant 0 : i32
      %dma_start3A_91 = tpu.memref_slice %arg9[%add3A_86, %dma_start3A_90] : memref<16384x64xf32, #tpu.memory_space<hbm>> -> memref<256x64xf32, #tpu.memory_space<hbm>>
      tpu.enqueue_dma source(%arg13 : memref<256x64xf32, #tpu.memory_space<vmem>>) target(%dma_start3A_91 : memref<256x64xf32, #tpu.memory_space<hbm>>) target_semaphore(%run_scoped3A : memref<!tpu.dma_semaphore, #tpu.memory_space<semaphore_mem>>)
      %dma_wait3A_92 = arith.constant 0 : i32
      %dma_wait3A_93 = tpu.memref_slice %arg9[%add3A_86, %dma_wait3A_92] : memref<16384x64xf32, #tpu.memory_space<hbm>> -> memref<256x64xf32, #tpu.memory_space<hbm>>
      %dma_wait3A_94 = arith.constant 0 : i32
      %dma_wait3A_95 = tpu.memref_slice %arg9[%add3A_86, %dma_wait3A_94] : memref<16384x64xf32, #tpu.memory_space<hbm>> -> memref<256x64xf32, #tpu.memory_space<hbm>>
      tpu.wait_dma2 semaphore(%run_scoped3A : memref<!tpu.dma_semaphore, #tpu.memory_space<semaphore_mem>>) src(%arg13 : memref<256x64xf32, #tpu.memory_space<vmem>>) dst(%dma_wait3A_95 : memref<256x64xf32, #tpu.memory_space<hbm>>)
      tpu.yield
    }) : () -> ()
    %add3A_87 = arith.constant 256 : i32
    %add3A_88 = arith.addi %mul3A_2, %add3A_87 : i32
    "tpu.region"() ({
      %run_scoped3A = tpu.sem_alloc : memref<!tpu.dma_semaphore, #tpu.memory_space<semaphore_mem>>
      %dma_start3A = arith.constant 0 : i32
      %dma_start3A_89 = tpu.memref_slice %arg11[%add3A_88, %dma_start3A] : memref<16384x64xf32, #tpu.memory_space<hbm>> -> memref<256x64xf32, #tpu.memory_space<hbm>>
      %dma_start3A_90 = arith.constant 0 : i32
      %dma_start3A_91 = tpu.memref_slice %arg11[%add3A_88, %dma_start3A_90] : memref<16384x64xf32, #tpu.memory_space<hbm>> -> memref<256x64xf32, #tpu.memory_space<hbm>>
      tpu.enqueue_dma source(%arg14 : memref<256x64xf32, #tpu.memory_space<vmem>>) target(%dma_start3A_91 : memref<256x64xf32, #tpu.memory_space<hbm>>) target_semaphore(%run_scoped3A : memref<!tpu.dma_semaphore, #tpu.memory_space<semaphore_mem>>)
      %dma_wait3A_92 = arith.constant 0 : i32
      %dma_wait3A_93 = tpu.memref_slice %arg11[%add3A_88, %dma_wait3A_92] : memref<16384x64xf32, #tpu.memory_space<hbm>> -> memref<256x64xf32, #tpu.memory_space<hbm>>
      %dma_wait3A_94 = arith.constant 0 : i32
      %dma_wait3A_95 = tpu.memref_slice %arg11[%add3A_88, %dma_wait3A_94] : memref<16384x64xf32, #tpu.memory_space<hbm>> -> memref<256x64xf32, #tpu.memory_space<hbm>>
      tpu.wait_dma2 semaphore(%run_scoped3A : memref<!tpu.dma_semaphore, #tpu.memory_space<semaphore_mem>>) src(%arg14 : memref<256x64xf32, #tpu.memory_space<vmem>>) dst(%dma_wait3A_95 : memref<256x64xf32, #tpu.memory_space<hbm>>)
      tpu.yield
    }) : () -> ()
    return
  }
}

module attributes {stable_mosaic.version = 14 : i64} {
  func.func @_tc_dense_body(%arg0: i32, %arg1: memref<2048x64xf32, #tpu.memory_space<vmem>>, %arg2: memref<2048x64xf32, #tpu.memory_space<vmem>>, %arg3: memref<2048x64xf32, #tpu.memory_space<vmem>>, %arg4: memref<2048x64xf32, #tpu.memory_space<vmem>>, %arg5: memref<64x64xf32, #tpu.memory_space<vmem>>, %arg6: memref<64x64xf32, #tpu.memory_space<vmem>>, %arg7: memref<1x64xf32, #tpu.memory_space<vmem>>, %arg8: memref<64x16xf32, #tpu.memory_space<vmem>>, %arg9: memref<64x16xf32, #tpu.memory_space<vmem>>, %arg10: memref<1x16xf32, #tpu.memory_space<vmem>>, %arg11: memref<16x8xf32, #tpu.memory_space<vmem>>, %arg12: memref<1x8xf32, #tpu.memory_space<vmem>>, %arg13: memref<1x8xf32, #tpu.memory_space<vmem>>, %arg14: memref<1x1xf32, #tpu.memory_space<vmem>>, %arg15: memref<2048xf32, #tpu.memory_space<vmem>>) attributes {dimension_semantics = [#tpu.dimension_semantics<arbitrary>], iteration_bounds = array<i64: 8>, scalar_prefetch = 0 : i64, scratch_operands = 0 : i64, tpu.core_type = #tpu.core_type<tc>, window_params = [{transform_indices = @transform_0, window_bounds = array<i64: 2048, 64>}, {transform_indices = @transform_1, window_bounds = array<i64: 2048, 64>}, {transform_indices = @transform_2, window_bounds = array<i64: 2048, 64>}, {transform_indices = @transform_3, window_bounds = array<i64: 2048, 64>}, {pipeline_mode = #tpu.pipeline_mode<synchronous>, transform_indices = @transform_4, window_bounds = array<i64: 64, 64>}, {pipeline_mode = #tpu.pipeline_mode<synchronous>, transform_indices = @transform_5, window_bounds = array<i64: 64, 64>}, {pipeline_mode = #tpu.pipeline_mode<synchronous>, transform_indices = @transform_6, window_bounds = array<i64: 1, 64>}, {pipeline_mode = #tpu.pipeline_mode<synchronous>, transform_indices = @transform_7, window_bounds = array<i64: 64, 16>}, {pipeline_mode = #tpu.pipeline_mode<synchronous>, transform_indices = @transform_8, window_bounds = array<i64: 64, 16>}, {pipeline_mode = #tpu.pipeline_mode<synchronous>, transform_indices = @transform_9, window_bounds = array<i64: 1, 16>}, {pipeline_mode = #tpu.pipeline_mode<synchronous>, transform_indices = @transform_10, window_bounds = array<i64: 16, 8>}, {pipeline_mode = #tpu.pipeline_mode<synchronous>, transform_indices = @transform_11, window_bounds = array<i64: 1, 8>}, {pipeline_mode = #tpu.pipeline_mode<synchronous>, transform_indices = @transform_12, window_bounds = array<i64: 1, 8>}, {pipeline_mode = #tpu.pipeline_mode<synchronous>, transform_indices = @transform_13, window_bounds = array<i64: 1, 1>}, {transform_indices = @transform_14, window_bounds = array<i64: 2048>}]} {
    %get3A = arith.constant 0 : index
    %get3A_0 = arith.constant 0 : index
    %get3A_1 = vector.load %arg1[%get3A, %get3A_0] : memref<2048x64xf32, #tpu.memory_space<vmem>>, vector<2048x64xf32>
    %get3A_2 = arith.constant 0 : index
    %get3A_3 = arith.constant 0 : index
    %get3A_4 = vector.load %arg2[%get3A_2, %get3A_3] : memref<2048x64xf32, #tpu.memory_space<vmem>>, vector<2048x64xf32>
    %get3A_5 = arith.constant 0 : index
    %get3A_6 = arith.constant 0 : index
    %get3A_7 = vector.load %arg3[%get3A_5, %get3A_6] : memref<2048x64xf32, #tpu.memory_space<vmem>>, vector<2048x64xf32>
    %get3A_8 = arith.constant 0 : index
    %get3A_9 = arith.constant 0 : index
    %get3A_10 = vector.load %arg4[%get3A_8, %get3A_9] : memref<2048x64xf32, #tpu.memory_space<vmem>>, vector<2048x64xf32>
    %get3A_11 = arith.constant 0 : index
    %get3A_12 = arith.constant 0 : index
    %get3A_13 = vector.load %arg5[%get3A_11, %get3A_12] : memref<64x64xf32, #tpu.memory_space<vmem>>, vector<64x64xf32>
    %get3A_14 = arith.constant 0 : index
    %get3A_15 = arith.constant 0 : index
    %get3A_16 = vector.load %arg6[%get3A_14, %get3A_15] : memref<64x64xf32, #tpu.memory_space<vmem>>, vector<64x64xf32>
    %get3A_17 = arith.constant 0 : index
    %get3A_18 = arith.constant 0 : index
    %get3A_19 = vector.load %arg7[%get3A_17, %get3A_18] : memref<1x64xf32, #tpu.memory_space<vmem>>, vector<1x64xf32>
    %get3A_20 = arith.constant 0 : index
    %get3A_21 = arith.constant 0 : index
    %get3A_22 = vector.load %arg8[%get3A_20, %get3A_21] : memref<64x16xf32, #tpu.memory_space<vmem>>, vector<64x16xf32>
    %get3A_23 = arith.constant 0 : index
    %get3A_24 = arith.constant 0 : index
    %get3A_25 = vector.load %arg9[%get3A_23, %get3A_24] : memref<64x16xf32, #tpu.memory_space<vmem>>, vector<64x16xf32>
    %get3A_26 = arith.constant 0 : index
    %get3A_27 = arith.constant 0 : index
    %get3A_28 = vector.load %arg10[%get3A_26, %get3A_27] : memref<1x16xf32, #tpu.memory_space<vmem>>, vector<1x16xf32>
    %get3A_29 = arith.constant 0 : index
    %get3A_30 = arith.constant 0 : index
    %get3A_31 = vector.load %arg11[%get3A_29, %get3A_30] : memref<16x8xf32, #tpu.memory_space<vmem>>, vector<16x8xf32>
    %get3A_32 = arith.constant 0 : index
    %get3A_33 = arith.constant 0 : index
    %get3A_34 = vector.load %arg12[%get3A_32, %get3A_33] : memref<1x8xf32, #tpu.memory_space<vmem>>, vector<1x8xf32>
    %get3A_35 = arith.constant 0 : index
    %get3A_36 = arith.constant 0 : index
    %get3A_37 = vector.load %arg13[%get3A_35, %get3A_36] : memref<1x8xf32, #tpu.memory_space<vmem>>, vector<1x8xf32>
    %get3A_38 = arith.constant 0 : index
    %get3A_39 = arith.constant 0 : index
    %get3A_40 = vector.load %arg14[%get3A_38, %get3A_39] : memref<1x1xf32, #tpu.memory_space<vmem>>, vector<1x1xf32>
    %mul3A = arith.mulf %get3A_1, %get3A_4 : vector<2048x64xf32>
    %dot_general3A = arith.constant dense<0.000000e+00> : vector<2048x64xf32>
    %dot_general3A_41 = tpu.matmul %get3A_7, %get3A_13, %dot_general3A {dimension_numbers = #tpu.dot_dimension_numbers<[1], [0], [0], [1], [0, 0, 1, 1], [], []>, transpose_lhs_hint = false} : vector<2048x64xf32>, vector<64x64xf32>, vector<2048x64xf32> -> vector<2048x64xf32>
    %dot_general3A_42 = arith.constant dense<0.000000e+00> : vector<2048x64xf32>
    %dot_general3A_43 = tpu.matmul %get3A_10, %get3A_16, %dot_general3A_42 {dimension_numbers = #tpu.dot_dimension_numbers<[1], [0], [0], [1], [0, 0, 1, 1], [], []>, transpose_lhs_hint = false} : vector<2048x64xf32>, vector<64x64xf32>, vector<2048x64xf32> -> vector<2048x64xf32>
    %add3A = arith.addf %dot_general3A_41, %dot_general3A_43 : vector<2048x64xf32>
    %add3A_44 = vector.broadcast %get3A_19 : vector<1x64xf32> to vector<2048x64xf32>
    %add3A_45 = arith.addf %add3A, %add3A_44 : vector<2048x64xf32>
    %max3A = arith.constant 0.000000e+00 : f32
    %max3A_46 = vector.broadcast %max3A : f32 to vector<2048x64xf32>
    %max3A_47 = arith.maximumf %add3A_45, %max3A_46 : vector<2048x64xf32>
    %dot_general3A_48 = arith.constant dense<0.000000e+00> : vector<2048x16xf32>
    %dot_general3A_49 = tpu.matmul %mul3A, %get3A_22, %dot_general3A_48 {dimension_numbers = #tpu.dot_dimension_numbers<[1], [0], [0], [1], [0, 0, 1, 1], [], []>, transpose_lhs_hint = false} : vector<2048x64xf32>, vector<64x16xf32>, vector<2048x16xf32> -> vector<2048x16xf32>
    %dot_general3A_50 = arith.constant dense<0.000000e+00> : vector<2048x16xf32>
    %dot_general3A_51 = tpu.matmul %max3A_47, %get3A_25, %dot_general3A_50 {dimension_numbers = #tpu.dot_dimension_numbers<[1], [0], [0], [1], [0, 0, 1, 1], [], []>, transpose_lhs_hint = false} : vector<2048x64xf32>, vector<64x16xf32>, vector<2048x16xf32> -> vector<2048x16xf32>
    %add3A_52 = arith.addf %dot_general3A_49, %dot_general3A_51 : vector<2048x16xf32>
    %add3A_53 = vector.broadcast %get3A_28 : vector<1x16xf32> to vector<2048x16xf32>
    %add3A_54 = arith.addf %add3A_52, %add3A_53 : vector<2048x16xf32>
    %max3A_55 = arith.constant 0.000000e+00 : f32
    %max3A_56 = vector.broadcast %max3A_55 : f32 to vector<2048x16xf32>
    %max3A_57 = arith.maximumf %add3A_54, %max3A_56 : vector<2048x16xf32>
    %dot_general3A_58 = arith.constant dense<0.000000e+00> : vector<2048x8xf32>
    %dot_general3A_59 = tpu.matmul %max3A_57, %get3A_31, %dot_general3A_58 {dimension_numbers = #tpu.dot_dimension_numbers<[1], [0], [0], [1], [0, 0, 1, 1], [], []>, transpose_lhs_hint = false} : vector<2048x16xf32>, vector<16x8xf32>, vector<2048x8xf32> -> vector<2048x8xf32>
    %add3A_60 = vector.broadcast %get3A_34 : vector<1x8xf32> to vector<2048x8xf32>
    %add3A_61 = arith.addf %dot_general3A_59, %add3A_60 : vector<2048x8xf32>
    %max3A_62 = arith.constant 0.000000e+00 : f32
    %max3A_63 = vector.broadcast %max3A_62 : f32 to vector<2048x8xf32>
    %max3A_64 = arith.maximumf %add3A_61, %max3A_63 : vector<2048x8xf32>
    %mul3A_65 = vector.broadcast %get3A_37 : vector<1x8xf32> to vector<2048x8xf32>
    %mul3A_66 = arith.mulf %max3A_64, %mul3A_65 : vector<2048x8xf32>
    %reduce_sum3A = arith.constant dense<0.000000e+00> : vector<2048xf32>
    %reduce_sum3A_67 = vector.multi_reduction <add>, %mul3A_66, %reduce_sum3A [1] : vector<2048x8xf32> to vector<2048xf32>
    %squeeze3A = vector.extract %get3A_40[0, 0] : f32 from vector<1x1xf32>
    %add3A_68 = vector.broadcast %squeeze3A : f32 to vector<2048xf32>
    %add3A_69 = arith.addf %reduce_sum3A_67, %add3A_68 : vector<2048xf32>
    %neg3A = arith.constant 0.000000e+00 : f32
    %neg3A_70 = vector.broadcast %neg3A : f32 to vector<2048xf32>
    %neg3A_71 = arith.subf %neg3A_70, %add3A_69 : vector<2048xf32>
    %exp3A = math.exp %neg3A_71 : vector<2048xf32>
    %add3A_72 = arith.constant 1.000000e+00 : f32
    %add3A_73 = vector.broadcast %add3A_72 : f32 to vector<2048xf32>
    %add3A_74 = arith.addf %add3A_73, %exp3A : vector<2048xf32>
    %div3A = arith.constant 1.000000e+00 : f32
    %div3A_75 = vector.broadcast %div3A : f32 to vector<2048xf32>
    %div3A_76 = arith.divf %div3A_75, %add3A_74 : vector<2048xf32>
    %swap3A = arith.constant 0 : index
    %swap3A_77 = vector.load %arg15[%swap3A] : memref<2048xf32, #tpu.memory_space<vmem>>, vector<2048xf32>
    tpu.vector_store %arg15[%swap3A], %div3A_76 {strides = array<i32>} : memref<2048xf32, #tpu.memory_space<vmem>>, vector<2048xf32>,
    return
  }
  func.func @transform_0(%arg0: i32) -> (i32, i32) {
    %c0_i32 = arith.constant 0 : i32
    %c0_i32_0 = arith.constant 0 : i32
    return %arg0, %c0_i32 : i32, i32
  }
  func.func @transform_1(%arg0: i32) -> (i32, i32) {
    %c0_i32 = arith.constant 0 : i32
    %c0_i32_0 = arith.constant 0 : i32
    return %arg0, %c0_i32 : i32, i32
  }
  func.func @transform_2(%arg0: i32) -> (i32, i32) {
    %c0_i32 = arith.constant 0 : i32
    %c0_i32_0 = arith.constant 0 : i32
    return %arg0, %c0_i32 : i32, i32
  }
  func.func @transform_3(%arg0: i32) -> (i32, i32) {
    %c0_i32 = arith.constant 0 : i32
    %c0_i32_0 = arith.constant 0 : i32
    return %arg0, %c0_i32 : i32, i32
  }
  func.func @transform_4(%arg0: i32) -> (i32, i32) {
    %c0_i32 = arith.constant 0 : i32
    %c0_i32_0 = arith.constant 0 : i32
    %c0_i32_1 = arith.constant 0 : i32
    return %c0_i32, %c0_i32_0 : i32, i32
  }
  func.func @transform_5(%arg0: i32) -> (i32, i32) {
    %c0_i32 = arith.constant 0 : i32
    %c0_i32_0 = arith.constant 0 : i32
    %c0_i32_1 = arith.constant 0 : i32
    return %c0_i32, %c0_i32_0 : i32, i32
  }
  func.func @transform_6(%arg0: i32) -> (i32, i32) {
    %c0_i32 = arith.constant 0 : i32
    %c0_i32_0 = arith.constant 0 : i32
    %c0_i32_1 = arith.constant 0 : i32
    return %c0_i32, %c0_i32_0 : i32, i32
  }
  func.func @transform_7(%arg0: i32) -> (i32, i32) {
    %c0_i32 = arith.constant 0 : i32
    %c0_i32_0 = arith.constant 0 : i32
    %c0_i32_1 = arith.constant 0 : i32
    return %c0_i32, %c0_i32_0 : i32, i32
  }
  func.func @transform_8(%arg0: i32) -> (i32, i32) {
    %c0_i32 = arith.constant 0 : i32
    %c0_i32_0 = arith.constant 0 : i32
    %c0_i32_1 = arith.constant 0 : i32
    return %c0_i32, %c0_i32_0 : i32, i32
  }
  func.func @transform_9(%arg0: i32) -> (i32, i32) {
    %c0_i32 = arith.constant 0 : i32
    %c0_i32_0 = arith.constant 0 : i32
    %c0_i32_1 = arith.constant 0 : i32
    return %c0_i32, %c0_i32_0 : i32, i32
  }
  func.func @transform_10(%arg0: i32) -> (i32, i32) {
    %c0_i32 = arith.constant 0 : i32
    %c0_i32_0 = arith.constant 0 : i32
    %c0_i32_1 = arith.constant 0 : i32
    return %c0_i32, %c0_i32_0 : i32, i32
  }
  func.func @transform_11(%arg0: i32) -> (i32, i32) {
    %c0_i32 = arith.constant 0 : i32
    %c0_i32_0 = arith.constant 0 : i32
    %c0_i32_1 = arith.constant 0 : i32
    return %c0_i32, %c0_i32_0 : i32, i32
  }
  func.func @transform_12(%arg0: i32) -> (i32, i32) {
    %c0_i32 = arith.constant 0 : i32
    %c0_i32_0 = arith.constant 0 : i32
    %c0_i32_1 = arith.constant 0 : i32
    return %c0_i32, %c0_i32_0 : i32, i32
  }
  func.func @transform_13(%arg0: i32) -> (i32, i32) {
    %c0_i32 = arith.constant 0 : i32
    %c0_i32_0 = arith.constant 0 : i32
    %c0_i32_1 = arith.constant 0 : i32
    return %c0_i32, %c0_i32_0 : i32, i32
  }
  func.func @transform_14(%arg0: i32) -> i32 {
    %c0_i32 = arith.constant 0 : i32
    return %arg0 : i32
  }
}

</mosaic_0001>

<sc_bundles>
// kernel: kernel.4.cloned.1.call-start
scs
__scs_entry_jumppad:
0x0: {  	(pc) =	sbr.rel $0x88, $3  }
0x1: {  	(tag) =	ssettag $0x0;
	lr =	simm.s32 $0x1  }
0x2: {  	[smem:$0x3F8E] =	sst lr;
	_ =	strace $0xD0000000  }
0x3: {  	_ = 	snop  }
0x4: {  	_ = 	snop  }
0x5: {  	_ = 	snop  }
0x6: {  	_ = 	snop  }
0x7: {  	_ = 	snop  }
__scs_overlays_trampoline_lowered:
0x8: {  	[smem:$0x3F9D] =	sst s0  }
0x9: {  	[smem:$0x3F9E] =	sst s1  }
0xa: {  	[smem:$0x3F9F] =	sst s2  }
0xb: {  	[smem:$0x3FA0] =	sst s3  }
0xc: {  	[smem:$0x3FA1] =	sst s4  }
0xd: {  	[smem:$0x3FA2] =	sst s5  }
0xe: {  	[smem:$0x3FA3] =	sst s6  }
0xf: {  	[smem:$0x3FA4] =	sst s7  }
0x10: {  	[smem:$0x3FA5] =	sst s8  }
0x11: {  	[smem:$0x3FA6] =	sst s9;
	s0 =	simm.s32 @!p0 $0x0  }
0x12: {  	s1 =	sld [smem:$0x3F8C];
	s0 =	simm.s32 @p0 $0x1  }
0x13: {  	[smem:$0x3FA7] =	sst s0;
	s0 =	simm.s32 @!p1 $0x0  }
0x14: {  	s2 =	sld [smem:$0x3F8B];
	s0 =	simm.s32 @p1 $0x1  }
0x15: {  	[smem:$0x3FA8] =	sst s0;
	s0 =	simm.s32 @!p2 $0x0  }
0x16: {  	s3 =	sld [smem:$0x3FDB];
	s0 =	simm.s32 @p2 $0x1  }
0x17: {  	s4 =	simm.s32 $0x1BF5;
	[smem:$0x3FAA] =	sst s0  }
0x18: {  	s0 =	sld [smem:$0x3F8D];
	_ =	swait.ge [sflag:s4], $0x0  }
0x19: {  	s7 =	sld [smem:$0x3F8E]  }
0x1a: {  	s8 =	sadd.s32 $0xFFFFE003, lr  }
0x1b: {  	s9 =	sadd.s32 $0xFFFFFEF7, lr;
	s5 =	simm.s32 $0xFFFFFFFF;
	p2 =	slt.u32 s8, $0xFFFFF086  }
0x1c: {  	p1 =	slt.u32 s9, $0xF7A;
	s5 =	simm.s32 @!p2 $0x0  }
0x1d: {  	s5 =	simm.s32 @p1 $0x1;
	p0 =	seq.s32 s7, s2  }
0x1e: {  	s7 =	smul.u32 @!p0 $0xF7A, s2;
	p2 =	seq.s32 @!p0 s5, $0x0  }
0x1f: {  	s9 =	smul.u32 $0xF7A, s1;
	s8 =	simm.s32 @!p0 $0x1BF5;
	p2 =	por !p2, p0  }
0x20: {  	[sflag:s8] =	ssyncset.s32 @!p0 $0xFFFFF086;
	s6 =	sadd.s32 @!p0 s3, s7;
	s7 =	simm.s32 @!p0 $0x108  }
0x21: {  	s3 =	sadd.s32 s3, s9;
	s6 =	sadd.s32 @!p0 $0x88, s6;
	s7 =	simm.s32 @p2 $0x1082  }
0x22: {  	[simem:s7], [sflag:s8] =	dma.local @!p0 [hbm:s6], $0xF7A  }
0x23: {  	s9 =	sor.u32 $0xD0000000, s2;
	s6 =	simm.s32 $0x108;
	_ =	swait.ge @!p0 [sflag:s8], $0x0  }
0x24: {  	s3 =	sadd.s32 $0x88, s3;
	s6 =	simm.s32 @!p1 $0x1082;
	[sflag:s4] =	ssyncset.s32 $0xFFFFF086  }
0x25: {  	[simem:s6], [sflag:s4] =	dma.local [hbm:s3], $0xF7A  }
0x26: {  	[smem:$0x3F8E] =	sst s1;
	(tag) =	ssettag s2;
	_ =	strace s9  }
0x27: {  	s1 =	sld [smem:$0x3F9E]  }
0x28: {  	s2 =	sld [smem:$0x3F9F]  }
0x29: {  	s4 =	sld [smem:$0x3FA1]  }
0x2a: {  	p0 =	seq.s32 s5, $0x0;
	s5 =	sld [smem:$0x3FA2]  }
0x2b: {  	s6 =	sld [smem:$0x3FA3]  }
0x2c: {  	s7 =	sld [smem:$0x3FA4]  }
0x2d: {  	s3 =	simm.s32 $0x108;
	s8 =	sld [smem:$0x3FA5]  }
0x2e: {  	s3 =	simm.s32 @!p0 $0x1082;
	s9 =	sld [smem:$0x3FA6]  }
0x2f: {  	lr =	sadd.s32 s0, s3;
	s0 =	sld [smem:$0x3F9D]  }
0x30: {  	s3 =	sld [smem:$0x3FA0]  }
0x31: {  	[smem:$0x3FA9] =	sst s10  }
0x32: {  	s10 =	sld [smem:$0x3FA7];
	_ =	sdelay $0x3  }
0x33: {  	p0 =	seq.s32 s10, $0x1;
	s10 =	sld [smem:$0x3FA9];
	_ =	sdelay $0x3  }
0x34: {  	[smem:$0x3FA9] =	sst s10  }
0x35: {  	s10 =	sld [smem:$0x3FA8];
	_ =	sdelay $0x3  }
0x36: {  	p1 =	seq.s32 s10, $0x1;
	s10 =	sld [smem:$0x3FA9];
	_ =	sdelay $0x3  }
0x37: {  	[smem:$0x3FA9] =	sst s10  }
0x38: {  	s10 =	sld [smem:$0x3FAA]  }
0x39: {  	_ = 	snop;
	(pc) =	sbr.ind lr, $3  }
0x3a: {  	_ = 	snop  }
0x3b: {  	_ = 	snop  }
0x3c: {  	p2 =	seq.s32 s10, $0x1;
	s10 =	sld [smem:$0x3FA9]  }
0x3d: {  	_ =	shalt  }
0x3e: {  	_ =	shalt  }
0x3f: {  	_ =	shalt  }
0x40: {  	_ =	shalt  }
0x41: {  	_ =	shalt  }
0x42: {  	_ =	shalt  }
0x43: {  	_ =	shalt  }
0x44: {  	_ =	shalt  }
0x45: {  	_ =	shalt  }
0x46: {  	_ =	shalt  }
0x47: {  	_ =	shalt  }
0x48: {  	_ =	shalt  }
0x49: {  	_ =	shalt  }
0x4a: {  	_ =	shalt  }
0x4b: {  	_ =	shalt  }
0x4c: {  	_ =	shalt  }
0x4d: {  	_ =	shalt  }
0x4e: {  	_ =	shalt  }
0x4f: {  	_ =	shalt  }
0x50: {  	_ =	shalt  }
0x51: {  	_ =	shalt  }
0x52: {  	_ =	shalt  }
0x53: {  	_ =	shalt  }
0x54: {  	_ =	shalt  }
0x55: {  	_ =	shalt  }
0x56: {  	_ =	shalt  }
0x57: {  	_ =	shalt  }
0x58: {  	_ =	shalt  }
0x59: {  	_ =	shalt  }
0x5a: {  	_ =	shalt  }
0x5b: {  	_ =	shalt  }
0x5c: {  	_ =	shalt  }
0x5d: {  	_ =	shalt  }
0x5e: {  	_ =	shalt  }
0x5f: {  	_ =	shalt  }
0x60: {  	_ =	shalt  }
0x61: {  	_ =	shalt  }
0x62: {  	_ =	shalt  }
0x63: {  	_ =	shalt  }
0x64: {  	_ =	shalt  }
0x65: {  	_ =	shalt  }
0x66: {  	_ =	shalt  }
0x67: {  	_ =	shalt  }
0x68: {  	_ =	shalt  }
0x69: {  	_ =	shalt  }
0x6a: {  	_ =	shalt  }
0x6b: {  	_ =	shalt  }
0x6c: {  	_ =	shalt  }
0x6d: {  	_ =	shalt  }
0x6e: {  	_ =	shalt  }
0x6f: {  	_ =	shalt  }
0x70: {  	_ =	shalt  }
0x71: {  	_ =	shalt  }
0x72: {  	_ =	shalt  }
0x73: {  	_ =	shalt  }
0x74: {  	_ =	shalt  }
0x75: {  	_ =	shalt  }
0x76: {  	_ =	shalt  }
0x77: {  	_ =	shalt  }
0x78: {  	_ =	shalt  }
0x79: {  	_ =	shalt  }
0x7a: {  	_ =	shalt  }
0x7b: {  	_ =	shalt  }
0x7c: {  	_ =	shalt  }
0x7d: {  	_ =	shalt  }
0x7e: {  	_ =	shalt  }
0x7f: {  	_ =	shalt  }
0x80: {  	_ =	shalt  }
0x81: {  	_ =	shalt  }
0x82: {  	_ =	shalt  }
0x83: {  	_ =	shalt  }
0x84: {  	_ =	shalt  }
0x85: {  	_ =	shalt  }
0x86: {  	_ =	shalt  }
0x87: {  	_ =	shalt  }
.Lfunc_end0:
.L_simem_size_0:
called_computation_lowered:
.L_overlay_start_0:
0x88: {  	s2 =	sld [smem:$0x3FD9]  }
0x89: {  	s3 =	sld [smem:$0x3FFE];
	_ =	sdelay $0x1  }
0x8a: {  	s1 =	srdreg.scid  }
0x8b: {  	s0 =	sand.u32 $0x1, s1  }
0x8c: {  	s17 =	sshll.u32 s0, $0xA;
	s2 =	sadd.s32 s3, s2  }
0x8d: {  	s2 =	sadd.s32 s2, s17  }
0x8e: {  	[smem:$0x3FB5] =	sst s2  }
0x8f: {  	_ = 	snop  }
0x90: {  	s2 =	sld [smem:$0x3FC9]  }
0x91: {  	s18 =	sld [smem:$0x3FC8];
	(tm) =	ssettm $0x1  }
0x92: {  	s4 =	sld [smem:$0x3FFB];
	_ =	sdelay $0x3  }
0x93: {  	_ =	strace s4  }
0x94: {  	s4 =	sld [smem:$0x3FFC];
	_ =	sdelay $0x3  }
0x95: {  	_ =	strace s4  }
0x96: {  	s4 =	sld [smem:$0x3FFD];
	_ =	sdelay $0x3  }
0x97: {  	_ =	strace s4  }
0x98: {  	_ =	strace $0x8FFFFFFF  }
0x99: {  	s19 =	sld [smem:$0x3FDB];
	_ =	sdelay $0x1  }
0x9a: {  	s5 =	simm.s32 $_scs_section_size  }
0x9b: {  	s6 =	simm.s32 $_size__tile_overlayer_lowered;
	s7 =	simm.s32 $_tile_overlayer_lowered  }
0x9c: {  	s22 =	simm.s32 $0x1BFF;
	s21 =	sshll.u32 s7, $0x1;
	s4 =	sadd.s32 s5, s19  }
0x9d: {  	s8 =	simm.s32 $0x0;
	s20 =	sshll.u32 s6, $0x1;
	s6 =	sadd.s32 s21, s4  }
0x9e: {  	[timem:s8], [sflag:s22] =	dma.local [hbm:s6], s20  }
0x9f: {  	_ =	swait.ge [sflag:s22], s20  }
0xa0: {  	s5 =	ssub.s32 $0x0, s20;
	[sflag:s22] =	ssyncset.done $0x0  }
0xa1: {  	[sflag:s22] =	ssyncadd.s32 s5;
	_ =	sdelay $0x1  }
0xa2: {  	s23 =	simm.s32 $0x1B8B  }
0xa3: {  	_ =	swait.ge [sflag:s23], $0x1  }
0xa4: {  	[sflag:s23] =	ssyncset.done $0x0  }
0xa5: {  	s25 =	simm.s32 $0x1B8E;
	s24 =	sld [smem:$0x3FFE];
	[sflag:s23] =	ssyncadd.s32 $0xFFFFFFFF  }
0xa6: {  	s26 =	simm.s32 $execute0_lowered;
	[smem:$0x3FD2] =	sst s25  }
0xa7: {  	s6 =	sshll.u32 s26, $0x1;
	_ =	strace $0x80000046;
	[dreg:$0x1] =	wrdreg $0xFFFFFFFF  }
0xa8: {  	s28 =	simm.s32 $_size_execute0_lowered;
	s4 =	sadd.s32 s4, s6;
	[dreg:$0x0] =	wrdreg $0x0  }
0xa9: {  	s6 =	sshll.u32 s28, $0x1;
	[dreg:$0x2] =	wrdreg s4  }
0xaa: {  	[dreg:$0x3] =	wrdreg s6  }
0xab: {  	[dreg:$0x4] =	wrdreg $0xC0  }
0xac: {  	_ =	task [dreg:s8], $0x5FFFF  }
0xad: {  	[dreg:$0x1] =	wrdreg $0xFFFFFFFF  }
0xae: {  	[dreg:$0x0] =	wrdreg $0x60  }
0xaf: {  	[dreg:$0x2] =	wrdreg s2  }
0xb0: {  	[dreg:$0x3] =	wrdreg s18  }
0xb1: {  	[dreg:$0x4] =	wrdreg s24  }
0xb2: {  	[dreg:$0x5] =	wrdreg $0x9  }
0xb3: {  	_ =	task.clear_ibuf [dreg:s8], $0x6FFFF;
	_ =	strace $0x90000046  }
0xb4: {  	s29 =	simm.s32 $0x9;
	_ =	strace $0x80000048  }
0xb5: {  	_ =	swait.ge [sflag:s29], $0x1  }
0xb6: {  	[sflag:s29] =	ssyncadd.s32 $0xFFFFFFFF  }
0xb7: {  	_ =	strace $0x90000048  }
0xb8: {  	_ =	sfence  }
0xb9: {  	s30 =	sld [smem:$0x0];
	_ =	sdelay $0x2  }
0xba: {  	s31 =	sshll.u32 s1, $0xD;
	s1 =	sshrl.u32 s1, $0x2  }
0xbb: {  	s3 =	sand.u32 $0x4000, s31;
	s1 =	sadd.s32 s1, s30  }
0xbc: {  	s0 =	sor.u32 s3, s0;
	s1 =	sshll.u32 s1, $0x11  }
0xbd: {  	s0 =	sor.u32 s1, s0  }
0xbe: {  	s0 =	sadd.s32 $0x8F2B, s0  }
0xbf: {  	[sflag:s0] =	ssyncadd.remote.s32 $0x1  }
0xc0: {  	_ =	sfence.sel $0xFFFF  }
0xc1: {  	[dreg:$0x0] =	wrdreg $0xFFFFFFFF;
	(pc) =	sbr.abs _section_cstart, $3  }
0xc2: {  	[dreg:$0x1] =	wrdreg $0xFFFFFFFF  }
0xc3: {  	_ =	task.clear_ibuf [dreg:s8], $0x2FFFF;
	_ =	strace $0x9FFFFFFF  }
0xc4: {  	(tm) =	ssettm $0x7FFFFFFF  }
0xc5: {  	_ =	shalt  }
tec
execute0_lowered:
.L_overlay_start_1:
0x0: {  	(tag) =	ssettag $0x1  }
0x1: {  	s7 =	rddreg [dreg:$0x0]  }
0x2: {  	s12 =	rddreg [dreg:$0x1]  }
0x3: {  	s8 =	rddreg [dreg:$0x2];
	s1 =	simm.s32 $0x0  }
0x4: {  	s9 =	srdreg.scid;
	s0 =	stileid.u32;
	s19 =	simm.s32 $0x1  }
0x5: {  	s20 =	simm.s32 $0x2;
	s21 =	simm.s32 $0x200;
	s22 =	simm.s32 $0x8200  }
0x6: {  	[smem:$0x7FF] =	sst s1;
	s2 =	sadd.s32 $0x2600, s8;
	s3 =	sadd.s32 $0xF44A00, s8  }
0x7: {  	s23 =	simm.s32 $0x0;
	s4 =	sadd.s32 $0x1E86E00, s8;
	s5 =	sadd.s32 $0x2DC9200, s8  }
0x8: {  	s10 =	sadd.s32 $0x3D0B600, s8;
	s15 =	sadd.s32 $0x3D4B600, s8;
	s9 =	sand.u32 $0x1, s9  }
0x9: {  	s14 =	sshll.u32 s0, $0xA;
	s13 =	ssub.s32 $0x2, s9;
	s9 =	sshll.u32 s9, $0x9  }
0xa: {  	s11 =	sadd.s32 $0x3D8B600, s8;
	s16 =	sadd.s32 $0x3DCB600, s8;
	s9 =	sor.u32 s9, s14  }
0xb: {  	_ =	strace $0x80000047;
	s30 =	sshrl.u32 s13, $0x1;
	s31 =	sshrl.u32 s9, $0x3  }
0xc: {  	s17 =	ssub.s32 s13, s30;
	s14 =	sshll.u32 s9, $0x4;
	s7 =	sadd.s32 s7, s31  }
0xd: {  	s8 =	sadd.s32 s10, s14;
	s18 =	sor.u32 $0x1000, s14;
	s9 =	sadd.s32 s11, s14  }
0xe: {  	s12 =	sadd.s32 s12, s31;
	s13 =	sadd.s32 s15, s14;
	s14 =	sadd.s32 s16, s14  }
0xf: {  	s17 =	smax.u32 s17, $0x1;
	s10 =	sadd.s32 s10, s18;
	s11 =	sadd.s32 s11, s18  }
0x10: {  	s15 =	sadd.s32 s15, s18;
	s16 =	sadd.s32 s16, s18;
	s18 =	simm.s32 $0x3  }
.LBB2_1:
0x11: {  	[tilespmem:s1], [sflag:$0x3] =	stream.linear.gather [hbm4b:s7+s1], $0x200, $0x38;
	[tilespmem:$0x10200] =	vst v63  }
0x12: {  	_ =	swait.ge [sflag:s18], $0x200  }
0x13: {  	[sflag:s18] =	ssyncset.done $0x0  }
0x14: {  	[sflag:s18] =	ssyncadd.s32 $0xFFFFFE00  }
0x15: {  	v0 =	vld [tilespmem:s1+$0x0];
	_ =	sdelay $0x4  }
0x16: {  	v0 =	vshll.u32 v0, $0x4  }
0x17: {  	(v2sf) =	vpush v0, $0x0;
	_ =	sdelay $0x1  }
0x18: {  	(v2sf) =	vpush v0, $0x1;
	_ =	sdelay $0x1  }
0x19: {  	(v2sf) =	vpush v0, $0x2;
	_ =	sdelay $0x1  }
0x1a: {  	(v2sf) =	vpush v0, $0x3;
	_ =	sdelay $0x5  }
0x1b: {  	(v2sf) =	vpush v0, $0x4;
	_ =	sdelay $0x2  }
0x1c: {  	s28 =	simm.s32 $0x200;
	s24 =	spop (v2sf)  }
0x1d: {  	s0 =	simm.s32 $0x8200;
	s29 =	simm.s32 $0x280;
	(v2sf) =	vpush v0, $0x5;
	s24 =	sand.u32 $0x1FFFFFF0, s24  }
0x1e: {  	s30 =	simm.s32 $0x8280;
	s25 =	spop (v2sf);
	s26 =	sadd.s32 s2, s24  }
0x1f: {  	[tilespmem:s28], [sflag:$0x1] =	stream.linear.gather [hbm4b:s26+s1], $0x80, $0x38;
	[tilespmem:$0x10200] =	vst v63  }
0x20: {  	s25 =	sand.u32 $0x1FFFFFF0, s25;
	s24 =	sadd.s32 s4, s24;
	s6 =	spop (v2sf)  }
0x21: {  	(v2sf) =	vpush v0, $0x6;
	[tilespmem:s0], [sflag:$0x2] =	stream.linear.gather [hbm4b:s24+s1], $0x80, $0x38;
	[tilespmem:$0x10200] =	vst v63  }
0x22: {  	s28 =	sadd.s32 s2, s25;
	s25 =	sadd.s32 s4, s25;
	s31 =	spop (v2sf)  }
0x23: {  	[tilespmem:s29], [sflag:$0x1] =	stream.linear.gather [hbm4b:s28+s1], $0x80, $0x38;
	[tilespmem:$0x10200] =	vst v63  }
0x24: {  	s26 =	simm.s32 $0x8980;
	s24 =	sand.u32 $0x1FFFFFF0, s6;
	s0 =	simm.s32 $0x300  }
0x25: {  	(v2sf) =	vpush v0, $0x7;
	[tilespmem:s30], [sflag:$0x2] =	stream.linear.gather [hbm4b:s25+s1], $0x80, $0x38;
	[tilespmem:$0x10200] =	vst v63  }
0x26: {  	s6 =	simm.s32 $0x8300;
	s28 =	sadd.s32 s2, s24;
	s24 =	sadd.s32 s4, s24  }
0x27: {  	[tilespmem:s0], [sflag:$0x1] =	stream.linear.gather [hbm4b:s28+s1], $0x80, $0x38;
	[tilespmem:$0x10200] =	vst v63  }
0x28: {  	s29 =	spop (v2sf);
	s25 =	sand.u32 $0x1FFFFFF0, s31;
	s30 =	simm.s32 $0x380  }
0x29: {  	(v2sf) =	vpush v0, $0x8;
	[tilespmem:s6], [sflag:$0x2] =	stream.linear.gather [hbm4b:s24+s1], $0x80, $0x38;
	[tilespmem:$0x10200] =	vst v63  }
0x2a: {  	s31 =	simm.s32 $0x8380;
	s28 =	sadd.s32 s2, s25;
	s25 =	sadd.s32 s4, s25  }
0x2b: {  	[tilespmem:s30], [sflag:$0x1] =	stream.linear.gather [hbm4b:s28+s1], $0x80, $0x38;
	[tilespmem:$0x10200] =	vst v63  }
0x2c: {  	s24 =	sand.u32 $0x1FFFFFF0, s29;
	s6 =	simm.s32 $0x400;
	s0 =	spop (v2sf)  }
0x2d: {  	(v2sf) =	vpush v0, $0x9;
	[tilespmem:s31], [sflag:$0x2] =	stream.linear.gather [hbm4b:s25+s1], $0x80, $0x38;
	[tilespmem:$0x10200] =	vst v63  }
0x2e: {  	s29 =	simm.s32 $0x8400;
	s28 =	sadd.s32 s2, s24;
	s24 =	sadd.s32 s4, s24  }
0x2f: {  	[tilespmem:s6], [sflag:$0x1] =	stream.linear.gather [hbm4b:s28+s1], $0x80, $0x38;
	[tilespmem:$0x10200] =	vst v63  }
0x30: {  	s30 =	spop (v2sf);
	s25 =	sand.u32 $0x1FFFFFF0, s0;
	s31 =	simm.s32 $0x480  }
0x31: {  	(v2sf) =	vpush v0, $0xA;
	[tilespmem:s29], [sflag:$0x2] =	stream.linear.gather [hbm4b:s24+s1], $0x80, $0x38;
	[tilespmem:$0x10200] =	vst v63  }
0x32: {  	s0 =	simm.s32 $0x8480;
	s28 =	sadd.s32 s2, s25;
	s25 =	sadd.s32 s4, s25  }
0x33: {  	[tilespmem:s31], [sflag:$0x1] =	stream.linear.gather [hbm4b:s28+s1], $0x80, $0x38;
	[tilespmem:$0x10200] =	vst v63  }
0x34: {  	s6 =	spop (v2sf);
	s24 =	sand.u32 $0x1FFFFFF0, s30;
	s29 =	simm.s32 $0x500  }
0x35: {  	(v2sf) =	vpush v0, $0xB;
	[tilespmem:s0], [sflag:$0x2] =	stream.linear.gather [hbm4b:s25+s1], $0x80, $0x38;
	[tilespmem:$0x10200] =	vst v63  }
0x36: {  	s30 =	simm.s32 $0x8500;
	s28 =	sadd.s32 s2, s24;
	s24 =	sadd.s32 s4, s24  }
0x37: {  	[tilespmem:s29], [sflag:$0x1] =	stream.linear.gather [hbm4b:s28+s1], $0x80, $0x38;
	[tilespmem:$0x10200] =	vst v63  }
0x38: {  	s31 =	spop (v2sf);
	s25 =	sand.u32 $0x1FFFFFF0, s6;
	s0 =	simm.s32 $0x580  }
0x39: {  	(v2sf) =	vpush v0, $0xC;
	[tilespmem:s30], [sflag:$0x2] =	stream.linear.gather [hbm4b:s24+s1], $0x80, $0x38;
	[tilespmem:$0x10200] =	vst v63  }
0x3a: {  	s6 =	simm.s32 $0x8580;
	s28 =	sadd.s32 s2, s25;
	s25 =	sadd.s32 s4, s25  }
0x3b: {  	[tilespmem:s0], [sflag:$0x1] =	stream.linear.gather [hbm4b:s28+s1], $0x80, $0x38;
	[tilespmem:$0x10200] =	vst v63  }
0x3c: {  	s24 =	sand.u32 $0x1FFFFFF0, s31;
	s30 =	simm.s32 $0x600;
	s29 =	spop (v2sf)  }
0x3d: {  	(v2sf) =	vpush v0, $0xD;
	[tilespmem:s6], [sflag:$0x2] =	stream.linear.gather [hbm4b:s25+s1], $0x80, $0x38;
	[tilespmem:$0x10200] =	vst v63  }
0x3e: {  	s31 =	simm.s32 $0x8600;
	s28 =	sadd.s32 s2, s24;
	s24 =	sadd.s32 s4, s24  }
0x3f: {  	[tilespmem:s30], [sflag:$0x1] =	stream.linear.gather [hbm4b:s28+s1], $0x80, $0x38;
	[tilespmem:$0x10200] =	vst v63  }
0x40: {  	s0 =	spop (v2sf);
	s25 =	sand.u32 $0x1FFFFFF0, s29;
	s6 =	simm.s32 $0x680  }
0x41: {  	(v2sf) =	vpush v0, $0xE;
	[tilespmem:s31], [sflag:$0x2] =	stream.linear.gather [hbm4b:s24+s1], $0x80, $0x38;
	[tilespmem:$0x10200] =	vst v63  }
0x42: {  	s29 =	simm.s32 $0x8680;
	s28 =	sadd.s32 s2, s25;
	s25 =	sadd.s32 s4, s25  }
0x43: {  	[tilespmem:s6], [sflag:$0x1] =	stream.linear.gather [hbm4b:s28+s1], $0x80, $0x38;
	[tilespmem:$0x10200] =	vst v63  }
0x44: {  	s30 =	spop (v2sf);
	s24 =	sand.u32 $0x1FFFFFF0, s0;
	s31 =	simm.s32 $0x700  }
0x45: {  	(v2sf) =	vpush v0, $0xF;
	[tilespmem:s29], [sflag:$0x2] =	stream.linear.gather [hbm4b:s25+s1], $0x80, $0x38;
	[tilespmem:$0x10200] =	vst v63  }
0x46: {  	s0 =	simm.s32 $0x8700;
	s28 =	sadd.s32 s2, s24;
	s24 =	sadd.s32 s4, s24  }
0x47: {  	[tilespmem:s31], [sflag:$0x1] =	stream.linear.gather [hbm4b:s28+s1], $0x80, $0x38;
	[tilespmem:$0x10200] =	vst v63  }
0x48: {  	s6 =	spop (v2sf);
	s25 =	sand.u32 $0x1FFFFFF0, s30;
	s29 =	simm.s32 $0x780  }
0x49: {  	[tilespmem:s0], [sflag:$0x2] =	stream.linear.gather [hbm4b:s24+s1], $0x80, $0x38;
	[tilespmem:$0x10200] =	vst v63  }
0x4a: {  	s30 =	simm.s32 $0x8780;
	s28 =	sadd.s32 s2, s25;
	s25 =	sadd.s32 s4, s25  }
0x4b: {  	[tilespmem:s29], [sflag:$0x1] =	stream.linear.gather [hbm4b:s28+s1], $0x80, $0x38;
	[tilespmem:$0x10200] =	vst v63  }
0x4c: {  	s24 =	sand.u32 $0x1FFFFFF0, s6;
	s31 =	spop (v2sf);
	s0 =	simm.s32 $0x800  }
0x4d: {  	[tilespmem:s30], [sflag:$0x2] =	stream.linear.gather [hbm4b:s25+s1], $0x80, $0x38;
	[tilespmem:$0x10200] =	vst v63  }
0x4e: {  	s6 =	simm.s32 $0x8800;
	s28 =	sadd.s32 s2, s24;
	s24 =	sadd.s32 s4, s24  }
0x4f: {  	[tilespmem:s0], [sflag:$0x1] =	stream.linear.gather [hbm4b:s28+s1], $0x80, $0x38;
	[tilespmem:$0x10200] =	vst v63  }
0x50: {  	s29 =	spop (v2sf);
	s25 =	sand.u32 $0x1FFFFFF0, s31;
	s30 =	simm.s32 $0x880  }
0x51: {  	[tilespmem:s6], [sflag:$0x2] =	stream.linear.gather [hbm4b:s24+s1], $0x80, $0x38;
	[tilespmem:$0x10200] =	vst v63  }
0x52: {  	s31 =	simm.s32 $0x8880;
	s28 =	sadd.s32 s2, s25;
	s25 =	sadd.s32 s4, s25  }
0x53: {  	[tilespmem:s30], [sflag:$0x1] =	stream.linear.gather [hbm4b:s28+s1], $0x80, $0x38;
	[tilespmem:$0x10200] =	vst v63  }
0x54: {  	s0 =	spop (v2sf);
	s24 =	sand.u32 $0x1FFFFFF0, s29;
	s6 =	simm.s32 $0x900  }
0x55: {  	[tilespmem:s31], [sflag:$0x2] =	stream.linear.gather [hbm4b:s25+s1], $0x80, $0x38;
	[tilespmem:$0x10200] =	vst v63  }
0x56: {  	s29 =	simm.s32 $0x8900;
	s28 =	sadd.s32 s2, s24;
	s25 =	sand.u32 $0x1FFFFFF0, s0  }
0x57: {  	[tilespmem:s6], [sflag:$0x1] =	stream.linear.gather [hbm4b:s28+s1], $0x80, $0x38;
	[tilespmem:$0x10200] =	vst v63  }
0x58: {  	s24 =	sadd.s32 s4, s24;
	s30 =	simm.s32 $0x980;
	s31 =	sadd.s32 s2, s25  }
0x59: {  	[tilespmem:s29], [sflag:$0x2] =	stream.linear.gather [hbm4b:s24+s1], $0x80, $0x38;
	[tilespmem:$0x10200] =	vst v63  }
0x5a: {  	s28 =	sadd.s32 s4, s25;
	s25 =	simm.s32 $0x0;
	s24 =	simm.s32 $0x2000  }
0x5b: {  	[tilespmem:s30], [sflag:$0x1] =	stream.linear.gather [hbm4b:s31+s1], $0x80, $0x38;
	[tilespmem:$0x10200] =	vst v63  }
.LBB2_2:
0x5c: {  	p0 =	sne.s32 s24, $0x1E000  }
0x5d: {  	s25 =	sadd.s32 $0x10, s25;
	s29 =	smov.u32 s24;
	s24 =	sadd.s32 $0x2000, s24  }
0x5e: {  	[tilespmem:s26], [sflag:$0x2] =	stream.linear.gather [hbm4b:s28+s1], $0x80, $0x38;
	[tilespmem:$0x10200] =	vst v63  }
0x5f: {  	v0 =	vld [tilespmem:s25+$0x0];
	_ =	sdelay $0x4  }
0x60: {  	v0 =	vshll.u32 v0, $0x4  }
0x61: {  	(v2sf) =	vpush v0, $0x0  }
0x62: {  	(v2sf) =	vpush v0, $0x1  }
0x63: {  	(v2sf) =	vpush v0, $0x2;
	_ =	sdelay $0x2  }
0x64: {  	(v2sf) =	vpush v0, $0x3;
	_ =	sdelay $0x3  }
0x65: {  	(v2sf) =	vpush v0, $0x4;
	_ =	sdelay $0x3  }
0x66: {  	(v2sf) =	vpush v0, $0x5;
	_ =	sdelay $0x1  }
0x67: {  	s28 =	spop (v2sf)  }
0x68: {  	s26 =	sshra.s32 s29, $0x2;
	s28 =	sand.u32 $0x1FFFFFF0, s28;
	s29 =	spop (v2sf)  }
0x69: {  	s31 =	sadd.s32 $0x8200, s26;
	s30 =	sadd.s32 s2, s28;
	s0 =	spop (v2sf);
	(v2sf) =	vpush v0, $0x6  }
0x6a: {  	s6 =	sadd.s32 $0x200, s26;
	s29 =	sand.u32 $0x1FFFFFF0, s29;
	s0 =	sand.u32 $0x1FFFFFF0, s0  }
0x6b: {  	[tilespmem:s6], [sflag:$0x1] =	stream.linear.gather [hbm4b:s30+s1], $0x80, $0x38;
	[tilespmem:$0x10200] =	vst v63  }
0x6c: {  	s6 =	sadd.s32 s4, s28;
	s28 =	sadd.s32 $0x280, s26;
	s30 =	spop (v2sf)  }
0x6d: {  	[tilespmem:s31], [sflag:$0x2] =	stream.linear.gather [hbm4b:s6+s1], $0x80, $0x38;
	(v2sf) =	vpush v0, $0x7;
	[tilespmem:$0x10200] =	vst v63  }
0x6e: {  	s6 =	sadd.s32 s2, s29;
	s31 =	sadd.s32 $0x8280, s26;
	s30 =	sand.u32 $0x1FFFFFF0, s30  }
0x6f: {  	[tilespmem:s28], [sflag:$0x1] =	stream.linear.gather [hbm4b:s6+s1], $0x80, $0x38;
	[tilespmem:$0x10200] =	vst v63  }
0x70: {  	s6 =	sadd.s32 s4, s29;
	s28 =	sadd.s32 $0x300, s26;
	s29 =	spop (v2sf)  }
0x71: {  	[tilespmem:s31], [sflag:$0x2] =	stream.linear.gather [hbm4b:s6+s1], $0x80, $0x38;
	[tilespmem:$0x10200] =	vst v63  }
0x72: {  	s6 =	sadd.s32 s2, s0;
	s31 =	sadd.s32 $0x8300, s26;
	s29 =	sand.u32 $0x1FFFFFF0, s29  }
0x73: {  	[tilespmem:s28], [sflag:$0x1] =	stream.linear.gather [hbm4b:s6+s1], $0x80, $0x38;
	(v2sf) =	vpush v0, $0x8;
	[tilespmem:$0x10200] =	vst v63  }
0x74: {  	s0 =	sadd.s32 s4, s0;
	s6 =	sadd.s32 $0x380, s26;
	s28 =	spop (v2sf)  }
0x75: {  	[tilespmem:s31], [sflag:$0x2] =	stream.linear.gather [hbm4b:s0+s1], $0x80, $0x38;
	[tilespmem:$0x10200] =	vst v63  }
0x76: {  	s0 =	sadd.s32 s2, s30;
	s31 =	sadd.s32 $0x8380, s26;
	s28 =	sand.u32 $0x1FFFFFF0, s28  }
0x77: {  	[tilespmem:s6], [sflag:$0x1] =	stream.linear.gather [hbm4b:s0+s1], $0x80, $0x38;
	(v2sf) =	vpush v0, $0x9;
	[tilespmem:$0x10200] =	vst v63  }
0x78: {  	s0 =	sadd.s32 s4, s30;
	s6 =	sadd.s32 $0x400, s26;
	s30 =	spop (v2sf)  }
0x79: {  	[tilespmem:s31], [sflag:$0x2] =	stream.linear.gather [hbm4b:s0+s1], $0x80, $0x38;
	[tilespmem:$0x10200] =	vst v63  }
0x7a: {  	s0 =	sadd.s32 s2, s29;
	s31 =	sadd.s32 $0x8400, s26;
	s30 =	sand.u32 $0x1FFFFFF0, s30  }
0x7b: {  	[tilespmem:s6], [sflag:$0x1] =	stream.linear.gather [hbm4b:s0+s1], $0x80, $0x38;
	(v2sf) =	vpush v0, $0xA;
	[tilespmem:$0x10200] =	vst v63  }
0x7c: {  	s0 =	sadd.s32 s4, s29;
	s6 =	sadd.s32 $0x480, s26;
	s29 =	spop (v2sf)  }
0x7d: {  	[tilespmem:s31], [sflag:$0x2] =	stream.linear.gather [hbm4b:s0+s1], $0x80, $0x38;
	[tilespmem:$0x10200] =	vst v63  }
0x7e: {  	s0 =	sadd.s32 s2, s28;
	s31 =	sadd.s32 $0x8480, s26;
	s29 =	sand.u32 $0x1FFFFFF0, s29  }
0x7f: {  	[tilespmem:s6], [sflag:$0x1] =	stream.linear.gather [hbm4b:s0+s1], $0x80, $0x38;
	(v2sf) =	vpush v0, $0xB;
	[tilespmem:$0x10200] =	vst v63  }
0x80: {  	s0 =	sadd.s32 s4, s28;
	s6 =	sadd.s32 $0x500, s26;
	s28 =	sadd.s32 s2, s30  }
0x81: {  	[tilespmem:s31], [sflag:$0x2] =	stream.linear.gather [hbm4b:s0+s1], $0x80, $0x38;
	[tilespmem:$0x10200] =	vst v63  }
0x82: {  	s30 =	sadd.s32 s4, s30;
	s0 =	sadd.s32 $0x8500, s26;
	s31 =	spop (v2sf)  }
0x83: {  	[tilespmem:s6], [sflag:$0x1] =	stream.linear.gather [hbm4b:s28+s1], $0x80, $0x38;
	(v2sf) =	vpush v0, $0xC;
	[tilespmem:$0x10200] =	vst v63  }
0x84: {  	s6 =	sadd.s32 $0x580, s26;
	s28 =	sadd.s32 s2, s29;
	s31 =	sand.u32 $0x1FFFFFF0, s31  }
0x85: {  	[tilespmem:s0], [sflag:$0x2] =	stream.linear.gather [hbm4b:s30+s1], $0x80, $0x38;
	[tilespmem:$0x10200] =	vst v63  }
0x86: {  	s29 =	sadd.s32 s4, s29;
	s0 =	sadd.s32 $0x8580, s26;
	s30 =	spop (v2sf)  }
0x87: {  	[tilespmem:s6], [sflag:$0x1] =	stream.linear.gather [hbm4b:s28+s1], $0x80, $0x38;
	(v2sf) =	vpush v0, $0xD;
	[tilespmem:$0x10200] =	vst v63  }
0x88: {  	s6 =	sadd.s32 $0x600, s26;
	s28 =	sadd.s32 s2, s31;
	s30 =	sand.u32 $0x1FFFFFF0, s30  }
0x89: {  	[tilespmem:s0], [sflag:$0x2] =	stream.linear.gather [hbm4b:s29+s1], $0x80, $0x38;
	[tilespmem:$0x10200] =	vst v63  }
0x8a: {  	s0 =	sadd.s32 $0x8600, s26;
	s29 =	sadd.s32 s4, s31;
	s31 =	spop (v2sf)  }
0x8b: {  	[tilespmem:s6], [sflag:$0x1] =	stream.linear.gather [hbm4b:s28+s1], $0x80, $0x38;
	(v2sf) =	vpush v0, $0xE;
	[tilespmem:$0x10200] =	vst v63  }
0x8c: {  	s6 =	sadd.s32 $0x680, s26;
	s28 =	sadd.s32 s2, s30;
	s31 =	sand.u32 $0x1FFFFFF0, s31  }
0x8d: {  	[tilespmem:s0], [sflag:$0x2] =	stream.linear.gather [hbm4b:s29+s1], $0x80, $0x38;
	[tilespmem:$0x10200] =	vst v63  }
0x8e: {  	s0 =	sadd.s32 $0x8680, s26;
	s29 =	sadd.s32 s4, s30;
	s30 =	spop (v2sf)  }
0x8f: {  	[tilespmem:s6], [sflag:$0x1] =	stream.linear.gather [hbm4b:s28+s1], $0x80, $0x38;
	(v2sf) =	vpush v0, $0xF;
	[tilespmem:$0x10200] =	vst v63  }
0x90: {  	s6 =	sadd.s32 $0x700, s26;
	s28 =	sadd.s32 s2, s31;
	s30 =	sand.u32 $0x1FFFFFF0, s30  }
0x91: {  	[tilespmem:s0], [sflag:$0x2] =	stream.linear.gather [hbm4b:s29+s1], $0x80, $0x38;
	[tilespmem:$0x10200] =	vst v63  }
0x92: {  	s0 =	sadd.s32 $0x8700, s26;
	s29 =	sadd.s32 s4, s31;
	s31 =	spop (v2sf)  }
0x93: {  	[tilespmem:s6], [sflag:$0x1] =	stream.linear.gather [hbm4b:s28+s1], $0x80, $0x38;
	[tilespmem:$0x10200] =	vst v63  }
0x94: {  	s6 =	sadd.s32 $0x780, s26;
	s28 =	sadd.s32 s2, s30;
	s31 =	sand.u32 $0x1FFFFFF0, s31  }
0x95: {  	[tilespmem:s0], [sflag:$0x2] =	stream.linear.gather [hbm4b:s29+s1], $0x80, $0x38;
	[tilespmem:$0x10200] =	vst v63  }
0x96: {  	s0 =	sadd.s32 $0x8780, s26;
	s29 =	sadd.s32 s4, s30;
	s30 =	spop (v2sf)  }
0x97: {  	[tilespmem:s6], [sflag:$0x1] =	stream.linear.gather [hbm4b:s28+s1], $0x80, $0x38;
	[tilespmem:$0x10200] =	vst v63  }
0x98: {  	s6 =	sadd.s32 $0x800, s26;
	s28 =	sadd.s32 s2, s31;
	s30 =	sand.u32 $0x1FFFFFF0, s30  }
0x99: {  	[tilespmem:s0], [sflag:$0x2] =	stream.linear.gather [hbm4b:s29+s1], $0x80, $0x38;
	[tilespmem:$0x10200] =	vst v63  }
0x9a: {  	s0 =	sadd.s32 $0x8800, s26;
	s29 =	sadd.s32 s4, s31;
	s31 =	spop (v2sf)  }
0x9b: {  	[tilespmem:s6], [sflag:$0x1] =	stream.linear.gather [hbm4b:s28+s1], $0x80, $0x38;
	[tilespmem:$0x10200] =	vst v63  }
0x9c: {  	s6 =	sadd.s32 $0x880, s26;
	s28 =	sadd.s32 s2, s30;
	s31 =	sand.u32 $0x1FFFFFF0, s31  }
0x9d: {  	[tilespmem:s0], [sflag:$0x2] =	stream.linear.gather [hbm4b:s29+s1], $0x80, $0x38;
	[tilespmem:$0x10200] =	vst v63  }
0x9e: {  	s0 =	sadd.s32 $0x8880, s26;
	s29 =	sadd.s32 s4, s30;
	s30 =	spop (v2sf)  }
0x9f: {  	[tilespmem:s6], [sflag:$0x1] =	stream.linear.gather [hbm4b:s28+s1], $0x80, $0x38;
	[tilespmem:$0x10200] =	vst v63  }
0xa0: {  	s6 =	sadd.s32 $0x900, s26;
	s28 =	sadd.s32 s2, s31;
	s30 =	sand.u32 $0x1FFFFFF0, s30  }
0xa1: {  	[tilespmem:s0], [sflag:$0x2] =	stream.linear.gather [hbm4b:s29+s1], $0x80, $0x38;
	[tilespmem:$0x10200] =	vst v63  }
0xa2: {  	s0 =	sadd.s32 $0x8900, s26;
	s29 =	sadd.s32 s4, s31  }
0xa3: {  	[tilespmem:s6], [sflag:$0x1] =	stream.linear.gather [hbm4b:s28+s1], $0x80, $0x38;
	[tilespmem:$0x10200] =	vst v63  }
.Ltmp0:
0xa4: {  	_ = 	snop;
	(pc) =	sbr.rel @p0 .LBB2_2-.Ltmp0, $4  }
0xa5: {  	s31 =	sadd.s32 s2, s30;
	s6 =	sadd.s32 $0x980, s26  }
0xa6: {  	[tilespmem:s0], [sflag:$0x2] =	stream.linear.gather [hbm4b:s29+s1], $0x80, $0x38;
	[tilespmem:$0x10200] =	vst v63  }
0xa7: {  	s26 =	sadd.s32 $0x8980, s26;
	s28 =	sadd.s32 s4, s30  }
0xa8: {  	[tilespmem:s6], [sflag:$0x1] =	stream.linear.gather [hbm4b:s31+s1], $0x80, $0x38;
	[tilespmem:$0x10200] =	vst v63  }
0xa9: {  	[tilespmem:s26], [sflag:$0x2] =	stream.linear.gather [hbm4b:s28+s1], $0x80, $0x38;
	[tilespmem:$0x10200] =	vst v63  }
0xaa: {  	_ =	swait.ge [sflag:s19], $0x8000  }
0xab: {  	[sflag:s19] =	ssyncset.done $0x0  }
0xac: {  	[sflag:s19] =	ssyncadd.s32 $0xFFFF8000  }
0xad: {  	_ =	swait.ge [sflag:s20], $0x8000  }
0xae: {  	[sflag:s20] =	ssyncset.done $0x0  }
0xaf: {  	s0 =	simm.s32 $0x0;
	[sflag:s20] =	ssyncadd.s32 $0xFFFF8000  }
0xb0: {  	[hbm4b:s8+s0] =	stream.linear.scatter [tilespmem:s21], [sflag:$0x3], $0x8000, $0x38;
	[tilespmem:$0x10200] =	vst v63  }
0xb1: {  	_ =	swait.ge [sflag:s18], $0x8000  }
0xb2: {  	[sflag:s18] =	ssyncset.done $0x0  }
0xb3: {  	[sflag:s18] =	ssyncadd.s32 $0xFFFF8000  }
0xb4: {  	[hbm4b:s9+s0] =	stream.linear.scatter [tilespmem:s22], [sflag:$0x3], $0x8000, $0x38;
	[tilespmem:$0x10200] =	vst v63  }
0xb5: {  	_ =	swait.ge [sflag:s18], $0x8000  }
0xb6: {  	[sflag:s18] =	ssyncset.done $0x0  }
0xb7: {  	s0 =	sand.u32 $0xF0, s0;
	[sflag:s18] =	ssyncadd.s32 $0xFFFF8000  }
0xb8: {  	v0 =	vld [tilespmem:s0+$0x100];
	_ =	sdelay $0x4  }
0xb9: {  	v0 =	vshll.u32 v0, $0x4  }
0xba: {  	(v2sf) =	vpush v0, $0x0  }
0xbb: {  	(v2sf) =	vpush v0, $0x1;
	_ =	sdelay $0x2  }
0xbc: {  	(v2sf) =	vpush v0, $0x2;
	_ =	sdelay $0x3  }
0xbd: {  	(v2sf) =	vpush v0, $0x3;
	_ =	sdelay $0x3  }
0xbe: {  	(v2sf) =	vpush v0, $0x4;
	_ =	sdelay $0x2  }
0xbf: {  	s25 =	simm.s32 $0x200;
	s29 =	spop (v2sf)  }
0xc0: {  	s30 =	simm.s32 $0x8200;
	(v2sf) =	vpush v0, $0x5;
	s0 =	sand.u32 $0x1FFFFFF0, s29;
	s6 =	spop (v2sf)  }
0xc1: {  	s26 =	simm.s32 $0x280;
	s24 =	sadd.s32 s2, s0;
	s6 =	sand.u32 $0x1FFFFFF0, s6  }
0xc2: {  	[tilespmem:s25], [sflag:$0x1] =	stream.linear.gather [hbm4b:s24+s1], $0x80, $0x38;
	[tilespmem:$0x10200] =	vst v63  }
0xc3: {  	s0 =	sadd.s32 s4, s0;
	s31 =	spop (v2sf);
	s29 =	sadd.s32 s2, s6  }
0xc4: {  	(v2sf) =	vpush v0, $0x6;
	[tilespmem:s30], [sflag:$0x2] =	stream.linear.gather [hbm4b:s0+s1], $0x80, $0x38;
	[tilespmem:$0x10200] =	vst v63  }
0xc5: {  	s6 =	sadd.s32 s4, s6;
	s25 =	simm.s32 $0x900;
	s24 =	simm.s32 $0x2000  }
0xc6: {  	[tilespmem:s26], [sflag:$0x1] =	stream.linear.gather [hbm4b:s29+s1], $0x80, $0x38;
	[tilespmem:$0x10200] =	vst v63  }
0xc7: {  	s0 =	sand.u32 $0x1FFFFFF0, s31;
	s30 =	simm.s32 $0x8280;
	s31 =	spop (v2sf)  }
0xc8: {  	(v2sf) =	vpush v0, $0x7;
	[tilespmem:s30], [sflag:$0x2] =	stream.linear.gather [hbm4b:s6+s1], $0x80, $0x38;
	[tilespmem:$0x10200] =	vst v63  }
0xc9: {  	s26 =	simm.s32 $0x300;
	s29 =	sadd.s32 s2, s0;
	s0 =	sadd.s32 s4, s0  }
0xca: {  	[tilespmem:s26], [sflag:$0x1] =	stream.linear.gather [hbm4b:s29+s1], $0x80, $0x38;
	[tilespmem:$0x10200] =	vst v63  }
0xcb: {  	s6 =	sand.u32 $0x1FFFFFF0, s31;
	s30 =	simm.s32 $0x8300;
	s31 =	spop (v2sf)  }
0xcc: {  	(v2sf) =	vpush v0, $0x8;
	[tilespmem:s30], [sflag:$0x2] =	stream.linear.gather [hbm4b:s0+s1], $0x80, $0x38;
	[tilespmem:$0x10200] =	vst v63  }
0xcd: {  	s26 =	simm.s32 $0x380;
	s29 =	sadd.s32 s2, s6;
	s6 =	sadd.s32 s4, s6  }
0xce: {  	[tilespmem:s26], [sflag:$0x1] =	stream.linear.gather [hbm4b:s29+s1], $0x80, $0x38;
	[tilespmem:$0x10200] =	vst v63  }
0xcf: {  	s0 =	sand.u32 $0x1FFFFFF0, s31;
	s30 =	simm.s32 $0x8380;
	s31 =	spop (v2sf)  }
0xd0: {  	(v2sf) =	vpush v0, $0x9;
	[tilespmem:s30], [sflag:$0x2] =	stream.linear.gather [hbm4b:s6+s1], $0x80, $0x38;
	[tilespmem:$0x10200] =	vst v63  }
0xd1: {  	s26 =	simm.s32 $0x400;
	s29 =	sadd.s32 s2, s0;
	s0 =	sadd.s32 s4, s0  }
0xd2: {  	[tilespmem:s26], [sflag:$0x1] =	stream.linear.gather [hbm4b:s29+s1], $0x80, $0x38;
	[tilespmem:$0x10200] =	vst v63  }
0xd3: {  	s6 =	sand.u32 $0x1FFFFFF0, s31;
	s30 =	simm.s32 $0x8400;
	s31 =	spop (v2sf)  }
0xd4: {  	(v2sf) =	vpush v0, $0xA;
	[tilespmem:s30], [sflag:$0x2] =	stream.linear.gather [hbm4b:s0+s1], $0x80, $0x38;
	[tilespmem:$0x10200] =	vst v63  }
0xd5: {  	s26 =	simm.s32 $0x480;
	s29 =	sadd.s32 s2, s6;
	s6 =	sadd.s32 s4, s6  }
0xd6: {  	[tilespmem:s26], [sflag:$0x1] =	stream.linear.gather [hbm4b:s29+s1], $0x80, $0x38;
	[tilespmem:$0x10200] =	vst v63  }
0xd7: {  	s0 =	sand.u32 $0x1FFFFFF0, s31;
	s30 =	simm.s32 $0x8480;
	s31 =	spop (v2sf)  }
0xd8: {  	(v2sf) =	vpush v0, $0xB;
	[tilespmem:s30], [sflag:$0x2] =	stream.linear.gather [hbm4b:s6+s1], $0x80, $0x38;
	[tilespmem:$0x10200] =	vst v63  }
0xd9: {  	s26 =	simm.s32 $0x500;
	s29 =	sadd.s32 s2, s0;
	s0 =	sadd.s32 s4, s0  }
0xda: {  	[tilespmem:s26], [sflag:$0x1] =	stream.linear.gather [hbm4b:s29+s1], $0x80, $0x38;
	[tilespmem:$0x10200] =	vst v63  }
0xdb: {  	s6 =	sand.u32 $0x1FFFFFF0, s31;
	s30 =	simm.s32 $0x8500;
	s31 =	spop (v2sf)  }
0xdc: {  	(v2sf) =	vpush v0, $0xC;
	[tilespmem:s30], [sflag:$0x2] =	stream.linear.gather [hbm4b:s0+s1], $0x80, $0x38;
	[tilespmem:$0x10200] =	vst v63  }
0xdd: {  	s26 =	simm.s32 $0x580;
	s29 =	sadd.s32 s2, s6;
	s6 =	sadd.s32 s4, s6  }
0xde: {  	[tilespmem:s26], [sflag:$0x1] =	stream.linear.gather [hbm4b:s29+s1], $0x80, $0x38;
	[tilespmem:$0x10200] =	vst v63  }
0xdf: {  	s0 =	sand.u32 $0x1FFFFFF0, s31;
	s30 =	simm.s32 $0x8580;
	s31 =	spop (v2sf)  }
0xe0: {  	(v2sf) =	vpush v0, $0xD;
	[tilespmem:s30], [sflag:$0x2] =	stream.linear.gather [hbm4b:s6+s1], $0x80, $0x38;
	[tilespmem:$0x10200] =	vst v63  }
0xe1: {  	s26 =	simm.s32 $0x600;
	s29 =	sadd.s32 s2, s0;
	s0 =	sadd.s32 s4, s0  }
0xe2: {  	[tilespmem:s26], [sflag:$0x1] =	stream.linear.gather [hbm4b:s29+s1], $0x80, $0x38;
	[tilespmem:$0x10200] =	vst v63  }
0xe3: {  	s6 =	sand.u32 $0x1FFFFFF0, s31;
	s30 =	simm.s32 $0x8600;
	s31 =	spop (v2sf)  }
0xe4: {  	(v2sf) =	vpush v0, $0xE;
	[tilespmem:s30], [sflag:$0x2] =	stream.linear.gather [hbm4b:s0+s1], $0x80, $0x38;
	[tilespmem:$0x10200] =	vst v63  }
0xe5: {  	s26 =	simm.s32 $0x680;
	s29 =	sadd.s32 s2, s6;
	s6 =	sadd.s32 s4, s6  }
0xe6: {  	[tilespmem:s26], [sflag:$0x1] =	stream.linear.gather [hbm4b:s29+s1], $0x80, $0x38;
	[tilespmem:$0x10200] =	vst v63  }
0xe7: {  	s0 =	sand.u32 $0x1FFFFFF0, s31;
	s30 =	simm.s32 $0x8680;
	s31 =	spop (v2sf)  }
0xe8: {  	(v2sf) =	vpush v0, $0xF;
	[tilespmem:s30], [sflag:$0x2] =	stream.linear.gather [hbm4b:s6+s1], $0x80, $0x38;
	[tilespmem:$0x10200] =	vst v63  }
0xe9: {  	s26 =	simm.s32 $0x700;
	s29 =	sadd.s32 s2, s0;
	s0 =	sadd.s32 s4, s0  }
0xea: {  	[tilespmem:s26], [sflag:$0x1] =	stream.linear.gather [hbm4b:s29+s1], $0x80, $0x38;
	[tilespmem:$0x10200] =	vst v63  }
0xeb: {  	s6 =	sand.u32 $0x1FFFFFF0, s31;
	s30 =	simm.s32 $0x8700;
	s31 =	spop (v2sf)  }
0xec: {  	[tilespmem:s30], [sflag:$0x2] =	stream.linear.gather [hbm4b:s0+s1], $0x80, $0x38;
	[tilespmem:$0x10200] =	vst v63  }
0xed: {  	s26 =	simm.s32 $0x780;
	s29 =	sadd.s32 s2, s6;
	s6 =	sadd.s32 s4, s6  }
0xee: {  	[tilespmem:s26], [sflag:$0x1] =	stream.linear.gather [hbm4b:s29+s1], $0x80, $0x38;
	[tilespmem:$0x10200] =	vst v63  }
0xef: {  	s0 =	sand.u32 $0x1FFFFFF0, s31;
	s30 =	simm.s32 $0x8780;
	s31 =	spop (v2sf)  }
0xf0: {  	[tilespmem:s30], [sflag:$0x2] =	stream.linear.gather [hbm4b:s6+s1], $0x80, $0x38;
	[tilespmem:$0x10200] =	vst v63  }
0xf1: {  	s26 =	simm.s32 $0x800;
	s29 =	sadd.s32 s2, s0;
	s0 =	sadd.s32 s4, s0  }
0xf2: {  	[tilespmem:s26], [sflag:$0x1] =	stream.linear.gather [hbm4b:s29+s1], $0x80, $0x38;
	[tilespmem:$0x10200] =	vst v63  }
0xf3: {  	s6 =	sand.u32 $0x1FFFFFF0, s31;
	s30 =	simm.s32 $0x8800;
	s31 =	spop (v2sf)  }
0xf4: {  	[tilespmem:s30], [sflag:$0x2] =	stream.linear.gather [hbm4b:s0+s1], $0x80, $0x38;
	[tilespmem:$0x10200] =	vst v63  }
0xf5: {  	s26 =	simm.s32 $0x880;
	s29 =	sadd.s32 s2, s6;
	s6 =	sadd.s32 s4, s6  }
0xf6: {  	[tilespmem:s26], [sflag:$0x1] =	stream.linear.gather [hbm4b:s29+s1], $0x80, $0x38;
	[tilespmem:$0x10200] =	vst v63  }
0xf7: {  	s0 =	sand.u32 $0x1FFFFFF0, s31;
	s30 =	simm.s32 $0x8880;
	s31 =	spop (v2sf)  }
0xf8: {  	[tilespmem:s30], [sflag:$0x2] =	stream.linear.gather [hbm4b:s6+s1], $0x80, $0x38;
	[tilespmem:$0x10200] =	vst v63  }
0xf9: {  	s26 =	sadd.s32 s2, s0;
	s29 =	simm.s32 $0x8900;
	s6 =	sand.u32 $0x1FFFFFF0, s31  }
0xfa: {  	[tilespmem:s25], [sflag:$0x1] =	stream.linear.gather [hbm4b:s26+s1], $0x80, $0x38;
	[tilespmem:$0x10200] =	vst v63  }
0xfb: {  	s0 =	sadd.s32 s4, s0;
	s30 =	simm.s32 $0x980;
	s31 =	sadd.s32 s2, s6  }
0xfc: {  	[tilespmem:s29], [sflag:$0x2] =	stream.linear.gather [hbm4b:s0+s1], $0x80, $0x38;
	[tilespmem:$0x10200] =	vst v63  }
0xfd: {  	s28 =	sadd.s32 s4, s6;
	s26 =	simm.s32 $0x8980;
	s25 =	simm.s32 $0x10  }
0xfe: {  	[tilespmem:s30], [sflag:$0x1] =	stream.linear.gather [hbm4b:s31+s1], $0x80, $0x38;
	[tilespmem:$0x10200] =	vst v63  }
.LBB2_4:
0xff: {  	s0 =	sand.u32 $0xF0, s25  }
0x100: {  	p0 =	sne.s32 s24, $0x1E000;
	s6 =	smov.u32 s24;
	s24 =	sadd.s32 $0x2000, s24  }
0x101: {  	[tilespmem:s26], [sflag:$0x2] =	stream.linear.gather [hbm4b:s28+s1], $0x80, $0x38;
	[tilespmem:$0x10200] =	vst v63  }
0x102: {  	v0 =	vld [tilespmem:s0+$0x100];
	_ =	sdelay $0x4  }
0x103: {  	v0 =	vshll.u32 v0, $0x4  }
0x104: {  	(v2sf) =	vpush v0, $0x0  }
0x105: {  	(v2sf) =	vpush v0, $0x1  }
0x106: {  	(v2sf) =	vpush v0, $0x2;
	_ =	sdelay $0x2  }
0x107: {  	(v2sf) =	vpush v0, $0x3;
	_ =	sdelay $0x3  }
0x108: {  	(v2sf) =	vpush v0, $0x4;
	_ =	sdelay $0x3  }
0x109: {  	(v2sf) =	vpush v0, $0x5;
	_ =	sdelay $0x1  }
0x10a: {  	s0 =	spop (v2sf)  }
0x10b: {  	s26 =	sshra.s32 s6, $0x2;
	s0 =	sand.u32 $0x1FFFFFF0, s0;
	s6 =	spop (v2sf)  }
0x10c: {  	s29 =	sadd.s32 $0x8200, s26;
	s28 =	sadd.s32 s2, s0;
	s30 =	spop (v2sf);
	(v2sf) =	vpush v0, $0x6  }
0x10d: {  	s31 =	sadd.s32 $0x200, s26;
	s6 =	sand.u32 $0x1FFFFFF0, s6;
	s30 =	sand.u32 $0x1FFFFFF0, s30  }
0x10e: {  	[tilespmem:s31], [sflag:$0x1] =	stream.linear.gather [hbm4b:s28+s1], $0x80, $0x38;
	[tilespmem:$0x10200] =	vst v63  }
0x10f: {  	s0 =	sadd.s32 s4, s0;
	s28 =	sadd.s32 $0x280, s26;
	s31 =	spop (v2sf)  }
0x110: {  	[tilespmem:s29], [sflag:$0x2] =	stream.linear.gather [hbm4b:s0+s1], $0x80, $0x38;
	(v2sf) =	vpush v0, $0x7;
	[tilespmem:$0x10200] =	vst v63  }
0x111: {  	s0 =	sadd.s32 s2, s6;
	s29 =	sadd.s32 $0x8280, s26;
	s31 =	sand.u32 $0x1FFFFFF0, s31  }
0x112: {  	[tilespmem:s28], [sflag:$0x1] =	stream.linear.gather [hbm4b:s0+s1], $0x80, $0x38;
	[tilespmem:$0x10200] =	vst v63  }
0x113: {  	s0 =	sadd.s32 s4, s6;
	s6 =	sadd.s32 $0x300, s26;
	s28 =	spop (v2sf)  }
0x114: {  	[tilespmem:s29], [sflag:$0x2] =	stream.linear.gather [hbm4b:s0+s1], $0x80, $0x38;
	[tilespmem:$0x10200] =	vst v63  }
0x115: {  	s0 =	sadd.s32 s2, s30;
	s29 =	sadd.s32 $0x8300, s26;
	s28 =	sand.u32 $0x1FFFFFF0, s28  }
0x116: {  	[tilespmem:s6], [sflag:$0x1] =	stream.linear.gather [hbm4b:s0+s1], $0x80, $0x38;
	(v2sf) =	vpush v0, $0x8;
	[tilespmem:$0x10200] =	vst v63  }
0x117: {  	s0 =	sadd.s32 s4, s30;
	s6 =	sadd.s32 $0x380, s26;
	s30 =	spop (v2sf)  }
0x118: {  	[tilespmem:s29], [sflag:$0x2] =	stream.linear.gather [hbm4b:s0+s1], $0x80, $0x38;
	[tilespmem:$0x10200] =	vst v63  }
0x119: {  	s0 =	sadd.s32 s2, s31;
	s29 =	sadd.s32 $0x8380, s26;
	s30 =	sand.u32 $0x1FFFFFF0, s30  }
0x11a: {  	[tilespmem:s6], [sflag:$0x1] =	stream.linear.gather [hbm4b:s0+s1], $0x80, $0x38;
	(v2sf) =	vpush v0, $0x9;
	[tilespmem:$0x10200] =	vst v63  }
0x11b: {  	s0 =	sadd.s32 s4, s31;
	s6 =	sadd.s32 $0x400, s26;
	s31 =	spop (v2sf)  }
0x11c: {  	[tilespmem:s29], [sflag:$0x2] =	stream.linear.gather [hbm4b:s0+s1], $0x80, $0x38;
	[tilespmem:$0x10200] =	vst v63  }
0x11d: {  	s0 =	sadd.s32 s2, s28;
	s29 =	sadd.s32 $0x8400, s26;
	s31 =	sand.u32 $0x1FFFFFF0, s31  }
0x11e: {  	[tilespmem:s6], [sflag:$0x1] =	stream.linear.gather [hbm4b:s0+s1], $0x80, $0x38;
	(v2sf) =	vpush v0, $0xA;
	[tilespmem:$0x10200] =	vst v63  }
0x11f: {  	s0 =	sadd.s32 s4, s28;
	s6 =	sadd.s32 $0x480, s26;
	s28 =	spop (v2sf)  }
0x120: {  	[tilespmem:s29], [sflag:$0x2] =	stream.linear.gather [hbm4b:s0+s1], $0x80, $0x38;
	[tilespmem:$0x10200] =	vst v63  }
0x121: {  	s0 =	sadd.s32 s2, s30;
	s29 =	sadd.s32 $0x8480, s26;
	s28 =	sand.u32 $0x1FFFFFF0, s28  }
0x122: {  	[tilespmem:s6], [sflag:$0x1] =	stream.linear.gather [hbm4b:s0+s1], $0x80, $0x38;
	(v2sf) =	vpush v0, $0xB;
	[tilespmem:$0x10200] =	vst v63  }
0x123: {  	s0 =	sadd.s32 s4, s30;
	s6 =	sadd.s32 $0x500, s26;
	s30 =	sadd.s32 s2, s31  }
0x124: {  	[tilespmem:s29], [sflag:$0x2] =	stream.linear.gather [hbm4b:s0+s1], $0x80, $0x38;
	[tilespmem:$0x10200] =	vst v63  }
0x125: {  	s0 =	sadd.s32 $0x8500, s26;
	s29 =	sadd.s32 s4, s31;
	s31 =	spop (v2sf)  }
0x126: {  	[tilespmem:s6], [sflag:$0x1] =	stream.linear.gather [hbm4b:s30+s1], $0x80, $0x38;
	(v2sf) =	vpush v0, $0xC;
	[tilespmem:$0x10200] =	vst v63  }
0x127: {  	s6 =	sadd.s32 $0x580, s26;
	s30 =	sadd.s32 s2, s28;
	s31 =	sand.u32 $0x1FFFFFF0, s31  }
0x128: {  	[tilespmem:s0], [sflag:$0x2] =	stream.linear.gather [hbm4b:s29+s1], $0x80, $0x38;
	[tilespmem:$0x10200] =	vst v63  }
0x129: {  	s28 =	sadd.s32 s4, s28;
	s0 =	sadd.s32 $0x8580, s26;
	s29 =	spop (v2sf)  }
0x12a: {  	[tilespmem:s6], [sflag:$0x1] =	stream.linear.gather [hbm4b:s30+s1], $0x80, $0x38;
	(v2sf) =	vpush v0, $0xD;
	[tilespmem:$0x10200] =	vst v63  }
0x12b: {  	s6 =	sadd.s32 $0x600, s26;
	s30 =	sadd.s32 s2, s31;
	s29 =	sand.u32 $0x1FFFFFF0, s29  }
0x12c: {  	[tilespmem:s0], [sflag:$0x2] =	stream.linear.gather [hbm4b:s28+s1], $0x80, $0x38;
	[tilespmem:$0x10200] =	vst v63  }
0x12d: {  	s0 =	sadd.s32 $0x8600, s26;
	s28 =	sadd.s32 s4, s31;
	s31 =	spop (v2sf)  }
0x12e: {  	[tilespmem:s6], [sflag:$0x1] =	stream.linear.gather [hbm4b:s30+s1], $0x80, $0x38;
	(v2sf) =	vpush v0, $0xE;
	[tilespmem:$0x10200] =	vst v63  }
0x12f: {  	s6 =	sadd.s32 $0x680, s26;
	s30 =	sadd.s32 s2, s29;
	s31 =	sand.u32 $0x1FFFFFF0, s31  }
0x130: {  	[tilespmem:s0], [sflag:$0x2] =	stream.linear.gather [hbm4b:s28+s1], $0x80, $0x38;
	[tilespmem:$0x10200] =	vst v63  }
0x131: {  	s0 =	sadd.s32 $0x8680, s26;
	s28 =	sadd.s32 s4, s29;
	s29 =	spop (v2sf)  }
0x132: {  	[tilespmem:s6], [sflag:$0x1] =	stream.linear.gather [hbm4b:s30+s1], $0x80, $0x38;
	(v2sf) =	vpush v0, $0xF;
	[tilespmem:$0x10200] =	vst v63  }
0x133: {  	s6 =	sadd.s32 $0x700, s26;
	s30 =	sadd.s32 s2, s31;
	s29 =	sand.u32 $0x1FFFFFF0, s29  }
0x134: {  	[tilespmem:s0], [sflag:$0x2] =	stream.linear.gather [hbm4b:s28+s1], $0x80, $0x38;
	[tilespmem:$0x10200] =	vst v63  }
0x135: {  	s0 =	sadd.s32 $0x8700, s26;
	s28 =	sadd.s32 s4, s31;
	s31 =	spop (v2sf)  }
0x136: {  	[tilespmem:s6], [sflag:$0x1] =	stream.linear.gather [hbm4b:s30+s1], $0x80, $0x38;
	[tilespmem:$0x10200] =	vst v63  }
0x137: {  	s6 =	sadd.s32 $0x780, s26;
	s30 =	sadd.s32 s2, s29;
	s31 =	sand.u32 $0x1FFFFFF0, s31  }
0x138: {  	[tilespmem:s0], [sflag:$0x2] =	stream.linear.gather [hbm4b:s28+s1], $0x80, $0x38;
	[tilespmem:$0x10200] =	vst v63  }
0x139: {  	s0 =	sadd.s32 $0x8780, s26;
	s28 =	sadd.s32 s4, s29;
	s29 =	spop (v2sf)  }
0x13a: {  	[tilespmem:s6], [sflag:$0x1] =	stream.linear.gather [hbm4b:s30+s1], $0x80, $0x38;
	[tilespmem:$0x10200] =	vst v63  }
0x13b: {  	s6 =	sadd.s32 $0x800, s26;
	s30 =	sadd.s32 s2, s31;
	s29 =	sand.u32 $0x1FFFFFF0, s29  }
0x13c: {  	[tilespmem:s0], [sflag:$0x2] =	stream.linear.gather [hbm4b:s28+s1], $0x80, $0x38;
	[tilespmem:$0x10200] =	vst v63  }
0x13d: {  	s0 =	sadd.s32 $0x8800, s26;
	s28 =	sadd.s32 s4, s31;
	s31 =	spop (v2sf)  }
0x13e: {  	[tilespmem:s6], [sflag:$0x1] =	stream.linear.gather [hbm4b:s30+s1], $0x80, $0x38;
	[tilespmem:$0x10200] =	vst v63  }
0x13f: {  	s6 =	sadd.s32 $0x880, s26;
	s30 =	sadd.s32 s2, s29;
	s31 =	sand.u32 $0x1FFFFFF0, s31  }
0x140: {  	[tilespmem:s0], [sflag:$0x2] =	stream.linear.gather [hbm4b:s28+s1], $0x80, $0x38;
	[tilespmem:$0x10200] =	vst v63  }
0x141: {  	s0 =	sadd.s32 $0x8880, s26;
	s28 =	sadd.s32 s4, s29;
	s29 =	spop (v2sf)  }
0x142: {  	[tilespmem:s6], [sflag:$0x1] =	stream.linear.gather [hbm4b:s30+s1], $0x80, $0x38;
	[tilespmem:$0x10200] =	vst v63  }
0x143: {  	s6 =	sadd.s32 $0x900, s26;
	s30 =	sadd.s32 s2, s31;
	s29 =	sand.u32 $0x1FFFFFF0, s29  }
0x144: {  	[tilespmem:s0], [sflag:$0x2] =	stream.linear.gather [hbm4b:s28+s1], $0x80, $0x38;
	[tilespmem:$0x10200] =	vst v63  }
0x145: {  	s0 =	sadd.s32 $0x8900, s26;
	s28 =	sadd.s32 s4, s31  }
0x146: {  	[tilespmem:s6], [sflag:$0x1] =	stream.linear.gather [hbm4b:s30+s1], $0x80, $0x38;
	[tilespmem:$0x10200] =	vst v63  }
.Ltmp1:
0x147: {  	_ = 	snop;
	(pc) =	sbr.rel @p0 .LBB2_4-.Ltmp1, $4  }
0x148: {  	s6 =	sadd.s32 $0x980, s26;
	s30 =	sadd.s32 s2, s29  }
0x149: {  	[tilespmem:s0], [sflag:$0x2] =	stream.linear.gather [hbm4b:s28+s1], $0x80, $0x38;
	[tilespmem:$0x10200] =	vst v63  }
0x14a: {  	s25 =	sadd.s32 $0x10, s25;
	s26 =	sadd.s32 $0x8980, s26;
	s28 =	sadd.s32 s4, s29  }
0x14b: {  	[tilespmem:s6], [sflag:$0x1] =	stream.linear.gather [hbm4b:s30+s1], $0x80, $0x38;
	[tilespmem:$0x10200] =	vst v63  }
0x14c: {  	[tilespmem:s26], [sflag:$0x2] =	stream.linear.gather [hbm4b:s28+s1], $0x80, $0x38;
	[tilespmem:$0x10200] =	vst v63  }
0x14d: {  	_ =	swait.ge [sflag:s19], $0x8000  }
0x14e: {  	[sflag:s19] =	ssyncset.done $0x0  }
0x14f: {  	[sflag:s19] =	ssyncadd.s32 $0xFFFF8000  }
0x150: {  	_ =	swait.ge [sflag:s20], $0x8000  }
0x151: {  	[sflag:s20] =	ssyncset.done $0x0  }
0x152: {  	s24 =	simm.s32 $0x0;
	[sflag:s20] =	ssyncadd.s32 $0xFFFF8000  }
0x153: {  	[hbm4b:s10+s24] =	stream.linear.scatter [tilespmem:s21], [sflag:$0x3], $0x8000, $0x38;
	[tilespmem:$0x10200] =	vst v63  }
0x154: {  	_ =	swait.ge [sflag:s18], $0x8000  }
0x155: {  	[sflag:s18] =	ssyncset.done $0x0  }
0x156: {  	[sflag:s18] =	ssyncadd.s32 $0xFFFF8000  }
0x157: {  	[hbm4b:s11+s24] =	stream.linear.scatter [tilespmem:s22], [sflag:$0x3], $0x8000, $0x38;
	[tilespmem:$0x10200] =	vst v63  }
0x158: {  	_ =	swait.ge [sflag:s18], $0x8000  }
0x159: {  	[sflag:s18] =	ssyncset.done $0x0  }
0x15a: {  	[sflag:s18] =	ssyncadd.s32 $0xFFFF8000  }
0x15b: {  	[tilespmem:s24], [sflag:$0x3] =	stream.linear.gather [hbm4b:s12+s24], $0x200, $0x38;
	[tilespmem:$0x10200] =	vst v63  }
0x15c: {  	_ =	swait.ge [sflag:s18], $0x200  }
0x15d: {  	[sflag:s18] =	ssyncset.done $0x0  }
0x15e: {  	[sflag:s18] =	ssyncadd.s32 $0xFFFFFE00  }
0x15f: {  	v0 =	vld [tilespmem:s24+$0x0];
	_ =	sdelay $0x4  }
0x160: {  	v0 =	vshll.u32 v0, $0x4  }
0x161: {  	(v2sf) =	vpush v0, $0x0;
	_ =	sdelay $0x1  }
0x162: {  	(v2sf) =	vpush v0, $0x1;
	_ =	sdelay $0x1  }
0x163: {  	(v2sf) =	vpush v0, $0x2;
	_ =	sdelay $0x3  }
0x164: {  	(v2sf) =	vpush v0, $0x3;
	_ =	sdelay $0x3  }
0x165: {  	(v2sf) =	vpush v0, $0x4;
	_ =	sdelay $0x2  }
0x166: {  	s0 =	spop (v2sf)  }
0x167: {  	s31 =	simm.s32 $0x200;
	s26 =	simm.s32 $0x8200;
	(v2sf) =	vpush v0, $0x5;
	s0 =	sand.u32 $0x1FFFFFF0, s0  }
0x168: {  	s30 =	simm.s32 $0x280;
	s6 =	spop (v2sf);
	s25 =	sadd.s32 s3, s0  }
0x169: {  	[tilespmem:s31], [sflag:$0x1] =	stream.linear.gather [hbm4b:s25+s1], $0x80, $0x38;
	[tilespmem:$0x10200] =	vst v63  }
0x16a: {  	s6 =	sand.u32 $0x1FFFFFF0, s6;
	s0 =	sadd.s32 s5, s0;
	s29 =	spop (v2sf)  }
0x16b: {  	(v2sf) =	vpush v0, $0x6;
	[tilespmem:s26], [sflag:$0x2] =	stream.linear.gather [hbm4b:s0+s1], $0x80, $0x38;
	[tilespmem:$0x10200] =	vst v63  }
0x16c: {  	s31 =	sadd.s32 s3, s6;
	s6 =	sadd.s32 s5, s6;
	s25 =	simm.s32 $0x2000  }
0x16d: {  	[tilespmem:s30], [sflag:$0x1] =	stream.linear.gather [hbm4b:s31+s1], $0x80, $0x38;
	[tilespmem:$0x10200] =	vst v63  }
0x16e: {  	s0 =	sand.u32 $0x1FFFFFF0, s29;
	s26 =	simm.s32 $0x8280;
	s29 =	spop (v2sf)  }
0x16f: {  	(v2sf) =	vpush v0, $0x7;
	[tilespmem:s26], [sflag:$0x2] =	stream.linear.gather [hbm4b:s6+s1], $0x80, $0x38;
	[tilespmem:$0x10200] =	vst v63  }
0x170: {  	s30 =	simm.s32 $0x300;
	s31 =	sadd.s32 s3, s0;
	s0 =	sadd.s32 s5, s0  }
0x171: {  	[tilespmem:s30], [sflag:$0x1] =	stream.linear.gather [hbm4b:s31+s1], $0x80, $0x38;
	[tilespmem:$0x10200] =	vst v63  }
0x172: {  	s6 =	sand.u32 $0x1FFFFFF0, s29;
	s26 =	simm.s32 $0x8300;
	s29 =	spop (v2sf)  }
0x173: {  	(v2sf) =	vpush v0, $0x8;
	[tilespmem:s26], [sflag:$0x2] =	stream.linear.gather [hbm4b:s0+s1], $0x80, $0x38;
	[tilespmem:$0x10200] =	vst v63  }
0x174: {  	s30 =	simm.s32 $0x380;
	s31 =	sadd.s32 s3, s6;
	s6 =	sadd.s32 s5, s6  }
0x175: {  	[tilespmem:s30], [sflag:$0x1] =	stream.linear.gather [hbm4b:s31+s1], $0x80, $0x38;
	[tilespmem:$0x10200] =	vst v63  }
0x176: {  	s0 =	sand.u32 $0x1FFFFFF0, s29;
	s26 =	simm.s32 $0x8380;
	s29 =	spop (v2sf)  }
0x177: {  	(v2sf) =	vpush v0, $0x9;
	[tilespmem:s26], [sflag:$0x2] =	stream.linear.gather [hbm4b:s6+s1], $0x80, $0x38;
	[tilespmem:$0x10200] =	vst v63  }
0x178: {  	s30 =	simm.s32 $0x400;
	s31 =	sadd.s32 s3, s0;
	s0 =	sadd.s32 s5, s0  }
0x179: {  	[tilespmem:s30], [sflag:$0x1] =	stream.linear.gather [hbm4b:s31+s1], $0x80, $0x38;
	[tilespmem:$0x10200] =	vst v63  }
0x17a: {  	s6 =	sand.u32 $0x1FFFFFF0, s29;
	s26 =	simm.s32 $0x8400;
	s29 =	spop (v2sf)  }
0x17b: {  	(v2sf) =	vpush v0, $0xA;
	[tilespmem:s26], [sflag:$0x2] =	stream.linear.gather [hbm4b:s0+s1], $0x80, $0x38;
	[tilespmem:$0x10200] =	vst v63  }
0x17c: {  	s30 =	simm.s32 $0x480;
	s31 =	sadd.s32 s3, s6;
	s6 =	sadd.s32 s5, s6  }
0x17d: {  	[tilespmem:s30], [sflag:$0x1] =	stream.linear.gather [hbm4b:s31+s1], $0x80, $0x38;
	[tilespmem:$0x10200] =	vst v63  }
0x17e: {  	s0 =	sand.u32 $0x1FFFFFF0, s29;
	s26 =	simm.s32 $0x8480;
	s29 =	spop (v2sf)  }
0x17f: {  	(v2sf) =	vpush v0, $0xB;
	[tilespmem:s26], [sflag:$0x2] =	stream.linear.gather [hbm4b:s6+s1], $0x80, $0x38;
	[tilespmem:$0x10200] =	vst v63  }
0x180: {  	s30 =	simm.s32 $0x500;
	s31 =	sadd.s32 s3, s0;
	s0 =	sadd.s32 s5, s0  }
0x181: {  	[tilespmem:s30], [sflag:$0x1] =	stream.linear.gather [hbm4b:s31+s1], $0x80, $0x38;
	[tilespmem:$0x10200] =	vst v63  }
0x182: {  	s6 =	sand.u32 $0x1FFFFFF0, s29;
	s26 =	simm.s32 $0x8500;
	s29 =	spop (v2sf)  }
0x183: {  	(v2sf) =	vpush v0, $0xC;
	[tilespmem:s26], [sflag:$0x2] =	stream.linear.gather [hbm4b:s0+s1], $0x80, $0x38;
	[tilespmem:$0x10200] =	vst v63  }
0x184: {  	s30 =	simm.s32 $0x580;
	s31 =	sadd.s32 s3, s6;
	s6 =	sadd.s32 s5, s6  }
0x185: {  	[tilespmem:s30], [sflag:$0x1] =	stream.linear.gather [hbm4b:s31+s1], $0x80, $0x38;
	[tilespmem:$0x10200] =	vst v63  }
0x186: {  	s0 =	sand.u32 $0x1FFFFFF0, s29;
	s26 =	simm.s32 $0x8580;
	s29 =	spop (v2sf)  }
0x187: {  	(v2sf) =	vpush v0, $0xD;
	[tilespmem:s26], [sflag:$0x2] =	stream.linear.gather [hbm4b:s6+s1], $0x80, $0x38;
	[tilespmem:$0x10200] =	vst v63  }
0x188: {  	s30 =	simm.s32 $0x600;
	s31 =	sadd.s32 s3, s0;
	s0 =	sadd.s32 s5, s0  }
0x189: {  	[tilespmem:s30], [sflag:$0x1] =	stream.linear.gather [hbm4b:s31+s1], $0x80, $0x38;
	[tilespmem:$0x10200] =	vst v63  }
0x18a: {  	s6 =	sand.u32 $0x1FFFFFF0, s29;
	s26 =	simm.s32 $0x8600;
	s29 =	spop (v2sf)  }
0x18b: {  	(v2sf) =	vpush v0, $0xE;
	[tilespmem:s26], [sflag:$0x2] =	stream.linear.gather [hbm4b:s0+s1], $0x80, $0x38;
	[tilespmem:$0x10200] =	vst v63  }
0x18c: {  	s30 =	simm.s32 $0x680;
	s31 =	sadd.s32 s3, s6;
	s6 =	sadd.s32 s5, s6  }
0x18d: {  	[tilespmem:s30], [sflag:$0x1] =	stream.linear.gather [hbm4b:s31+s1], $0x80, $0x38;
	[tilespmem:$0x10200] =	vst v63  }
0x18e: {  	s0 =	sand.u32 $0x1FFFFFF0, s29;
	s26 =	simm.s32 $0x8680;
	s29 =	spop (v2sf)  }
0x18f: {  	(v2sf) =	vpush v0, $0xF;
	[tilespmem:s26], [sflag:$0x2] =	stream.linear.gather [hbm4b:s6+s1], $0x80, $0x38;
	[tilespmem:$0x10200] =	vst v63  }
0x190: {  	s30 =	simm.s32 $0x700;
	s31 =	sadd.s32 s3, s0;
	s0 =	sadd.s32 s5, s0  }
0x191: {  	[tilespmem:s30], [sflag:$0x1] =	stream.linear.gather [hbm4b:s31+s1], $0x80, $0x38;
	[tilespmem:$0x10200] =	vst v63  }
0x192: {  	s6 =	sand.u32 $0x1FFFFFF0, s29;
	s26 =	simm.s32 $0x8700;
	s29 =	spop (v2sf)  }
0x193: {  	[tilespmem:s26], [sflag:$0x2] =	stream.linear.gather [hbm4b:s0+s1], $0x80, $0x38;
	[tilespmem:$0x10200] =	vst v63  }
0x194: {  	s30 =	simm.s32 $0x780;
	s31 =	sadd.s32 s3, s6;
	s6 =	sadd.s32 s5, s6  }
0x195: {  	[tilespmem:s30], [sflag:$0x1] =	stream.linear.gather [hbm4b:s31+s1], $0x80, $0x38;
	[tilespmem:$0x10200] =	vst v63  }
0x196: {  	s0 =	sand.u32 $0x1FFFFFF0, s29;
	s26 =	simm.s32 $0x8780;
	s29 =	spop (v2sf)  }
0x197: {  	[tilespmem:s26], [sflag:$0x2] =	stream.linear.gather [hbm4b:s6+s1], $0x80, $0x38;
	[tilespmem:$0x10200] =	vst v63  }
0x198: {  	s30 =	simm.s32 $0x800;
	s31 =	sadd.s32 s3, s0;
	s0 =	sadd.s32 s5, s0  }
0x199: {  	[tilespmem:s30], [sflag:$0x1] =	stream.linear.gather [hbm4b:s31+s1], $0x80, $0x38;
	[tilespmem:$0x10200] =	vst v63  }
0x19a: {  	s6 =	sand.u32 $0x1FFFFFF0, s29;
	s26 =	simm.s32 $0x8800;
	s29 =	spop (v2sf)  }
0x19b: {  	[tilespmem:s26], [sflag:$0x2] =	stream.linear.gather [hbm4b:s0+s1], $0x80, $0x38;
	[tilespmem:$0x10200] =	vst v63  }
0x19c: {  	s30 =	simm.s32 $0x880;
	s31 =	sadd.s32 s3, s6;
	s6 =	sadd.s32 s5, s6  }
0x19d: {  	[tilespmem:s30], [sflag:$0x1] =	stream.linear.gather [hbm4b:s31+s1], $0x80, $0x38;
	[tilespmem:$0x10200] =	vst v63  }
0x19e: {  	s0 =	sand.u32 $0x1FFFFFF0, s29;
	s26 =	simm.s32 $0x8880;
	s29 =	spop (v2sf)  }
0x19f: {  	[tilespmem:s26], [sflag:$0x2] =	stream.linear.gather [hbm4b:s6+s1], $0x80, $0x38;
	[tilespmem:$0x10200] =	vst v63  }
0x1a0: {  	s30 =	simm.s32 $0x900;
	s31 =	sadd.s32 s3, s0;
	s0 =	sadd.s32 s5, s0  }
0x1a1: {  	[tilespmem:s30], [sflag:$0x1] =	stream.linear.gather [hbm4b:s31+s1], $0x80, $0x38;
	[tilespmem:$0x10200] =	vst v63  }
0x1a2: {  	s6 =	sand.u32 $0x1FFFFFF0, s29;
	s29 =	simm.s32 $0x8900;
	s26 =	simm.s32 $0x8980  }
0x1a3: {  	[tilespmem:s29], [sflag:$0x2] =	stream.linear.gather [hbm4b:s0+s1], $0x80, $0x38;
	[tilespmem:$0x10200] =	vst v63  }
0x1a4: {  	s28 =	sadd.s32 s5, s6;
	s30 =	simm.s32 $0x980;
	s31 =	sadd.s32 s3, s6  }
0x1a5: {  	[tilespmem:s30], [sflag:$0x1] =	stream.linear.gather [hbm4b:s31+s1], $0x80, $0x38;
	[tilespmem:$0x10200] =	vst v63  }
.LBB2_6:
0x1a6: {  	p0 =	sne.s32 s25, $0x1E000  }
0x1a7: {  	s24 =	sadd.s32 $0x10, s24;
	s0 =	smov.u32 s25;
	s25 =	sadd.s32 $0x2000, s25  }
0x1a8: {  	[tilespmem:s26], [sflag:$0x2] =	stream.linear.gather [hbm4b:s28+s1], $0x80, $0x38;
	[tilespmem:$0x10200] =	vst v63  }
0x1a9: {  	v0 =	vld [tilespmem:s24+$0x0];
	_ =	sdelay $0x4  }
0x1aa: {  	v0 =	vshll.u32 v0, $0x4  }
0x1ab: {  	(v2sf) =	vpush v0, $0x0  }
0x1ac: {  	(v2sf) =	vpush v0, $0x1  }
0x1ad: {  	(v2sf) =	vpush v0, $0x2;
	_ =	sdelay $0x2  }
0x1ae: {  	(v2sf) =	vpush v0, $0x3;
	_ =	sdelay $0x3  }
0x1af: {  	(v2sf) =	vpush v0, $0x4;
	_ =	sdelay $0x3  }
0x1b0: {  	(v2sf) =	vpush v0, $0x5;
	_ =	sdelay $0x1  }
0x1b1: {  	s6 =	spop (v2sf)  }
0x1b2: {  	s26 =	sshra.s32 s0, $0x2;
	s0 =	sand.u32 $0x1FFFFFF0, s6;
	s6 =	spop (v2sf)  }
0x1b3: {  	s29 =	sadd.s32 $0x8200, s26;
	s28 =	sadd.s32 s3, s0;
	s30 =	spop (v2sf);
	(v2sf) =	vpush v0, $0x6  }
0x1b4: {  	s31 =	sadd.s32 $0x200, s26;
	s6 =	sand.u32 $0x1FFFFFF0, s6;
	s30 =	sand.u32 $0x1FFFFFF0, s30  }
0x1b5: {  	[tilespmem:s31], [sflag:$0x1] =	stream.linear.gather [hbm4b:s28+s1], $0x80, $0x38;
	[tilespmem:$0x10200] =	vst v63  }
0x1b6: {  	s0 =	sadd.s32 s5, s0;
	s28 =	sadd.s32 $0x280, s26;
	s31 =	spop (v2sf)  }
0x1b7: {  	[tilespmem:s29], [sflag:$0x2] =	stream.linear.gather [hbm4b:s0+s1], $0x80, $0x38;
	(v2sf) =	vpush v0, $0x7;
	[tilespmem:$0x10200] =	vst v63  }
0x1b8: {  	s0 =	sadd.s32 s3, s6;
	s29 =	sadd.s32 $0x8280, s26;
	s31 =	sand.u32 $0x1FFFFFF0, s31  }
0x1b9: {  	[tilespmem:s28], [sflag:$0x1] =	stream.linear.gather [hbm4b:s0+s1], $0x80, $0x38;
	[tilespmem:$0x10200] =	vst v63  }
0x1ba: {  	s0 =	sadd.s32 s5, s6;
	s6 =	sadd.s32 $0x300, s26;
	s28 =	spop (v2sf)  }
0x1bb: {  	[tilespmem:s29], [sflag:$0x2] =	stream.linear.gather [hbm4b:s0+s1], $0x80, $0x38;
	[tilespmem:$0x10200] =	vst v63  }
0x1bc: {  	s0 =	sadd.s32 s3, s30;
	s29 =	sadd.s32 $0x8300, s26;
	s28 =	sand.u32 $0x1FFFFFF0, s28  }
0x1bd: {  	[tilespmem:s6], [sflag:$0x1] =	stream.linear.gather [hbm4b:s0+s1], $0x80, $0x38;
	(v2sf) =	vpush v0, $0x8;
	[tilespmem:$0x10200] =	vst v63  }
0x1be: {  	s0 =	sadd.s32 s5, s30;
	s6 =	sadd.s32 $0x380, s26;
	s30 =	spop (v2sf)  }
0x1bf: {  	[tilespmem:s29], [sflag:$0x2] =	stream.linear.gather [hbm4b:s0+s1], $0x80, $0x38;
	[tilespmem:$0x10200] =	vst v63  }
0x1c0: {  	s0 =	sadd.s32 s3, s31;
	s29 =	sadd.s32 $0x8380, s26;
	s30 =	sand.u32 $0x1FFFFFF0, s30  }
0x1c1: {  	[tilespmem:s6], [sflag:$0x1] =	stream.linear.gather [hbm4b:s0+s1], $0x80, $0x38;
	(v2sf) =	vpush v0, $0x9;
	[tilespmem:$0x10200] =	vst v63  }
0x1c2: {  	s0 =	sadd.s32 s5, s31;
	s6 =	sadd.s32 $0x400, s26;
	s31 =	spop (v2sf)  }
0x1c3: {  	[tilespmem:s29], [sflag:$0x2] =	stream.linear.gather [hbm4b:s0+s1], $0x80, $0x38;
	[tilespmem:$0x10200] =	vst v63  }
0x1c4: {  	s0 =	sadd.s32 s3, s28;
	s29 =	sadd.s32 $0x8400, s26;
	s31 =	sand.u32 $0x1FFFFFF0, s31  }
0x1c5: {  	[tilespmem:s6], [sflag:$0x1] =	stream.linear.gather [hbm4b:s0+s1], $0x80, $0x38;
	(v2sf) =	vpush v0, $0xA;
	[tilespmem:$0x10200] =	vst v63  }
0x1c6: {  	s0 =	sadd.s32 s5, s28;
	s6 =	sadd.s32 $0x480, s26;
	s28 =	spop (v2sf)  }
0x1c7: {  	[tilespmem:s29], [sflag:$0x2] =	stream.linear.gather [hbm4b:s0+s1], $0x80, $0x38;
	[tilespmem:$0x10200] =	vst v63  }
0x1c8: {  	s0 =	sadd.s32 s3, s30;
	s29 =	sadd.s32 $0x8480, s26;
	s28 =	sand.u32 $0x1FFFFFF0, s28  }
0x1c9: {  	[tilespmem:s6], [sflag:$0x1] =	stream.linear.gather [hbm4b:s0+s1], $0x80, $0x38;
	(v2sf) =	vpush v0, $0xB;
	[tilespmem:$0x10200] =	vst v63  }
0x1ca: {  	s0 =	sadd.s32 s5, s30;
	s6 =	sadd.s32 $0x500, s26;
	s30 =	sadd.s32 s3, s31  }
0x1cb: {  	[tilespmem:s29], [sflag:$0x2] =	stream.linear.gather [hbm4b:s0+s1], $0x80, $0x38;
	[tilespmem:$0x10200] =	vst v63  }
0x1cc: {  	s0 =	sadd.s32 $0x8500, s26;
	s29 =	sadd.s32 s5, s31;
	s31 =	spop (v2sf)  }
0x1cd: {  	[tilespmem:s6], [sflag:$0x1] =	stream.linear.gather [hbm4b:s30+s1], $0x80, $0x38;
	(v2sf) =	vpush v0, $0xC;
	[tilespmem:$0x10200] =	vst v63  }
0x1ce: {  	s6 =	sadd.s32 $0x580, s26;
	s30 =	sadd.s32 s3, s28;
	s31 =	sand.u32 $0x1FFFFFF0, s31  }
0x1cf: {  	[tilespmem:s0], [sflag:$0x2] =	stream.linear.gather [hbm4b:s29+s1], $0x80, $0x38;
	[tilespmem:$0x10200] =	vst v63  }
0x1d0: {  	s28 =	sadd.s32 s5, s28;
	s0 =	sadd.s32 $0x8580, s26;
	s29 =	spop (v2sf)  }
0x1d1: {  	[tilespmem:s6], [sflag:$0x1] =	stream.linear.gather [hbm4b:s30+s1], $0x80, $0x38;
	(v2sf) =	vpush v0, $0xD;
	[tilespmem:$0x10200] =	vst v63  }
0x1d2: {  	s6 =	sadd.s32 $0x600, s26;
	s30 =	sadd.s32 s3, s31;
	s29 =	sand.u32 $0x1FFFFFF0, s29  }
0x1d3: {  	[tilespmem:s0], [sflag:$0x2] =	stream.linear.gather [hbm4b:s28+s1], $0x80, $0x38;
	[tilespmem:$0x10200] =	vst v63  }
0x1d4: {  	s0 =	sadd.s32 $0x8600, s26;
	s28 =	sadd.s32 s5, s31;
	s31 =	spop (v2sf)  }
0x1d5: {  	[tilespmem:s6], [sflag:$0x1] =	stream.linear.gather [hbm4b:s30+s1], $0x80, $0x38;
	(v2sf) =	vpush v0, $0xE;
	[tilespmem:$0x10200] =	vst v63  }
0x1d6: {  	s6 =	sadd.s32 $0x680, s26;
	s30 =	sadd.s32 s3, s29;
	s31 =	sand.u32 $0x1FFFFFF0, s31  }
0x1d7: {  	[tilespmem:s0], [sflag:$0x2] =	stream.linear.gather [hbm4b:s28+s1], $0x80, $0x38;
	[tilespmem:$0x10200] =	vst v63  }
0x1d8: {  	s0 =	sadd.s32 $0x8680, s26;
	s28 =	sadd.s32 s5, s29;
	s29 =	spop (v2sf)  }
0x1d9: {  	[tilespmem:s6], [sflag:$0x1] =	stream.linear.gather [hbm4b:s30+s1], $0x80, $0x38;
	(v2sf) =	vpush v0, $0xF;
	[tilespmem:$0x10200] =	vst v63  }
0x1da: {  	s6 =	sadd.s32 $0x700, s26;
	s30 =	sadd.s32 s3, s31;
	s29 =	sand.u32 $0x1FFFFFF0, s29  }
0x1db: {  	[tilespmem:s0], [sflag:$0x2] =	stream.linear.gather [hbm4b:s28+s1], $0x80, $0x38;
	[tilespmem:$0x10200] =	vst v63  }
0x1dc: {  	s0 =	sadd.s32 $0x8700, s26;
	s28 =	sadd.s32 s5, s31;
	s31 =	spop (v2sf)  }
0x1dd: {  	[tilespmem:s6], [sflag:$0x1] =	stream.linear.gather [hbm4b:s30+s1], $0x80, $0x38;
	[tilespmem:$0x10200] =	vst v63  }
0x1de: {  	s6 =	sadd.s32 $0x780, s26;
	s30 =	sadd.s32 s3, s29;
	s31 =	sand.u32 $0x1FFFFFF0, s31  }
0x1df: {  	[tilespmem:s0], [sflag:$0x2] =	stream.linear.gather [hbm4b:s28+s1], $0x80, $0x38;
	[tilespmem:$0x10200] =	vst v63  }
0x1e0: {  	s0 =	sadd.s32 $0x8780, s26;
	s28 =	sadd.s32 s5, s29;
	s29 =	spop (v2sf)  }
0x1e1: {  	[tilespmem:s6], [sflag:$0x1] =	stream.linear.gather [hbm4b:s30+s1], $0x80, $0x38;
	[tilespmem:$0x10200] =	vst v63  }
0x1e2: {  	s6 =	sadd.s32 $0x800, s26;
	s30 =	sadd.s32 s3, s31;
	s29 =	sand.u32 $0x1FFFFFF0, s29  }
0x1e3: {  	[tilespmem:s0], [sflag:$0x2] =	stream.linear.gather [hbm4b:s28+s1], $0x80, $0x38;
	[tilespmem:$0x10200] =	vst v63  }
0x1e4: {  	s0 =	sadd.s32 $0x8800, s26;
	s28 =	sadd.s32 s5, s31;
	s31 =	spop (v2sf)  }
0x1e5: {  	[tilespmem:s6], [sflag:$0x1] =	stream.linear.gather [hbm4b:s30+s1], $0x80, $0x38;
	[tilespmem:$0x10200] =	vst v63  }
0x1e6: {  	s6 =	sadd.s32 $0x880, s26;
	s30 =	sadd.s32 s3, s29;
	s31 =	sand.u32 $0x1FFFFFF0, s31  }
0x1e7: {  	[tilespmem:s0], [sflag:$0x2] =	stream.linear.gather [hbm4b:s28+s1], $0x80, $0x38;
	[tilespmem:$0x10200] =	vst v63  }
0x1e8: {  	s0 =	sadd.s32 $0x8880, s26;
	s28 =	sadd.s32 s5, s29;
	s29 =	spop (v2sf)  }
0x1e9: {  	[tilespmem:s6], [sflag:$0x1] =	stream.linear.gather [hbm4b:s30+s1], $0x80, $0x38;
	[tilespmem:$0x10200] =	vst v63  }
0x1ea: {  	s6 =	sadd.s32 $0x900, s26;
	s30 =	sadd.s32 s3, s31;
	s29 =	sand.u32 $0x1FFFFFF0, s29  }
0x1eb: {  	[tilespmem:s0], [sflag:$0x2] =	stream.linear.gather [hbm4b:s28+s1], $0x80, $0x38;
	[tilespmem:$0x10200] =	vst v63  }
0x1ec: {  	s0 =	sadd.s32 $0x8900, s26;
	s28 =	sadd.s32 s5, s31  }
0x1ed: {  	[tilespmem:s6], [sflag:$0x1] =	stream.linear.gather [hbm4b:s30+s1], $0x80, $0x38;
	[tilespmem:$0x10200] =	vst v63  }
.Ltmp2:
0x1ee: {  	_ = 	snop;
	(pc) =	sbr.rel @p0 .LBB2_6-.Ltmp2, $4  }
0x1ef: {  	s6 =	sadd.s32 $0x980, s26;
	s30 =	sadd.s32 s3, s29  }
0x1f0: {  	[tilespmem:s0], [sflag:$0x2] =	stream.linear.gather [hbm4b:s28+s1], $0x80, $0x38;
	[tilespmem:$0x10200] =	vst v63  }
0x1f1: {  	s26 =	sadd.s32 $0x8980, s26;
	s28 =	sadd.s32 s5, s29  }
0x1f2: {  	[tilespmem:s6], [sflag:$0x1] =	stream.linear.gather [hbm4b:s30+s1], $0x80, $0x38;
	[tilespmem:$0x10200] =	vst v63  }
0x1f3: {  	[tilespmem:s26], [sflag:$0x2] =	stream.linear.gather [hbm4b:s28+s1], $0x80, $0x38;
	[tilespmem:$0x10200] =	vst v63  }
0x1f4: {  	_ =	swait.ge [sflag:s19], $0x8000  }
0x1f5: {  	[sflag:s19] =	ssyncset.done $0x0  }
0x1f6: {  	[sflag:s19] =	ssyncadd.s32 $0xFFFF8000  }
0x1f7: {  	_ =	swait.ge [sflag:s20], $0x8000  }
0x1f8: {  	[sflag:s20] =	ssyncset.done $0x0  }
0x1f9: {  	s0 =	simm.s32 $0x0;
	[sflag:s20] =	ssyncadd.s32 $0xFFFF8000  }
0x1fa: {  	[hbm4b:s13+s0] =	stream.linear.scatter [tilespmem:s21], [sflag:$0x3], $0x8000, $0x38;
	[tilespmem:$0x10200] =	vst v63  }
0x1fb: {  	_ =	swait.ge [sflag:s18], $0x8000  }
0x1fc: {  	[sflag:s18] =	ssyncset.done $0x0  }
0x1fd: {  	[sflag:s18] =	ssyncadd.s32 $0xFFFF8000  }
0x1fe: {  	[hbm4b:s14+s0] =	stream.linear.scatter [tilespmem:s22], [sflag:$0x3], $0x8000, $0x38;
	[tilespmem:$0x10200] =	vst v63  }
0x1ff: {  	_ =	swait.ge [sflag:s18], $0x8000  }
0x200: {  	[sflag:s18] =	ssyncset.done $0x0  }
0x201: {  	s0 =	sand.u32 $0xF0, s0;
	[sflag:s18] =	ssyncadd.s32 $0xFFFF8000  }
0x202: {  	v0 =	vld [tilespmem:s0+$0x100];
	_ =	sdelay $0x4  }
0x203: {  	v0 =	vshll.u32 v0, $0x4  }
0x204: {  	(v2sf) =	vpush v0, $0x0  }
0x205: {  	(v2sf) =	vpush v0, $0x1;
	_ =	sdelay $0x2  }
0x206: {  	(v2sf) =	vpush v0, $0x2;
	_ =	sdelay $0x3  }
0x207: {  	(v2sf) =	vpush v0, $0x3;
	_ =	sdelay $0x3  }
0x208: {  	(v2sf) =	vpush v0, $0x4;
	_ =	sdelay $0x2  }
0x209: {  	s25 =	simm.s32 $0x200;
	s29 =	spop (v2sf)  }
0x20a: {  	s30 =	simm.s32 $0x8200;
	(v2sf) =	vpush v0, $0x5;
	s0 =	sand.u32 $0x1FFFFFF0, s29;
	s6 =	spop (v2sf)  }
0x20b: {  	s26 =	simm.s32 $0x280;
	s24 =	sadd.s32 s3, s0;
	s6 =	sand.u32 $0x1FFFFFF0, s6  }
0x20c: {  	[tilespmem:s25], [sflag:$0x1] =	stream.linear.gather [hbm4b:s24+s1], $0x80, $0x38;
	[tilespmem:$0x10200] =	vst v63  }
0x20d: {  	s0 =	sadd.s32 s5, s0;
	s31 =	spop (v2sf);
	s29 =	sadd.s32 s3, s6  }
0x20e: {  	(v2sf) =	vpush v0, $0x6;
	[tilespmem:s30], [sflag:$0x2] =	stream.linear.gather [hbm4b:s0+s1], $0x80, $0x38;
	[tilespmem:$0x10200] =	vst v63  }
0x20f: {  	s6 =	sadd.s32 s5, s6;
	s25 =	simm.s32 $0x900;
	s24 =	simm.s32 $0x2000  }
0x210: {  	[tilespmem:s26], [sflag:$0x1] =	stream.linear.gather [hbm4b:s29+s1], $0x80, $0x38;
	[tilespmem:$0x10200] =	vst v63  }
0x211: {  	s0 =	sand.u32 $0x1FFFFFF0, s31;
	s30 =	simm.s32 $0x8280;
	s31 =	spop (v2sf)  }
0x212: {  	(v2sf) =	vpush v0, $0x7;
	[tilespmem:s30], [sflag:$0x2] =	stream.linear.gather [hbm4b:s6+s1], $0x80, $0x38;
	[tilespmem:$0x10200] =	vst v63  }
0x213: {  	s26 =	simm.s32 $0x300;
	s29 =	sadd.s32 s3, s0;
	s0 =	sadd.s32 s5, s0  }
0x214: {  	[tilespmem:s26], [sflag:$0x1] =	stream.linear.gather [hbm4b:s29+s1], $0x80, $0x38;
	[tilespmem:$0x10200] =	vst v63  }
0x215: {  	s6 =	sand.u32 $0x1FFFFFF0, s31;
	s30 =	simm.s32 $0x8300;
	s31 =	spop (v2sf)  }
0x216: {  	(v2sf) =	vpush v0, $0x8;
	[tilespmem:s30], [sflag:$0x2] =	stream.linear.gather [hbm4b:s0+s1], $0x80, $0x38;
	[tilespmem:$0x10200] =	vst v63  }
0x217: {  	s26 =	simm.s32 $0x380;
	s29 =	sadd.s32 s3, s6;
	s6 =	sadd.s32 s5, s6  }
0x218: {  	[tilespmem:s26], [sflag:$0x1] =	stream.linear.gather [hbm4b:s29+s1], $0x80, $0x38;
	[tilespmem:$0x10200] =	vst v63  }
0x219: {  	s0 =	sand.u32 $0x1FFFFFF0, s31;
	s30 =	simm.s32 $0x8380;
	s31 =	spop (v2sf)  }
0x21a: {  	(v2sf) =	vpush v0, $0x9;
	[tilespmem:s30], [sflag:$0x2] =	stream.linear.gather [hbm4b:s6+s1], $0x80, $0x38;
	[tilespmem:$0x10200] =	vst v63  }
0x21b: {  	s26 =	simm.s32 $0x400;
	s29 =	sadd.s32 s3, s0;
	s0 =	sadd.s32 s5, s0  }
0x21c: {  	[tilespmem:s26], [sflag:$0x1] =	stream.linear.gather [hbm4b:s29+s1], $0x80, $0x38;
	[tilespmem:$0x10200] =	vst v63  }
0x21d: {  	s6 =	sand.u32 $0x1FFFFFF0, s31;
	s30 =	simm.s32 $0x8400;
	s31 =	spop (v2sf)  }
0x21e: {  	(v2sf) =	vpush v0, $0xA;
	[tilespmem:s30], [sflag:$0x2] =	stream.linear.gather [hbm4b:s0+s1], $0x80, $0x38;
	[tilespmem:$0x10200] =	vst v63  }
0x21f: {  	s26 =	simm.s32 $0x480;
	s29 =	sadd.s32 s3, s6;
	s6 =	sadd.s32 s5, s6  }
0x220: {  	[tilespmem:s26], [sflag:$0x1] =	stream.linear.gather [hbm4b:s29+s1], $0x80, $0x38;
	[tilespmem:$0x10200] =	vst v63  }
0x221: {  	s0 =	sand.u32 $0x1FFFFFF0, s31;
	s30 =	simm.s32 $0x8480;
	s31 =	spop (v2sf)  }
0x222: {  	(v2sf) =	vpush v0, $0xB;
	[tilespmem:s30], [sflag:$0x2] =	stream.linear.gather [hbm4b:s6+s1], $0x80, $0x38;
	[tilespmem:$0x10200] =	vst v63  }
0x223: {  	s26 =	simm.s32 $0x500;
	s29 =	sadd.s32 s3, s0;
	s0 =	sadd.s32 s5, s0  }
0x224: {  	[tilespmem:s26], [sflag:$0x1] =	stream.linear.gather [hbm4b:s29+s1], $0x80, $0x38;
	[tilespmem:$0x10200] =	vst v63  }
0x225: {  	s6 =	sand.u32 $0x1FFFFFF0, s31;
	s30 =	simm.s32 $0x8500;
	s31 =	spop (v2sf)  }
0x226: {  	(v2sf) =	vpush v0, $0xC;
	[tilespmem:s30], [sflag:$0x2] =	stream.linear.gather [hbm4b:s0+s1], $0x80, $0x38;
	[tilespmem:$0x10200] =	vst v63  }
0x227: {  	s26 =	simm.s32 $0x580;
	s29 =	sadd.s32 s3, s6;
	s6 =	sadd.s32 s5, s6  }
0x228: {  	[tilespmem:s26], [sflag:$0x1] =	stream.linear.gather [hbm4b:s29+s1], $0x80, $0x38;
	[tilespmem:$0x10200] =	vst v63  }
0x229: {  	s0 =	sand.u32 $0x1FFFFFF0, s31;
	s30 =	simm.s32 $0x8580;
	s31 =	spop (v2sf)  }
0x22a: {  	(v2sf) =	vpush v0, $0xD;
	[tilespmem:s30], [sflag:$0x2] =	stream.linear.gather [hbm4b:s6+s1], $0x80, $0x38;
	[tilespmem:$0x10200] =	vst v63  }
0x22b: {  	s26 =	simm.s32 $0x600;
	s29 =	sadd.s32 s3, s0;
	s0 =	sadd.s32 s5, s0  }
0x22c: {  	[tilespmem:s26], [sflag:$0x1] =	stream.linear.gather [hbm4b:s29+s1], $0x80, $0x38;
	[tilespmem:$0x10200] =	vst v63  }
0x22d: {  	s6 =	sand.u32 $0x1FFFFFF0, s31;
	s30 =	simm.s32 $0x8600;
	s31 =	spop (v2sf)  }
0x22e: {  	(v2sf) =	vpush v0, $0xE;
	[tilespmem:s30], [sflag:$0x2] =	stream.linear.gather [hbm4b:s0+s1], $0x80, $0x38;
	[tilespmem:$0x10200] =	vst v63  }
0x22f: {  	s26 =	simm.s32 $0x680;
	s29 =	sadd.s32 s3, s6;
	s6 =	sadd.s32 s5, s6  }
0x230: {  	[tilespmem:s26], [sflag:$0x1] =	stream.linear.gather [hbm4b:s29+s1], $0x80, $0x38;
	[tilespmem:$0x10200] =	vst v63  }
0x231: {  	s0 =	sand.u32 $0x1FFFFFF0, s31;
	s30 =	simm.s32 $0x8680;
	s31 =	spop (v2sf)  }
0x232: {  	(v2sf) =	vpush v0, $0xF;
	[tilespmem:s30], [sflag:$0x2] =	stream.linear.gather [hbm4b:s6+s1], $0x80, $0x38;
	[tilespmem:$0x10200] =	vst v63  }
0x233: {  	s26 =	simm.s32 $0x700;
	s29 =	sadd.s32 s3, s0;
	s0 =	sadd.s32 s5, s0  }
0x234: {  	[tilespmem:s26], [sflag:$0x1] =	stream.linear.gather [hbm4b:s29+s1], $0x80, $0x38;
	[tilespmem:$0x10200] =	vst v63  }
0x235: {  	s6 =	sand.u32 $0x1FFFFFF0, s31;
	s30 =	simm.s32 $0x8700;
	s31 =	spop (v2sf)  }
0x236: {  	[tilespmem:s30], [sflag:$0x2] =	stream.linear.gather [hbm4b:s0+s1], $0x80, $0x38;
	[tilespmem:$0x10200] =	vst v63  }
0x237: {  	s26 =	simm.s32 $0x780;
	s29 =	sadd.s32 s3, s6;
	s6 =	sadd.s32 s5, s6  }
0x238: {  	[tilespmem:s26], [sflag:$0x1] =	stream.linear.gather [hbm4b:s29+s1], $0x80, $0x38;
	[tilespmem:$0x10200] =	vst v63  }
0x239: {  	s0 =	sand.u32 $0x1FFFFFF0, s31;
	s30 =	simm.s32 $0x8780;
	s31 =	spop (v2sf)  }
0x23a: {  	[tilespmem:s30], [sflag:$0x2] =	stream.linear.gather [hbm4b:s6+s1], $0x80, $0x38;
	[tilespmem:$0x10200] =	vst v63  }
0x23b: {  	s26 =	simm.s32 $0x800;
	s29 =	sadd.s32 s3, s0;
	s0 =	sadd.s32 s5, s0  }
0x23c: {  	[tilespmem:s26], [sflag:$0x1] =	stream.linear.gather [hbm4b:s29+s1], $0x80, $0x38;
	[tilespmem:$0x10200] =	vst v63  }
0x23d: {  	s6 =	sand.u32 $0x1FFFFFF0, s31;
	s30 =	simm.s32 $0x8800;
	s31 =	spop (v2sf)  }
0x23e: {  	[tilespmem:s30], [sflag:$0x2] =	stream.linear.gather [hbm4b:s0+s1], $0x80, $0x38;
	[tilespmem:$0x10200] =	vst v63  }
0x23f: {  	s26 =	simm.s32 $0x880;
	s29 =	sadd.s32 s3, s6;
	s6 =	sadd.s32 s5, s6  }
0x240: {  	[tilespmem:s26], [sflag:$0x1] =	stream.linear.gather [hbm4b:s29+s1], $0x80, $0x38;
	[tilespmem:$0x10200] =	vst v63  }
0x241: {  	s0 =	sand.u32 $0x1FFFFFF0, s31;
	s30 =	simm.s32 $0x8880;
	s31 =	spop (v2sf)  }
0x242: {  	[tilespmem:s30], [sflag:$0x2] =	stream.linear.gather [hbm4b:s6+s1], $0x80, $0x38;
	[tilespmem:$0x10200] =	vst v63  }
0x243: {  	s26 =	sadd.s32 s3, s0;
	s29 =	simm.s32 $0x8900;
	s6 =	sand.u32 $0x1FFFFFF0, s31  }
0x244: {  	[tilespmem:s25], [sflag:$0x1] =	stream.linear.gather [hbm4b:s26+s1], $0x80, $0x38;
	[tilespmem:$0x10200] =	vst v63  }
0x245: {  	s0 =	sadd.s32 s5, s0;
	s30 =	simm.s32 $0x980;
	s31 =	sadd.s32 s3, s6  }
0x246: {  	[tilespmem:s29], [sflag:$0x2] =	stream.linear.gather [hbm4b:s0+s1], $0x80, $0x38;
	[tilespmem:$0x10200] =	vst v63  }
0x247: {  	s28 =	sadd.s32 s5, s6;
	s26 =	simm.s32 $0x8980;
	s25 =	simm.s32 $0x10  }
0x248: {  	[tilespmem:s30], [sflag:$0x1] =	stream.linear.gather [hbm4b:s31+s1], $0x80, $0x38;
	[tilespmem:$0x10200] =	vst v63  }
.LBB2_8:
0x249: {  	s0 =	sand.u32 $0xF0, s25  }
0x24a: {  	p0 =	sne.s32 s24, $0x1E000;
	s6 =	smov.u32 s24;
	s24 =	sadd.s32 $0x2000, s24  }
0x24b: {  	[tilespmem:s26], [sflag:$0x2] =	stream.linear.gather [hbm4b:s28+s1], $0x80, $0x38;
	[tilespmem:$0x10200] =	vst v63  }
0x24c: {  	v0 =	vld [tilespmem:s0+$0x100];
	_ =	sdelay $0x4  }
0x24d: {  	v0 =	vshll.u32 v0, $0x4  }
0x24e: {  	(v2sf) =	vpush v0, $0x0  }
0x24f: {  	(v2sf) =	vpush v0, $0x1  }
0x250: {  	(v2sf) =	vpush v0, $0x2;
	_ =	sdelay $0x2  }
0x251: {  	(v2sf) =	vpush v0, $0x3;
	_ =	sdelay $0x3  }
0x252: {  	(v2sf) =	vpush v0, $0x4;
	_ =	sdelay $0x3  }
0x253: {  	(v2sf) =	vpush v0, $0x5;
	_ =	sdelay $0x1  }
0x254: {  	s0 =	spop (v2sf)  }
0x255: {  	s26 =	sshra.s32 s6, $0x2;
	s0 =	sand.u32 $0x1FFFFFF0, s0;
	s6 =	spop (v2sf)  }
0x256: {  	s29 =	sadd.s32 $0x8200, s26;
	s28 =	sadd.s32 s3, s0;
	s30 =	spop (v2sf);
	(v2sf) =	vpush v0, $0x6  }
0x257: {  	s31 =	sadd.s32 $0x200, s26;
	s6 =	sand.u32 $0x1FFFFFF0, s6;
	s30 =	sand.u32 $0x1FFFFFF0, s30  }
0x258: {  	[tilespmem:s31], [sflag:$0x1] =	stream.linear.gather [hbm4b:s28+s1], $0x80, $0x38;
	[tilespmem:$0x10200] =	vst v63  }
0x259: {  	s0 =	sadd.s32 s5, s0;
	s28 =	sadd.s32 $0x280, s26;
	s31 =	spop (v2sf)  }
0x25a: {  	[tilespmem:s29], [sflag:$0x2] =	stream.linear.gather [hbm4b:s0+s1], $0x80, $0x38;
	(v2sf) =	vpush v0, $0x7;
	[tilespmem:$0x10200] =	vst v63  }
0x25b: {  	s0 =	sadd.s32 s3, s6;
	s29 =	sadd.s32 $0x8280, s26;
	s31 =	sand.u32 $0x1FFFFFF0, s31  }
0x25c: {  	[tilespmem:s28], [sflag:$0x1] =	stream.linear.gather [hbm4b:s0+s1], $0x80, $0x38;
	[tilespmem:$0x10200] =	vst v63  }
0x25d: {  	s0 =	sadd.s32 s5, s6;
	s6 =	sadd.s32 $0x300, s26;
	s28 =	spop (v2sf)  }
0x25e: {  	[tilespmem:s29], [sflag:$0x2] =	stream.linear.gather [hbm4b:s0+s1], $0x80, $0x38;
	[tilespmem:$0x10200] =	vst v63  }
0x25f: {  	s0 =	sadd.s32 s3, s30;
	s29 =	sadd.s32 $0x8300, s26;
	s28 =	sand.u32 $0x1FFFFFF0, s28  }
0x260: {  	[tilespmem:s6], [sflag:$0x1] =	stream.linear.gather [hbm4b:s0+s1], $0x80, $0x38;
	(v2sf) =	vpush v0, $0x8;
	[tilespmem:$0x10200] =	vst v63  }
0x261: {  	s0 =	sadd.s32 s5, s30;
	s6 =	sadd.s32 $0x380, s26;
	s30 =	spop (v2sf)  }
0x262: {  	[tilespmem:s29], [sflag:$0x2] =	stream.linear.gather [hbm4b:s0+s1], $0x80, $0x38;
	[tilespmem:$0x10200] =	vst v63  }
0x263: {  	s0 =	sadd.s32 s3, s31;
	s29 =	sadd.s32 $0x8380, s26;
	s30 =	sand.u32 $0x1FFFFFF0, s30  }
0x264: {  	[tilespmem:s6], [sflag:$0x1] =	stream.linear.gather [hbm4b:s0+s1], $0x80, $0x38;
	(v2sf) =	vpush v0, $0x9;
	[tilespmem:$0x10200] =	vst v63  }
0x265: {  	s0 =	sadd.s32 s5, s31;
	s6 =	sadd.s32 $0x400, s26;
	s31 =	spop (v2sf)  }
0x266: {  	[tilespmem:s29], [sflag:$0x2] =	stream.linear.gather [hbm4b:s0+s1], $0x80, $0x38;
	[tilespmem:$0x10200] =	vst v63  }
0x267: {  	s0 =	sadd.s32 s3, s28;
	s29 =	sadd.s32 $0x8400, s26;
	s31 =	sand.u32 $0x1FFFFFF0, s31  }
0x268: {  	[tilespmem:s6], [sflag:$0x1] =	stream.linear.gather [hbm4b:s0+s1], $0x80, $0x38;
	(v2sf) =	vpush v0, $0xA;
	[tilespmem:$0x10200] =	vst v63  }
0x269: {  	s0 =	sadd.s32 s5, s28;
	s6 =	sadd.s32 $0x480, s26;
	s28 =	spop (v2sf)  }
0x26a: {  	[tilespmem:s29], [sflag:$0x2] =	stream.linear.gather [hbm4b:s0+s1], $0x80, $0x38;
	[tilespmem:$0x10200] =	vst v63  }
0x26b: {  	s0 =	sadd.s32 s3, s30;
	s29 =	sadd.s32 $0x8480, s26;
	s28 =	sand.u32 $0x1FFFFFF0, s28  }
0x26c: {  	[tilespmem:s6], [sflag:$0x1] =	stream.linear.gather [hbm4b:s0+s1], $0x80, $0x38;
	(v2sf) =	vpush v0, $0xB;
	[tilespmem:$0x10200] =	vst v63  }
0x26d: {  	s0 =	sadd.s32 s5, s30;
	s6 =	sadd.s32 $0x500, s26;
	s30 =	sadd.s32 s3, s31  }
0x26e: {  	[tilespmem:s29], [sflag:$0x2] =	stream.linear.gather [hbm4b:s0+s1], $0x80, $0x38;
	[tilespmem:$0x10200] =	vst v63  }
0x26f: {  	s0 =	sadd.s32 $0x8500, s26;
	s29 =	sadd.s32 s5, s31;
	s31 =	spop (v2sf)  }
0x270: {  	[tilespmem:s6], [sflag:$0x1] =	stream.linear.gather [hbm4b:s30+s1], $0x80, $0x38;
	(v2sf) =	vpush v0, $0xC;
	[tilespmem:$0x10200] =	vst v63  }
0x271: {  	s6 =	sadd.s32 $0x580, s26;
	s30 =	sadd.s32 s3, s28;
	s31 =	sand.u32 $0x1FFFFFF0, s31  }
0x272: {  	[tilespmem:s0], [sflag:$0x2] =	stream.linear.gather [hbm4b:s29+s1], $0x80, $0x38;
	[tilespmem:$0x10200] =	vst v63  }
0x273: {  	s28 =	sadd.s32 s5, s28;
	s0 =	sadd.s32 $0x8580, s26;
	s29 =	spop (v2sf)  }
0x274: {  	[tilespmem:s6], [sflag:$0x1] =	stream.linear.gather [hbm4b:s30+s1], $0x80, $0x38;
	(v2sf) =	vpush v0, $0xD;
	[tilespmem:$0x10200] =	vst v63  }
0x275: {  	s6 =	sadd.s32 $0x600, s26;
	s30 =	sadd.s32 s3, s31;
	s29 =	sand.u32 $0x1FFFFFF0, s29  }
0x276: {  	[tilespmem:s0], [sflag:$0x2] =	stream.linear.gather [hbm4b:s28+s1], $0x80, $0x38;
	[tilespmem:$0x10200] =	vst v63  }
0x277: {  	s0 =	sadd.s32 $0x8600, s26;
	s28 =	sadd.s32 s5, s31;
	s31 =	spop (v2sf)  }
0x278: {  	[tilespmem:s6], [sflag:$0x1] =	stream.linear.gather [hbm4b:s30+s1], $0x80, $0x38;
	(v2sf) =	vpush v0, $0xE;
	[tilespmem:$0x10200] =	vst v63  }
0x279: {  	s6 =	sadd.s32 $0x680, s26;
	s30 =	sadd.s32 s3, s29;
	s31 =	sand.u32 $0x1FFFFFF0, s31  }
0x27a: {  	[tilespmem:s0], [sflag:$0x2] =	stream.linear.gather [hbm4b:s28+s1], $0x80, $0x38;
	[tilespmem:$0x10200] =	vst v63  }
0x27b: {  	s0 =	sadd.s32 $0x8680, s26;
	s28 =	sadd.s32 s5, s29;
	s29 =	spop (v2sf)  }
0x27c: {  	[tilespmem:s6], [sflag:$0x1] =	stream.linear.gather [hbm4b:s30+s1], $0x80, $0x38;
	(v2sf) =	vpush v0, $0xF;
	[tilespmem:$0x10200] =	vst v63  }
0x27d: {  	s6 =	sadd.s32 $0x700, s26;
	s30 =	sadd.s32 s3, s31;
	s29 =	sand.u32 $0x1FFFFFF0, s29  }
0x27e: {  	[tilespmem:s0], [sflag:$0x2] =	stream.linear.gather [hbm4b:s28+s1], $0x80, $0x38;
	[tilespmem:$0x10200] =	vst v63  }
0x27f: {  	s0 =	sadd.s32 $0x8700, s26;
	s28 =	sadd.s32 s5, s31;
	s31 =	spop (v2sf)  }
0x280: {  	[tilespmem:s6], [sflag:$0x1] =	stream.linear.gather [hbm4b:s30+s1], $0x80, $0x38;
	[tilespmem:$0x10200] =	vst v63  }
0x281: {  	s6 =	sadd.s32 $0x780, s26;
	s30 =	sadd.s32 s3, s29;
	s31 =	sand.u32 $0x1FFFFFF0, s31  }
0x282: {  	[tilespmem:s0], [sflag:$0x2] =	stream.linear.gather [hbm4b:s28+s1], $0x80, $0x38;
	[tilespmem:$0x10200] =	vst v63  }
0x283: {  	s0 =	sadd.s32 $0x8780, s26;
	s28 =	sadd.s32 s5, s29;
	s29 =	spop (v2sf)  }
0x284: {  	[tilespmem:s6], [sflag:$0x1] =	stream.linear.gather [hbm4b:s30+s1], $0x80, $0x38;
	[tilespmem:$0x10200] =	vst v63  }
0x285: {  	s6 =	sadd.s32 $0x800, s26;
	s30 =	sadd.s32 s3, s31;
	s29 =	sand.u32 $0x1FFFFFF0, s29  }
0x286: {  	[tilespmem:s0], [sflag:$0x2] =	stream.linear.gather [hbm4b:s28+s1], $0x80, $0x38;
	[tilespmem:$0x10200] =	vst v63  }
0x287: {  	s0 =	sadd.s32 $0x8800, s26;
	s28 =	sadd.s32 s5, s31;
	s31 =	spop (v2sf)  }
0x288: {  	[tilespmem:s6], [sflag:$0x1] =	stream.linear.gather [hbm4b:s30+s1], $0x80, $0x38;
	[tilespmem:$0x10200] =	vst v63  }
0x289: {  	s6 =	sadd.s32 $0x880, s26;
	s30 =	sadd.s32 s3, s29;
	s31 =	sand.u32 $0x1FFFFFF0, s31  }
0x28a: {  	[tilespmem:s0], [sflag:$0x2] =	stream.linear.gather [hbm4b:s28+s1], $0x80, $0x38;
	[tilespmem:$0x10200] =	vst v63  }
0x28b: {  	s0 =	sadd.s32 $0x8880, s26;
	s28 =	sadd.s32 s5, s29;
	s29 =	spop (v2sf)  }
0x28c: {  	[tilespmem:s6], [sflag:$0x1] =	stream.linear.gather [hbm4b:s30+s1], $0x80, $0x38;
	[tilespmem:$0x10200] =	vst v63  }
0x28d: {  	s6 =	sadd.s32 $0x900, s26;
	s30 =	sadd.s32 s3, s31;
	s29 =	sand.u32 $0x1FFFFFF0, s29  }
0x28e: {  	[tilespmem:s0], [sflag:$0x2] =	stream.linear.gather [hbm4b:s28+s1], $0x80, $0x38;
	[tilespmem:$0x10200] =	vst v63  }
0x28f: {  	s0 =	sadd.s32 $0x8900, s26;
	s28 =	sadd.s32 s5, s31  }
0x290: {  	[tilespmem:s6], [sflag:$0x1] =	stream.linear.gather [hbm4b:s30+s1], $0x80, $0x38;
	[tilespmem:$0x10200] =	vst v63  }
.Ltmp3:
0x291: {  	_ = 	snop;
	(pc) =	sbr.rel @p0 .LBB2_8-.Ltmp3, $4  }
0x292: {  	s6 =	sadd.s32 $0x980, s26;
	s30 =	sadd.s32 s3, s29  }
0x293: {  	[tilespmem:s0], [sflag:$0x2] =	stream.linear.gather [hbm4b:s28+s1], $0x80, $0x38;
	[tilespmem:$0x10200] =	vst v63  }
0x294: {  	s25 =	sadd.s32 $0x10, s25;
	s26 =	sadd.s32 $0x8980, s26;
	s28 =	sadd.s32 s5, s29  }
0x295: {  	[tilespmem:s6], [sflag:$0x1] =	stream.linear.gather [hbm4b:s30+s1], $0x80, $0x38;
	[tilespmem:$0x10200] =	vst v63  }
0x296: {  	[tilespmem:s26], [sflag:$0x2] =	stream.linear.gather [hbm4b:s28+s1], $0x80, $0x38;
	[tilespmem:$0x10200] =	vst v63  }
0x297: {  	_ =	swait.ge [sflag:s19], $0x8000  }
0x298: {  	[sflag:s19] =	ssyncset.done $0x0  }
0x299: {  	[sflag:s19] =	ssyncadd.s32 $0xFFFF8000  }
0x29a: {  	_ =	swait.ge [sflag:s20], $0x8000  }
0x29b: {  	[sflag:s20] =	ssyncset.done $0x0  }
0x29c: {  	[sflag:s20] =	ssyncadd.s32 $0xFFFF8000  }
0x29d: {  	[hbm4b:s15+s1] =	stream.linear.scatter [tilespmem:s21], [sflag:$0x3], $0x8000, $0x38;
	[tilespmem:$0x10200] =	vst v63  }
0x29e: {  	s23 =	sadd.s32 $0x1, s23;
	_ =	swait.ge [sflag:s18], $0x8000  }
0x29f: {  	p0 =	sne.s32 s23, s17;
	[sflag:s18] =	ssyncset.done $0x0  }
.Ltmp4:
0x2a0: {  	[sflag:s18] =	ssyncadd.s32 $0xFFFF8000;
	(pc) =	sbr.rel @p0 .LBB2_1-.Ltmp4, $4  }
0x2a1: {  	[hbm4b:s16+s1] =	stream.linear.scatter [tilespmem:s22], [sflag:$0x3], $0x8000, $0x38;
	[tilespmem:$0x10200] =	vst v63  }
0x2a2: {  	_ =	swait.ge [sflag:s18], $0x8000  }
0x2a3: {  	[sflag:s18] =	ssyncset.done $0x0  }
0x2a4: {  	[sflag:s18] =	ssyncadd.s32 $0xFFFF8000  }
0x2a5: {  	_ =	sfence.sel $0x180000  }
0x2a6: {  	[bflag:$0x0] =	sbarrier.arrive $0xFFFF  }
0x2a7: {  	_ =	strace $0x90000047  }
0x2a8: {  	s0 =	stileid.u32;
	[bflag:$0x2] =	sbarrier.arrive $0xFFFF  }
0x2a9: {  	p0 =	sne.s32 s0, $0x0;
	s0 =	rddreg [dreg:$0x3]  }
0x2aa: {  	s0 =	sadd.s32 @!p0 $0x100000, s0  }
0x2ab: {  	[sflag:s0] =	ssyncadd.tile.s32 @!p0 $0x1;
	_ =	shalt  }
.Lfunc_end2:
_tile_overlayer_lowered:
.L_overlay_start_2:
0x2ac: {  	(tag) =	ssettag $0x2  }
0x2ad: {  	s0 =	rddreg [dreg:$0x0];
	s2 =	stileid.u32  }
0x2ae: {  	s1 =	rddreg [dreg:$0x1];
	p0 =	sne.s32 s2, $0x0  }
0x2af: {  	s3 =	rddreg [dreg:$0x2];
	[bflag:$0x3] =	sbarrier.arrive $0xFFFF;
	s2 =	simm.s32 @!p0 $0x1C03  }
0x2b0: {  	[timem:s3], [sflag:s2] =	dma.local @!p0 [hbm:s0], s1  }
0x2b1: {  	s0 =	simm.s32 @!p0 $0x3  }
0x2b2: {  	_ =	swait.ge @!p0 [sflag:s0], s1  }
0x2b3: {  	s1 =	ssub.s32 @!p0 $0x0, s1;
	[sflag:s0] =	ssyncset.done @!p0 $0x0  }
0x2b4: {  	[sflag:s0] =	ssyncadd.s32 @!p0 s1  }
0x2b5: {  	[bflag:$0x3] =	sbarrier.arrive $0xFFFF  }
0x2b6: {  	_ =	shalt  }

</sc_bundles>
